<compile_context>
chip_gen: v7x
topology: tpu7x:2x2x1
jax: 0.10.2.dev20260603
libtpu: 0.0.44.dev20260713+nightly
codegen_flags: <defaults>
</compile_context>

<pallas_src>
import functools

import jax
import jax.numpy as jnp
from jax import lax
from jax.experimental import pallas as pl
from jax.experimental.pallas import tpu as pltpu
from jax.experimental.pallas import tpu_sc as plsc

N = 10000
E = 320000
D = 128
G = 8

NC = 2
NS = 16
NW = NC * NS
C = 125
CHUNKS = E // C
CPW = CHUNKS // NW
SUP = 8
NSUP = CPW // SUP
RPT = N // NS
ZR = 125

_mesh = plsc.VectorSubcoreMesh(core_axis_name="c", subcore_axis_name="s")


@functools.partial(
    pl.kernel,
    mesh=_mesh,
    out_type=jax.ShapeDtypeStruct((NC, N, D), jnp.float32),
    scratch_types=[
        pltpu.VMEM((SUP, C), jnp.int32),
        pltpu.VMEM((SUP, C), jnp.int32),
        pltpu.VMEM((2, C, D), jnp.float32),
        pltpu.VMEM_SHARED((N, D), jnp.float32),
        pltpu.SemaphoreType.DMA,
        pltpu.SemaphoreType.DMA,
    ],
)
def _segsum_sc(y_hbm, src_hbm, dst_hbm, out_hbm,
               sidx, didx, rows, acc, sem0, sem1):
    c = lax.axis_index("c")
    s = lax.axis_index("s")
    wid = s * NC + c

    def _fill_zero(i, carry):
        r = i // 8
        q = (i % 8) * 16
        rows[0, r, pl.ds(q, 16)] = jnp.zeros((16,), jnp.float32)
        return carry

    lax.fori_loop(0, ZR * 8, _fill_zero, 0)
    for k in range(RPT // ZR):
        pltpu.sync_copy(rows.at[0], acc.at[pl.ds(s * RPT + k * ZR, ZR)])
    plsc.subcore_barrier()

    sems = [sem0, sem1]

    def _superchunk(g, carry):
        row0 = wid * CPW + g * SUP
        pltpu.sync_copy(src_hbm.at[pl.ds(row0, SUP)], sidx)
        pltpu.sync_copy(dst_hbm.at[pl.ds(row0, SUP)], didx)
        handles = [None, None]
        handles[0] = pltpu.async_copy(y_hbm.at[sidx.at[0]], rows.at[0],
                                      sems[0])
        for j in range(SUP):
            b = j % 2
            handles[b].wait()
            if j + 1 < SUP:
                nb = (j + 1) % 2
                handles[nb] = pltpu.async_copy(
                    y_hbm.at[sidx.at[j + 1]], rows.at[nb], sems[nb])
            pltpu.sync_copy(rows.at[b], acc.at[didx.at[j]], add=True)
        return carry

    lax.fori_loop(0, NSUP, _superchunk, 0)

    plsc.subcore_barrier()
    off = pl.multiple_of(s * 632, 8)

    @pl.when(s < NS - 1)
    def _drain_main():
        pltpu.sync_copy(acc.at[pl.ds(off, 632)],
                        out_hbm.at[c, pl.ds(off, 632)])

    @pl.when(s == NS - 1)
    def _drain_tail():
        pltpu.sync_copy(acc.at[pl.ds(off, 520)],
                        out_hbm.at[c, pl.ds(off, 520)])


def _segment_sum(y, src2, dst2):
    return _segsum_sc(y, src2, dst2)


BM = 1000
NB = N // BM


def _mm_body(x_ref, w_ref, o_ref):
    o_ref[...] = jnp.dot(x_ref[...], w_ref[...],
                         preferred_element_type=jnp.float32,
                         precision="highest")


def _matmul(x, w):
    return pl.pallas_call(
        _mm_body,
        grid=(NB,),
        in_specs=[pl.BlockSpec((BM, D), lambda i: (i, 0)),
                  pl.BlockSpec((D, D), lambda i: (0, 0))],
        out_specs=pl.BlockSpec((BM, D), lambda i: (i, 0)),
        out_shape=jax.ShapeDtypeStruct((N, D), jnp.float32),
    )(x, w)


def _fuse1_body(x_ref, m0_ref, m1_ref, wr_ref, b_ref, wn2_ref,
                h_ref, y_ref):
    m = m0_ref[...] + m1_ref[...]
    h = jnp.dot(x_ref[...], wr_ref[...],
                preferred_element_type=jnp.float32, precision="highest")
    h = jnp.maximum(h + m + b_ref[...], 0.0)
    h_ref[...] = h
    y_ref[...] = jnp.dot(h, wn2_ref[...],
                         preferred_element_type=jnp.float32,
                         precision="highest")


def _fuse1(x, m0, m1, w_root, b, w_rel2):
    return pl.pallas_call(
        _fuse1_body,
        grid=(NB,),
        in_specs=[pl.BlockSpec((BM, D), lambda i: (i, 0)),
                  pl.BlockSpec((BM, D), lambda i: (i, 0)),
                  pl.BlockSpec((BM, D), lambda i: (i, 0)),
                  pl.BlockSpec((D, D), lambda i: (0, 0)),
                  pl.BlockSpec((1, D), lambda i: (0, 0)),
                  pl.BlockSpec((D, D), lambda i: (0, 0))],
        out_specs=[pl.BlockSpec((BM, D), lambda i: (i, 0)),
                   pl.BlockSpec((BM, D), lambda i: (i, 0))],
        out_shape=[jax.ShapeDtypeStruct((N, D), jnp.float32),
                   jax.ShapeDtypeStruct((N, D), jnp.float32)],
    )(x, m0, m1, w_root, b, w_rel2)


def _fuse2_body(h_ref, m0_ref, m1_ref, wr_ref, b_ref, bat_ref, o_ref):
    i = pl.program_id(0)
    h2 = jnp.dot(h_ref[...], wr_ref[...],
                 preferred_element_type=jnp.float32, precision="highest")
    h2 = h2 + m0_ref[...] + m1_ref[...] + b_ref[...]
    bat = bat_ref[...]
    neg = jnp.float32(-jnp.inf)
    parts = []
    for g in range(G):
        mg = jnp.where(bat == g, h2, neg)
        parts.append(jnp.max(mg, axis=0, keepdims=True))
    blk = jnp.concatenate(parts, axis=0)

    @pl.when(i == 0)
    def _():
        o_ref[...] = jnp.full((G, D), neg, jnp.float32)

    o_ref[...] = jnp.maximum(o_ref[...], blk)


def _fuse2(h1, m0, m1, w_root, b, bat2d):
    return pl.pallas_call(
        _fuse2_body,
        grid=(NB,),
        in_specs=[pl.BlockSpec((BM, D), lambda i: (i, 0)),
                  pl.BlockSpec((BM, D), lambda i: (i, 0)),
                  pl.BlockSpec((BM, D), lambda i: (i, 0)),
                  pl.BlockSpec((D, D), lambda i: (0, 0)),
                  pl.BlockSpec((1, D), lambda i: (0, 0)),
                  pl.BlockSpec((BM, 1), lambda i: (i, 0))],
        out_specs=pl.BlockSpec((G, D), lambda i: (0, 0)),
        out_shape=jax.ShapeDtypeStruct((G, D), jnp.float32),
    )(h1, m0, m1, w_root, b, bat2d)


def kernel(x, edge_index, batch, W1_root, W1_rel, b1, W2_root, W2_rel, b2):
    src2 = edge_index[0].reshape(CHUNKS, C)
    dst2 = edge_index[1].reshape(CHUNKS, C)
    bat2d = batch.reshape(N, 1)
    b1r = b1.reshape(1, D)
    b2r = b2.reshape(1, D)

    y1 = _matmul(x, W1_rel)
    m1p = _segment_sum(y1, src2, dst2)
    h1, y2 = _fuse1(x, m1p[0], m1p[1], W1_root, b1r, W2_rel)
    m2p = _segment_sum(y2, src2, dst2)
    out = _fuse2(h1, m2p[0], m2p[1], W2_root, b2r, bat2d)
    return out

# --- scband reference (transcript-rebuilt; emitter-appended) ---
"""Pipeline reference for scband-graph-convolutional-network-69887707840880 (READ-ONLY COPY).

The authoritative reference and input builder live on the scoring server;
editing this copy changes nothing except your own understanding.
"""

import jax, jax.numpy as jnp
import numpy as np

N = 10000
E = 320000
D = 128
G = 8


def setup_inputs(seed: int = 0) -> dict:
    key = jax.random.key(seed)
    ks = jax.random.split(key, 10)
    x = jax.random.normal(ks[0], (N, D), dtype=jnp.float32)
    edge_index = jax.random.randint(ks[1], (2, E), 0, N, dtype=jnp.int32)
    batch = jnp.sort(jax.random.randint(ks[2], (N,), 0, G, dtype=jnp.int32))
    s = 1.0 / np.sqrt(D)
    W1_root = jax.random.normal(ks[3], (D, D), dtype=jnp.float32) * s
    W1_rel = jax.random.normal(ks[4], (D, D), dtype=jnp.float32) * s
    b1 = jnp.zeros((D,), dtype=jnp.float32)
    W2_root = jax.random.normal(ks[5], (D, D), dtype=jnp.float32) * s
    W2_rel = jax.random.normal(ks[6], (D, D), dtype=jnp.float32) * s
    b2 = jnp.zeros((D,), dtype=jnp.float32)
    return {"x": x, "edge_index": edge_index, "batch": batch,
            "W1_root": W1_root, "W1_rel": W1_rel, "b1": b1,
            "W2_root": W2_root, "W2_rel": W2_rel, "b2": b2}


def reference(x, edge_index, batch, W1_root, W1_rel, b1, W2_root, W2_rel, b2):
    # PyG GraphConv: x_i' = W_root x_i + W_rel * sum_{j in N(i)} x_j  (aggr='add')
    src = edge_index[0]
    dst = edge_index[1]

    def conv(h, Wr, Wn, b):
        msg = jax.ops.segment_sum(h[src], dst, num_segments=N)
        return h @ Wr + msg @ Wn + b

    h = conv(x, W1_root, W1_rel, b1)
    h = jax.nn.relu(h)
    # dropout p=0.0 -> identity
    h = conv(h, W2_root, W2_rel, b2)
    out = jax.ops.segment_max(h, batch, num_segments=G)
    return out

if __name__ == "__main__":
    import jax
    _d = setup_inputs()
    print(jax.jit(kernel)(*tuple(_d.values())))

</pallas_src>

<mosaic_0001>
#map = affine_map<(d0, d1) -> (0, 0)>
#map1 = affine_map<(d0, d1) -> (0, 0, 0)>
module attributes {stable_mosaic.version = 14 : i64} {
  func.func @_segsum_sc(%arg0: i32, %arg1: i32, %arg2: memref<10000x128xf32, #tpu.memory_space<hbm>>, %arg3: memref<2560x125xi32, #tpu.memory_space<hbm>>, %arg4: memref<2560x125xi32, #tpu.memory_space<hbm>>, %arg5: memref<2x10000x128xf32, #tpu.memory_space<hbm>>, %arg6: memref<8x125xi32, #tpu.memory_space<vmem>>, %arg7: memref<8x125xi32, #tpu.memory_space<vmem>>, %arg8: memref<2x125x128xf32, #tpu.memory_space<vmem>>, %arg9: memref<10000x128xf32, #tpu.memory_space<vmem_shared>>, %arg10: memref<!tpu.dma_semaphore, #tpu.memory_space<semaphore_mem>>, %arg11: memref<!tpu.dma_semaphore, #tpu.memory_space<semaphore_mem>>) attributes {dimension_semantics = [#tpu.dimension_semantics<core_parallel>, #tpu.dimension_semantics<subcore_parallel>], iteration_bounds = array<i64: 2, 16>, scalar_prefetch = 0 : i64, scratch_operands = 6 : i64, tpu.core_type = #tpu.core_type<sc_vector_subcore>, window_params = [{transform_indices = #map}, {transform_indices = #map}, {transform_indices = #map}, {transform_indices = #map1}]} {
    %mul3A = arith.constant 2 : i32
    %mul3A_0 = arith.muli %arg1, %mul3A : i32
    %add3A = arith.addi %mul3A_0, %arg0 : i32
    %scan3A = arith.constant 0 : i32
    %scan3A_1 = arith.constant 0 : i32
    %scan3A_2 = arith.constant 1000 : i32
    %scan3A_3 = arith.addi %scan3A_1, %scan3A_2 : i32
    %scan3A_4 = arith.constant 1 : i32
    scf.for %scan3A_45 = %scan3A_1 to %scan3A_3 step %scan3A_4  : i32 {
      %jit3A = arith.constant 8 : i32
      %div3A = arith.divsi %scan3A_45, %jit3A : i32
      %sign3A = arith.constant 0 : i32
      %sign3A_46 = arith.cmpi sgt, %scan3A_45, %sign3A : i32
      %sign3A_47 = arith.extui %sign3A_46 : i1 to i32
      %sign3A_48 = arith.constant 0 : i32
      %sign3A_49 = arith.cmpi slt, %scan3A_45, %sign3A_48 : i32
      %sign3A_50 = arith.extui %sign3A_49 : i1 to i32
      %sign3A_51 = arith.subi %sign3A_47, %sign3A_50 : i32
      %sign3A_52 = arith.constant 0 : i32
      %sign3A_53 = arith.cmpi sgt, %jit3A, %sign3A_52 : i32
      %sign3A_54 = arith.extui %sign3A_53 : i1 to i32
      %sign3A_55 = arith.constant 0 : i32
      %sign3A_56 = arith.cmpi slt, %jit3A, %sign3A_55 : i32
      %sign3A_57 = arith.extui %sign3A_56 : i1 to i32
      %sign3A_58 = arith.subi %sign3A_54, %sign3A_57 : i32
      %ne3A = arith.cmpi ne, %sign3A_51, %sign3A_58 : i32
      %rem3A = arith.remsi %scan3A_45, %jit3A : i32
      %ne3A_59 = arith.constant 0 : i32
      %ne3A_60 = arith.cmpi ne, %rem3A, %ne3A_59 : i32
      %and3A = arith.andi %ne3A, %ne3A_60 : i1
      %sub3A = arith.constant 1 : i32
      %sub3A_61 = arith.subi %div3A, %sub3A : i32
      %select_n3A = arith.select %and3A, %sub3A_61, %div3A : i32
      %jit3A_62 = arith.constant 8 : i32
      %eq3A_63 = arith.constant 0 : i32
      %eq3A_64 = arith.cmpi eq, %jit3A_62, %eq3A_63 : i32
      %jit3A_65 = arith.constant 1 : i32
      %select_n3A_66 = arith.select %eq3A_64, %jit3A_65, %jit3A_62 : i32
      %rem3A_67 = arith.remsi %scan3A_45, %select_n3A_66 : i32
      %ne3A_68 = arith.constant 0 : i32
      %ne3A_69 = arith.cmpi ne, %rem3A_67, %ne3A_68 : i32
      %lt3A_70 = arith.constant 0 : i32
      %lt3A_71 = arith.cmpi slt, %rem3A_67, %lt3A_70 : i32
      %lt3A_72 = arith.constant 0 : i32
      %lt3A_73 = arith.cmpi slt, %select_n3A_66, %lt3A_72 : i32
      %ne3A_74 = arith.xori %lt3A_71, %lt3A_73 : i1
      %and3A_75 = arith.andi %ne3A_74, %ne3A_69 : i1
      %add3A_76 = arith.addi %rem3A_67, %select_n3A_66 : i32
      %select_n3A_77 = arith.select %and3A_75, %add3A_76, %rem3A_67 : i32
      %mul3A_78 = arith.constant 16 : i32
      %mul3A_79 = arith.muli %select_n3A_77, %mul3A_78 : i32
      %broadcast_in_dim3A = arith.constant 0.000000e+00 : f32
      %broadcast_in_dim3A_80 = vector.broadcast %broadcast_in_dim3A : f32 to vector<16xf32>
      %swap3A = arith.constant 0 : i32
      %swap3A_81 = arith.index_cast %swap3A : i32 to index
      %swap3A_82 = arith.index_cast %select_n3A : i32 to index
      %swap3A_83 = arith.index_cast %mul3A_79 : i32 to index
      %swap3A_84 = tpu.vector_load %arg8[%swap3A_81, %swap3A_82, %swap3A_83] {strides = array<i32>} : memref<2x125x128xf32, #tpu.memory_space<vmem>>, vector<1x1x16xf32>,
      %swap3A_85 = vector.shape_cast %swap3A_84 : vector<1x1x16xf32> to vector<16xf32>
      %swap3A_86 = vector.shape_cast %broadcast_in_dim3A_80 : vector<16xf32> to vector<1x1x16xf32>
      tpu.vector_store %arg8[%swap3A_81, %swap3A_82, %swap3A_83], %swap3A_86 {strides = array<i32>} : memref<2x125x128xf32, #tpu.memory_space<vmem>>, vector<1x1x16xf32>,
    }
    %scan3A_5 = arith.constant 1000 : i32
    %mul3A_6 = arith.constant 625 : i32
    %mul3A_7 = arith.muli %arg1, %mul3A_6 : i32
    %add3A_8 = arith.constant 0 : i32
    %add3A_9 = arith.addi %mul3A_7, %add3A_8 : i32
    %run_scoped3A = arith.constant 0 : i32
    "tpu.region"() ({
      %run_scoped3A_45 = tpu.sem_alloc : memref<!tpu.dma_semaphore, #tpu.memory_space<semaphore_mem>>
      %dma_start3A = arith.constant 0 : i32
      %dma_start3A_46 = arith.constant 0 : i32
      %dma_start3A_47 = tpu.memref_slice %arg8[%run_scoped3A, %dma_start3A, %dma_start3A_46] : memref<2x125x128xf32, #tpu.memory_space<vmem>> -> memref<1x125x128xf32, #tpu.memory_space<vmem>>
      %dma_start3A_48 = tpu.memref_squeeze %dma_start3A_47 : memref<1x125x128xf32, #tpu.memory_space<vmem>> -> memref<125x128xf32, #tpu.memory_space<vmem>>
      %dma_start3A_49 = arith.constant 0 : i32
      %dma_start3A_50 = tpu.memref_slice %arg9[%add3A_9, %dma_start3A_49] : memref<10000x128xf32, #tpu.memory_space<vmem_shared>> -> memref<125x128xf32, #tpu.memory_space<vmem_shared>>
      %dma_start3A_51 = arith.constant 0 : i32
      %dma_start3A_52 = tpu.memref_slice %arg9[%add3A_9, %dma_start3A_51] : memref<10000x128xf32, #tpu.memory_space<vmem_shared>> -> memref<125x128xf32, #tpu.memory_space<vmem_shared>>
      %dma_start3A_53 = arith.constant 0 : i32
      %dma_start3A_54 = arith.constant 0 : i32
      %dma_start3A_55 = tpu.memref_slice %arg8[%run_scoped3A, %dma_start3A_53, %dma_start3A_54] : memref<2x125x128xf32, #tpu.memory_space<vmem>> -> memref<1x125x128xf32, #tpu.memory_space<vmem>>
      %dma_start3A_56 = tpu.memref_squeeze %dma_start3A_55 : memref<1x125x128xf32, #tpu.memory_space<vmem>> -> memref<125x128xf32, #tpu.memory_space<vmem>>
      tpu.enqueue_dma source(%dma_start3A_56 : memref<125x128xf32, #tpu.memory_space<vmem>>) target(%dma_start3A_52 : memref<125x128xf32, #tpu.memory_space<vmem_shared>>) target_semaphore(%run_scoped3A_45 : memref<!tpu.dma_semaphore, #tpu.memory_space<semaphore_mem>>)
      %dma_wait3A = arith.constant 0 : i32
      %dma_wait3A_57 = arith.constant 0 : i32
      %dma_wait3A_58 = tpu.memref_slice %arg8[%run_scoped3A, %dma_wait3A, %dma_wait3A_57] : memref<2x125x128xf32, #tpu.memory_space<vmem>> -> memref<1x125x128xf32, #tpu.memory_space<vmem>>
      %dma_wait3A_59 = tpu.memref_squeeze %dma_wait3A_58 : memref<1x125x128xf32, #tpu.memory_space<vmem>> -> memref<125x128xf32, #tpu.memory_space<vmem>>
      %dma_wait3A_60 = arith.constant 0 : i32
      %dma_wait3A_61 = tpu.memref_slice %arg9[%add3A_9, %dma_wait3A_60] : memref<10000x128xf32, #tpu.memory_space<vmem_shared>> -> memref<125x128xf32, #tpu.memory_space<vmem_shared>>
      %dma_wait3A_62 = arith.constant 0 : i32
      %dma_wait3A_63 = tpu.memref_slice %arg9[%add3A_9, %dma_wait3A_62] : memref<10000x128xf32, #tpu.memory_space<vmem_shared>> -> memref<125x128xf32, #tpu.memory_space<vmem_shared>>
      %dma_wait3A_64 = arith.constant 0 : i32
      %dma_wait3A_65 = arith.constant 0 : i32
      %dma_wait3A_66 = tpu.memref_slice %arg8[%run_scoped3A, %dma_wait3A_64, %dma_wait3A_65] : memref<2x125x128xf32, #tpu.memory_space<vmem>> -> memref<1x125x128xf32, #tpu.memory_space<vmem>>
      %dma_wait3A_67 = tpu.memref_squeeze %dma_wait3A_66 : memref<1x125x128xf32, #tpu.memory_space<vmem>> -> memref<125x128xf32, #tpu.memory_space<vmem>>
      tpu.wait_dma2 semaphore(%run_scoped3A_45 : memref<!tpu.dma_semaphore, #tpu.memory_space<semaphore_mem>>) src(%dma_wait3A_67 : memref<125x128xf32, #tpu.memory_space<vmem>>) dst(%dma_wait3A_63 : memref<125x128xf32, #tpu.memory_space<vmem_shared>>)
      tpu.yield
    }) : () -> ()
    %mul3A_10 = arith.constant 625 : i32
    %mul3A_11 = arith.muli %arg1, %mul3A_10 : i32
    %add3A_12 = arith.constant 125 : i32
    %add3A_13 = arith.addi %mul3A_11, %add3A_12 : i32
    %run_scoped3A_14 = arith.constant 0 : i32
    "tpu.region"() ({
      %run_scoped3A_45 = tpu.sem_alloc : memref<!tpu.dma_semaphore, #tpu.memory_space<semaphore_mem>>
      %dma_start3A = arith.constant 0 : i32
      %dma_start3A_46 = arith.constant 0 : i32
      %dma_start3A_47 = tpu.memref_slice %arg8[%run_scoped3A_14, %dma_start3A, %dma_start3A_46] : memref<2x125x128xf32, #tpu.memory_space<vmem>> -> memref<1x125x128xf32, #tpu.memory_space<vmem>>
      %dma_start3A_48 = tpu.memref_squeeze %dma_start3A_47 : memref<1x125x128xf32, #tpu.memory_space<vmem>> -> memref<125x128xf32, #tpu.memory_space<vmem>>
      %dma_start3A_49 = arith.constant 0 : i32
      %dma_start3A_50 = tpu.memref_slice %arg9[%add3A_13, %dma_start3A_49] : memref<10000x128xf32, #tpu.memory_space<vmem_shared>> -> memref<125x128xf32, #tpu.memory_space<vmem_shared>>
      %dma_start3A_51 = arith.constant 0 : i32
      %dma_start3A_52 = tpu.memref_slice %arg9[%add3A_13, %dma_start3A_51] : memref<10000x128xf32, #tpu.memory_space<vmem_shared>> -> memref<125x128xf32, #tpu.memory_space<vmem_shared>>
      %dma_start3A_53 = arith.constant 0 : i32
      %dma_start3A_54 = arith.constant 0 : i32
      %dma_start3A_55 = tpu.memref_slice %arg8[%run_scoped3A_14, %dma_start3A_53, %dma_start3A_54] : memref<2x125x128xf32, #tpu.memory_space<vmem>> -> memref<1x125x128xf32, #tpu.memory_space<vmem>>
      %dma_start3A_56 = tpu.memref_squeeze %dma_start3A_55 : memref<1x125x128xf32, #tpu.memory_space<vmem>> -> memref<125x128xf32, #tpu.memory_space<vmem>>
      tpu.enqueue_dma source(%dma_start3A_56 : memref<125x128xf32, #tpu.memory_space<vmem>>) target(%dma_start3A_52 : memref<125x128xf32, #tpu.memory_space<vmem_shared>>) target_semaphore(%run_scoped3A_45 : memref<!tpu.dma_semaphore, #tpu.memory_space<semaphore_mem>>)
      %dma_wait3A = arith.constant 0 : i32
      %dma_wait3A_57 = arith.constant 0 : i32
      %dma_wait3A_58 = tpu.memref_slice %arg8[%run_scoped3A_14, %dma_wait3A, %dma_wait3A_57] : memref<2x125x128xf32, #tpu.memory_space<vmem>> -> memref<1x125x128xf32, #tpu.memory_space<vmem>>
      %dma_wait3A_59 = tpu.memref_squeeze %dma_wait3A_58 : memref<1x125x128xf32, #tpu.memory_space<vmem>> -> memref<125x128xf32, #tpu.memory_space<vmem>>
      %dma_wait3A_60 = arith.constant 0 : i32
      %dma_wait3A_61 = tpu.memref_slice %arg9[%add3A_13, %dma_wait3A_60] : memref<10000x128xf32, #tpu.memory_space<vmem_shared>> -> memref<125x128xf32, #tpu.memory_space<vmem_shared>>
      %dma_wait3A_62 = arith.constant 0 : i32
      %dma_wait3A_63 = tpu.memref_slice %arg9[%add3A_13, %dma_wait3A_62] : memref<10000x128xf32, #tpu.memory_space<vmem_shared>> -> memref<125x128xf32, #tpu.memory_space<vmem_shared>>
      %dma_wait3A_64 = arith.constant 0 : i32
      %dma_wait3A_65 = arith.constant 0 : i32
      %dma_wait3A_66 = tpu.memref_slice %arg8[%run_scoped3A_14, %dma_wait3A_64, %dma_wait3A_65] : memref<2x125x128xf32, #tpu.memory_space<vmem>> -> memref<1x125x128xf32, #tpu.memory_space<vmem>>
      %dma_wait3A_67 = tpu.memref_squeeze %dma_wait3A_66 : memref<1x125x128xf32, #tpu.memory_space<vmem>> -> memref<125x128xf32, #tpu.memory_space<vmem>>
      tpu.wait_dma2 semaphore(%run_scoped3A_45 : memref<!tpu.dma_semaphore, #tpu.memory_space<semaphore_mem>>) src(%dma_wait3A_67 : memref<125x128xf32, #tpu.memory_space<vmem>>) dst(%dma_wait3A_63 : memref<125x128xf32, #tpu.memory_space<vmem_shared>>)
      tpu.yield
    }) : () -> ()
    %mul3A_15 = arith.constant 625 : i32
    %mul3A_16 = arith.muli %arg1, %mul3A_15 : i32
    %add3A_17 = arith.constant 250 : i32
    %add3A_18 = arith.addi %mul3A_16, %add3A_17 : i32
    %run_scoped3A_19 = arith.constant 0 : i32
    "tpu.region"() ({
      %run_scoped3A_45 = tpu.sem_alloc : memref<!tpu.dma_semaphore, #tpu.memory_space<semaphore_mem>>
      %dma_start3A = arith.constant 0 : i32
      %dma_start3A_46 = arith.constant 0 : i32
      %dma_start3A_47 = tpu.memref_slice %arg8[%run_scoped3A_19, %dma_start3A, %dma_start3A_46] : memref<2x125x128xf32, #tpu.memory_space<vmem>> -> memref<1x125x128xf32, #tpu.memory_space<vmem>>
      %dma_start3A_48 = tpu.memref_squeeze %dma_start3A_47 : memref<1x125x128xf32, #tpu.memory_space<vmem>> -> memref<125x128xf32, #tpu.memory_space<vmem>>
      %dma_start3A_49 = arith.constant 0 : i32
      %dma_start3A_50 = tpu.memref_slice %arg9[%add3A_18, %dma_start3A_49] : memref<10000x128xf32, #tpu.memory_space<vmem_shared>> -> memref<125x128xf32, #tpu.memory_space<vmem_shared>>
      %dma_start3A_51 = arith.constant 0 : i32
      %dma_start3A_52 = tpu.memref_slice %arg9[%add3A_18, %dma_start3A_51] : memref<10000x128xf32, #tpu.memory_space<vmem_shared>> -> memref<125x128xf32, #tpu.memory_space<vmem_shared>>
      %dma_start3A_53 = arith.constant 0 : i32
      %dma_start3A_54 = arith.constant 0 : i32
      %dma_start3A_55 = tpu.memref_slice %arg8[%run_scoped3A_19, %dma_start3A_53, %dma_start3A_54] : memref<2x125x128xf32, #tpu.memory_space<vmem>> -> memref<1x125x128xf32, #tpu.memory_space<vmem>>
      %dma_start3A_56 = tpu.memref_squeeze %dma_start3A_55 : memref<1x125x128xf32, #tpu.memory_space<vmem>> -> memref<125x128xf32, #tpu.memory_space<vmem>>
      tpu.enqueue_dma source(%dma_start3A_56 : memref<125x128xf32, #tpu.memory_space<vmem>>) target(%dma_start3A_52 : memref<125x128xf32, #tpu.memory_space<vmem_shared>>) target_semaphore(%run_scoped3A_45 : memref<!tpu.dma_semaphore, #tpu.memory_space<semaphore_mem>>)
      %dma_wait3A = arith.constant 0 : i32
      %dma_wait3A_57 = arith.constant 0 : i32
      %dma_wait3A_58 = tpu.memref_slice %arg8[%run_scoped3A_19, %dma_wait3A, %dma_wait3A_57] : memref<2x125x128xf32, #tpu.memory_space<vmem>> -> memref<1x125x128xf32, #tpu.memory_space<vmem>>
      %dma_wait3A_59 = tpu.memref_squeeze %dma_wait3A_58 : memref<1x125x128xf32, #tpu.memory_space<vmem>> -> memref<125x128xf32, #tpu.memory_space<vmem>>
      %dma_wait3A_60 = arith.constant 0 : i32
      %dma_wait3A_61 = tpu.memref_slice %arg9[%add3A_18, %dma_wait3A_60] : memref<10000x128xf32, #tpu.memory_space<vmem_shared>> -> memref<125x128xf32, #tpu.memory_space<vmem_shared>>
      %dma_wait3A_62 = arith.constant 0 : i32
      %dma_wait3A_63 = tpu.memref_slice %arg9[%add3A_18, %dma_wait3A_62] : memref<10000x128xf32, #tpu.memory_space<vmem_shared>> -> memref<125x128xf32, #tpu.memory_space<vmem_shared>>
      %dma_wait3A_64 = arith.constant 0 : i32
      %dma_wait3A_65 = arith.constant 0 : i32
      %dma_wait3A_66 = tpu.memref_slice %arg8[%run_scoped3A_19, %dma_wait3A_64, %dma_wait3A_65] : memref<2x125x128xf32, #tpu.memory_space<vmem>> -> memref<1x125x128xf32, #tpu.memory_space<vmem>>
      %dma_wait3A_67 = tpu.memref_squeeze %dma_wait3A_66 : memref<1x125x128xf32, #tpu.memory_space<vmem>> -> memref<125x128xf32, #tpu.memory_space<vmem>>
      tpu.wait_dma2 semaphore(%run_scoped3A_45 : memref<!tpu.dma_semaphore, #tpu.memory_space<semaphore_mem>>) src(%dma_wait3A_67 : memref<125x128xf32, #tpu.memory_space<vmem>>) dst(%dma_wait3A_63 : memref<125x128xf32, #tpu.memory_space<vmem_shared>>)
      tpu.yield
    }) : () -> ()
    %mul3A_20 = arith.constant 625 : i32
    %mul3A_21 = arith.muli %arg1, %mul3A_20 : i32
    %add3A_22 = arith.constant 375 : i32
    %add3A_23 = arith.addi %mul3A_21, %add3A_22 : i32
    %run_scoped3A_24 = arith.constant 0 : i32
    "tpu.region"() ({
      %run_scoped3A_45 = tpu.sem_alloc : memref<!tpu.dma_semaphore, #tpu.memory_space<semaphore_mem>>
      %dma_start3A = arith.constant 0 : i32
      %dma_start3A_46 = arith.constant 0 : i32
      %dma_start3A_47 = tpu.memref_slice %arg8[%run_scoped3A_24, %dma_start3A, %dma_start3A_46] : memref<2x125x128xf32, #tpu.memory_space<vmem>> -> memref<1x125x128xf32, #tpu.memory_space<vmem>>
      %dma_start3A_48 = tpu.memref_squeeze %dma_start3A_47 : memref<1x125x128xf32, #tpu.memory_space<vmem>> -> memref<125x128xf32, #tpu.memory_space<vmem>>
      %dma_start3A_49 = arith.constant 0 : i32
      %dma_start3A_50 = tpu.memref_slice %arg9[%add3A_23, %dma_start3A_49] : memref<10000x128xf32, #tpu.memory_space<vmem_shared>> -> memref<125x128xf32, #tpu.memory_space<vmem_shared>>
      %dma_start3A_51 = arith.constant 0 : i32
      %dma_start3A_52 = tpu.memref_slice %arg9[%add3A_23, %dma_start3A_51] : memref<10000x128xf32, #tpu.memory_space<vmem_shared>> -> memref<125x128xf32, #tpu.memory_space<vmem_shared>>
      %dma_start3A_53 = arith.constant 0 : i32
      %dma_start3A_54 = arith.constant 0 : i32
      %dma_start3A_55 = tpu.memref_slice %arg8[%run_scoped3A_24, %dma_start3A_53, %dma_start3A_54] : memref<2x125x128xf32, #tpu.memory_space<vmem>> -> memref<1x125x128xf32, #tpu.memory_space<vmem>>
      %dma_start3A_56 = tpu.memref_squeeze %dma_start3A_55 : memref<1x125x128xf32, #tpu.memory_space<vmem>> -> memref<125x128xf32, #tpu.memory_space<vmem>>
      tpu.enqueue_dma source(%dma_start3A_56 : memref<125x128xf32, #tpu.memory_space<vmem>>) target(%dma_start3A_52 : memref<125x128xf32, #tpu.memory_space<vmem_shared>>) target_semaphore(%run_scoped3A_45 : memref<!tpu.dma_semaphore, #tpu.memory_space<semaphore_mem>>)
      %dma_wait3A = arith.constant 0 : i32
      %dma_wait3A_57 = arith.constant 0 : i32
      %dma_wait3A_58 = tpu.memref_slice %arg8[%run_scoped3A_24, %dma_wait3A, %dma_wait3A_57] : memref<2x125x128xf32, #tpu.memory_space<vmem>> -> memref<1x125x128xf32, #tpu.memory_space<vmem>>
      %dma_wait3A_59 = tpu.memref_squeeze %dma_wait3A_58 : memref<1x125x128xf32, #tpu.memory_space<vmem>> -> memref<125x128xf32, #tpu.memory_space<vmem>>
      %dma_wait3A_60 = arith.constant 0 : i32
      %dma_wait3A_61 = tpu.memref_slice %arg9[%add3A_23, %dma_wait3A_60] : memref<10000x128xf32, #tpu.memory_space<vmem_shared>> -> memref<125x128xf32, #tpu.memory_space<vmem_shared>>
      %dma_wait3A_62 = arith.constant 0 : i32
      %dma_wait3A_63 = tpu.memref_slice %arg9[%add3A_23, %dma_wait3A_62] : memref<10000x128xf32, #tpu.memory_space<vmem_shared>> -> memref<125x128xf32, #tpu.memory_space<vmem_shared>>
      %dma_wait3A_64 = arith.constant 0 : i32
      %dma_wait3A_65 = arith.constant 0 : i32
      %dma_wait3A_66 = tpu.memref_slice %arg8[%run_scoped3A_24, %dma_wait3A_64, %dma_wait3A_65] : memref<2x125x128xf32, #tpu.memory_space<vmem>> -> memref<1x125x128xf32, #tpu.memory_space<vmem>>
      %dma_wait3A_67 = tpu.memref_squeeze %dma_wait3A_66 : memref<1x125x128xf32, #tpu.memory_space<vmem>> -> memref<125x128xf32, #tpu.memory_space<vmem>>
      tpu.wait_dma2 semaphore(%run_scoped3A_45 : memref<!tpu.dma_semaphore, #tpu.memory_space<semaphore_mem>>) src(%dma_wait3A_67 : memref<125x128xf32, #tpu.memory_space<vmem>>) dst(%dma_wait3A_63 : memref<125x128xf32, #tpu.memory_space<vmem_shared>>)
      tpu.yield
    }) : () -> ()
    %mul3A_25 = arith.constant 625 : i32
    %mul3A_26 = arith.muli %arg1, %mul3A_25 : i32
    %add3A_27 = arith.constant 500 : i32
    %add3A_28 = arith.addi %mul3A_26, %add3A_27 : i32
    %run_scoped3A_29 = arith.constant 0 : i32
    "tpu.region"() ({
      %run_scoped3A_45 = tpu.sem_alloc : memref<!tpu.dma_semaphore, #tpu.memory_space<semaphore_mem>>
      %dma_start3A = arith.constant 0 : i32
      %dma_start3A_46 = arith.constant 0 : i32
      %dma_start3A_47 = tpu.memref_slice %arg8[%run_scoped3A_29, %dma_start3A, %dma_start3A_46] : memref<2x125x128xf32, #tpu.memory_space<vmem>> -> memref<1x125x128xf32, #tpu.memory_space<vmem>>
      %dma_start3A_48 = tpu.memref_squeeze %dma_start3A_47 : memref<1x125x128xf32, #tpu.memory_space<vmem>> -> memref<125x128xf32, #tpu.memory_space<vmem>>
      %dma_start3A_49 = arith.constant 0 : i32
      %dma_start3A_50 = tpu.memref_slice %arg9[%add3A_28, %dma_start3A_49] : memref<10000x128xf32, #tpu.memory_space<vmem_shared>> -> memref<125x128xf32, #tpu.memory_space<vmem_shared>>
      %dma_start3A_51 = arith.constant 0 : i32
      %dma_start3A_52 = tpu.memref_slice %arg9[%add3A_28, %dma_start3A_51] : memref<10000x128xf32, #tpu.memory_space<vmem_shared>> -> memref<125x128xf32, #tpu.memory_space<vmem_shared>>
      %dma_start3A_53 = arith.constant 0 : i32
      %dma_start3A_54 = arith.constant 0 : i32
      %dma_start3A_55 = tpu.memref_slice %arg8[%run_scoped3A_29, %dma_start3A_53, %dma_start3A_54] : memref<2x125x128xf32, #tpu.memory_space<vmem>> -> memref<1x125x128xf32, #tpu.memory_space<vmem>>
      %dma_start3A_56 = tpu.memref_squeeze %dma_start3A_55 : memref<1x125x128xf32, #tpu.memory_space<vmem>> -> memref<125x128xf32, #tpu.memory_space<vmem>>
      tpu.enqueue_dma source(%dma_start3A_56 : memref<125x128xf32, #tpu.memory_space<vmem>>) target(%dma_start3A_52 : memref<125x128xf32, #tpu.memory_space<vmem_shared>>) target_semaphore(%run_scoped3A_45 : memref<!tpu.dma_semaphore, #tpu.memory_space<semaphore_mem>>)
      %dma_wait3A = arith.constant 0 : i32
      %dma_wait3A_57 = arith.constant 0 : i32
      %dma_wait3A_58 = tpu.memref_slice %arg8[%run_scoped3A_29, %dma_wait3A, %dma_wait3A_57] : memref<2x125x128xf32, #tpu.memory_space<vmem>> -> memref<1x125x128xf32, #tpu.memory_space<vmem>>
      %dma_wait3A_59 = tpu.memref_squeeze %dma_wait3A_58 : memref<1x125x128xf32, #tpu.memory_space<vmem>> -> memref<125x128xf32, #tpu.memory_space<vmem>>
      %dma_wait3A_60 = arith.constant 0 : i32
      %dma_wait3A_61 = tpu.memref_slice %arg9[%add3A_28, %dma_wait3A_60] : memref<10000x128xf32, #tpu.memory_space<vmem_shared>> -> memref<125x128xf32, #tpu.memory_space<vmem_shared>>
      %dma_wait3A_62 = arith.constant 0 : i32
      %dma_wait3A_63 = tpu.memref_slice %arg9[%add3A_28, %dma_wait3A_62] : memref<10000x128xf32, #tpu.memory_space<vmem_shared>> -> memref<125x128xf32, #tpu.memory_space<vmem_shared>>
      %dma_wait3A_64 = arith.constant 0 : i32
      %dma_wait3A_65 = arith.constant 0 : i32
      %dma_wait3A_66 = tpu.memref_slice %arg8[%run_scoped3A_29, %dma_wait3A_64, %dma_wait3A_65] : memref<2x125x128xf32, #tpu.memory_space<vmem>> -> memref<1x125x128xf32, #tpu.memory_space<vmem>>
      %dma_wait3A_67 = tpu.memref_squeeze %dma_wait3A_66 : memref<1x125x128xf32, #tpu.memory_space<vmem>> -> memref<125x128xf32, #tpu.memory_space<vmem>>
      tpu.wait_dma2 semaphore(%run_scoped3A_45 : memref<!tpu.dma_semaphore, #tpu.memory_space<semaphore_mem>>) src(%dma_wait3A_67 : memref<125x128xf32, #tpu.memory_space<vmem>>) dst(%dma_wait3A_63 : memref<125x128xf32, #tpu.memory_space<vmem_shared>>)
      tpu.yield
    }) : () -> ()
    %barrier3A = arith.constant 0 : index
    tpu.barrier barrier_id(%barrier3A)
    %scan3A_30 = arith.constant 0 : i32
    %scan3A_31 = arith.constant 0 : i32
    %scan3A_32 = arith.constant 10 : i32
    %scan3A_33 = arith.addi %scan3A_31, %scan3A_32 : i32
    %scan3A_34 = arith.constant 1 : i32
    scf.for %scan3A_45 = %scan3A_31 to %scan3A_33 step %scan3A_34  : i32 {
      %mul3A_46 = arith.constant 80 : i32
      %mul3A_47 = arith.muli %add3A, %mul3A_46 : i32
      %mul3A_48 = arith.constant 8 : i32
      %mul3A_49 = arith.muli %scan3A_45, %mul3A_48 : i32
      %add3A_50 = arith.addi %mul3A_47, %mul3A_49 : i32
      "tpu.region"() ({
        %run_scoped3A_257 = tpu.sem_alloc : memref<!tpu.dma_semaphore, #tpu.memory_space<semaphore_mem>>
        %dma_start3A_258 = arith.constant 0 : i32
        %dma_start3A_259 = tpu.memref_slice %arg3[%add3A_50, %dma_start3A_258] : memref<2560x125xi32, #tpu.memory_space<hbm>> -> memref<8x125xi32, #tpu.memory_space<hbm>>
        %dma_start3A_260 = arith.constant 0 : i32
        %dma_start3A_261 = tpu.memref_slice %arg3[%add3A_50, %dma_start3A_260] : memref<2560x125xi32, #tpu.memory_space<hbm>> -> memref<8x125xi32, #tpu.memory_space<hbm>>
        tpu.enqueue_dma source(%dma_start3A_261 : memref<8x125xi32, #tpu.memory_space<hbm>>) target(%arg6 : memref<8x125xi32, #tpu.memory_space<vmem>>) target_semaphore(%run_scoped3A_257 : memref<!tpu.dma_semaphore, #tpu.memory_space<semaphore_mem>>)
        %dma_wait3A_262 = arith.constant 0 : i32
        %dma_wait3A_263 = tpu.memref_slice %arg3[%add3A_50, %dma_wait3A_262] : memref<2560x125xi32, #tpu.memory_space<hbm>> -> memref<8x125xi32, #tpu.memory_space<hbm>>
        %dma_wait3A_264 = arith.constant 0 : i32
        %dma_wait3A_265 = tpu.memref_slice %arg3[%add3A_50, %dma_wait3A_264] : memref<2560x125xi32, #tpu.memory_space<hbm>> -> memref<8x125xi32, #tpu.memory_space<hbm>>
        tpu.wait_dma2 semaphore(%run_scoped3A_257 : memref<!tpu.dma_semaphore, #tpu.memory_space<semaphore_mem>>) src(%dma_wait3A_265 : memref<8x125xi32, #tpu.memory_space<hbm>>) dst(%arg6 : memref<8x125xi32, #tpu.memory_space<vmem>>)
        tpu.yield
      }) : () -> ()
      "tpu.region"() ({
        %run_scoped3A_257 = tpu.sem_alloc : memref<!tpu.dma_semaphore, #tpu.memory_space<semaphore_mem>>
        %dma_start3A_258 = arith.constant 0 : i32
        %dma_start3A_259 = tpu.memref_slice %arg4[%add3A_50, %dma_start3A_258] : memref<2560x125xi32, #tpu.memory_space<hbm>> -> memref<8x125xi32, #tpu.memory_space<hbm>>
        %dma_start3A_260 = arith.constant 0 : i32
        %dma_start3A_261 = tpu.memref_slice %arg4[%add3A_50, %dma_start3A_260] : memref<2560x125xi32, #tpu.memory_space<hbm>> -> memref<8x125xi32, #tpu.memory_space<hbm>>
        tpu.enqueue_dma source(%dma_start3A_261 : memref<8x125xi32, #tpu.memory_space<hbm>>) target(%arg7 : memref<8x125xi32, #tpu.memory_space<vmem>>) target_semaphore(%run_scoped3A_257 : memref<!tpu.dma_semaphore, #tpu.memory_space<semaphore_mem>>)
        %dma_wait3A_262 = arith.constant 0 : i32
        %dma_wait3A_263 = tpu.memref_slice %arg4[%add3A_50, %dma_wait3A_262] : memref<2560x125xi32, #tpu.memory_space<hbm>> -> memref<8x125xi32, #tpu.memory_space<hbm>>
        %dma_wait3A_264 = arith.constant 0 : i32
        %dma_wait3A_265 = tpu.memref_slice %arg4[%add3A_50, %dma_wait3A_264] : memref<2560x125xi32, #tpu.memory_space<hbm>> -> memref<8x125xi32, #tpu.memory_space<hbm>>
        tpu.wait_dma2 semaphore(%run_scoped3A_257 : memref<!tpu.dma_semaphore, #tpu.memory_space<semaphore_mem>>) src(%dma_wait3A_265 : memref<8x125xi32, #tpu.memory_space<hbm>>) dst(%arg7 : memref<8x125xi32, #tpu.memory_space<vmem>>)
        tpu.yield
      }) : () -> ()
      %dma_start3A = arith.constant 0 : i32
      %dma_start3A_51 = arith.constant 0 : i32
      %dma_start3A_52 = arith.constant 0 : i32
      %dma_start3A_53 = arith.constant 0 : i32
      %dma_start3A_54 = tpu.memref_slice %arg8[%dma_start3A_51, %dma_start3A_52, %dma_start3A_53] : memref<2x125x128xf32, #tpu.memory_space<vmem>> -> memref<1x125x128xf32, #tpu.memory_space<vmem>>
      %dma_start3A_55 = tpu.memref_squeeze %dma_start3A_54 : memref<1x125x128xf32, #tpu.memory_space<vmem>> -> memref<125x128xf32, #tpu.memory_space<vmem>>
      %dma_start3A_56 = arith.constant 0 : i32
      %dma_start3A_57 = tpu.memref_slice %arg6[%dma_start3A, %dma_start3A_56] : memref<8x125xi32, #tpu.memory_space<vmem>> -> memref<1x125xi32, #tpu.memory_space<vmem>>
      %dma_start3A_58 = tpu.memref_squeeze %dma_start3A_57 : memref<1x125xi32, #tpu.memory_space<vmem>> -> memref<125xi32, #tpu.memory_space<vmem>>
      %dma_start3A_59 = arith.constant 0 : i32
      %dma_start3A_60 = arith.constant 0 : i32
      %dma_start3A_61 = tpu.memref_slice %arg2[%dma_start3A_59, %dma_start3A_60] : memref<10000x128xf32, #tpu.memory_space<hbm>> -> memref<10000x128xf32, #tpu.memory_space<hbm>>
      tpu.enqueue_indirect_dma source(%dma_start3A_61 : memref<10000x128xf32, #tpu.memory_space<hbm>>) target(%dma_start3A_55 : memref<125x128xf32, #tpu.memory_space<vmem>>) offsets(%dma_start3A_58 : memref<125xi32, #tpu.memory_space<vmem>>) semaphore(%arg10 : memref<!tpu.dma_semaphore, #tpu.memory_space<semaphore_mem>>)
      %dma_wait3A = arith.constant 0 : i32
      %dma_wait3A_62 = arith.constant 0 : i32
      %dma_wait3A_63 = arith.constant 0 : i32
      %dma_wait3A_64 = arith.constant 0 : i32
      %dma_wait3A_65 = tpu.memref_slice %arg8[%dma_wait3A_62, %dma_wait3A_63, %dma_wait3A_64] : memref<2x125x128xf32, #tpu.memory_space<vmem>> -> memref<1x125x128xf32, #tpu.memory_space<vmem>>
      %dma_wait3A_66 = tpu.memref_squeeze %dma_wait3A_65 : memref<1x125x128xf32, #tpu.memory_space<vmem>> -> memref<125x128xf32, #tpu.memory_space<vmem>>
      %dma_wait3A_67 = arith.constant 0 : i32
      %dma_wait3A_68 = tpu.memref_slice %arg6[%dma_wait3A, %dma_wait3A_67] : memref<8x125xi32, #tpu.memory_space<vmem>> -> memref<1x125xi32, #tpu.memory_space<vmem>>
      %dma_wait3A_69 = tpu.memref_squeeze %dma_wait3A_68 : memref<1x125xi32, #tpu.memory_space<vmem>> -> memref<125xi32, #tpu.memory_space<vmem>>
      %dma_wait3A_70 = arith.constant 0 : i32
      %dma_wait3A_71 = arith.constant 0 : i32
      %dma_wait3A_72 = tpu.memref_slice %arg2[%dma_wait3A_70, %dma_wait3A_71] : memref<10000x128xf32, #tpu.memory_space<hbm>> -> memref<10000x128xf32, #tpu.memory_space<hbm>>
      tpu.wait_indirect_dma semaphore(%arg10 : memref<!tpu.dma_semaphore, #tpu.memory_space<semaphore_mem>>) src(%dma_wait3A_72 : memref<10000x128xf32, #tpu.memory_space<hbm>>) dst(%dma_wait3A_66 : memref<125x128xf32, #tpu.memory_space<vmem>>)
      %dma_start3A_73 = arith.constant 1 : i32
      %dma_start3A_74 = arith.constant 1 : i32
      %dma_start3A_75 = arith.constant 0 : i32
      %dma_start3A_76 = arith.constant 0 : i32
      %dma_start3A_77 = tpu.memref_slice %arg8[%dma_start3A_74, %dma_start3A_75, %dma_start3A_76] : memref<2x125x128xf32, #tpu.memory_space<vmem>> -> memref<1x125x128xf32, #tpu.memory_space<vmem>>
      %dma_start3A_78 = tpu.memref_squeeze %dma_start3A_77 : memref<1x125x128xf32, #tpu.memory_space<vmem>> -> memref<125x128xf32, #tpu.memory_space<vmem>>
      %dma_start3A_79 = arith.constant 0 : i32
      %dma_start3A_80 = tpu.memref_slice %arg6[%dma_start3A_73, %dma_start3A_79] : memref<8x125xi32, #tpu.memory_space<vmem>> -> memref<1x125xi32, #tpu.memory_space<vmem>>
      %dma_start3A_81 = tpu.memref_squeeze %dma_start3A_80 : memref<1x125xi32, #tpu.memory_space<vmem>> -> memref<125xi32, #tpu.memory_space<vmem>>
      %dma_start3A_82 = arith.constant 0 : i32
      %dma_start3A_83 = arith.constant 0 : i32
      %dma_start3A_84 = tpu.memref_slice %arg2[%dma_start3A_82, %dma_start3A_83] : memref<10000x128xf32, #tpu.memory_space<hbm>> -> memref<10000x128xf32, #tpu.memory_space<hbm>>
      tpu.enqueue_indirect_dma source(%dma_start3A_84 : memref<10000x128xf32, #tpu.memory_space<hbm>>) target(%dma_start3A_78 : memref<125x128xf32, #tpu.memory_space<vmem>>) offsets(%dma_start3A_81 : memref<125xi32, #tpu.memory_space<vmem>>) semaphore(%arg11 : memref<!tpu.dma_semaphore, #tpu.memory_space<semaphore_mem>>)
      %run_scoped3A_85 = arith.constant 0 : i32
      %run_scoped3A_86 = arith.constant 0 : i32
      "tpu.region"() ({
        %run_scoped3A_257 = tpu.sem_alloc : memref<!tpu.dma_semaphore, #tpu.memory_space<semaphore_mem>>
        %dma_start3A_258 = arith.constant 0 : i32
        %dma_start3A_259 = arith.constant 0 : i32
        %dma_start3A_260 = tpu.memref_slice %arg8[%run_scoped3A_85, %dma_start3A_258, %dma_start3A_259] : memref<2x125x128xf32, #tpu.memory_space<vmem>> -> memref<1x125x128xf32, #tpu.memory_space<vmem>>
        %dma_start3A_261 = tpu.memref_squeeze %dma_start3A_260 : memref<1x125x128xf32, #tpu.memory_space<vmem>> -> memref<125x128xf32, #tpu.memory_space<vmem>>
        %dma_start3A_262 = arith.constant 0 : i32
        %dma_start3A_263 = tpu.memref_slice %arg7[%run_scoped3A_86, %dma_start3A_262] : memref<8x125xi32, #tpu.memory_space<vmem>> -> memref<1x125xi32, #tpu.memory_space<vmem>>
        %dma_start3A_264 = tpu.memref_squeeze %dma_start3A_263 : memref<1x125xi32, #tpu.memory_space<vmem>> -> memref<125xi32, #tpu.memory_space<vmem>>
        %dma_start3A_265 = arith.constant 0 : i32
        %dma_start3A_266 = arith.constant 0 : i32
        %dma_start3A_267 = tpu.memref_slice %arg9[%dma_start3A_265, %dma_start3A_266] : memref<10000x128xf32, #tpu.memory_space<vmem_shared>> -> memref<10000x128xf32, #tpu.memory_space<vmem_shared>>
        tpu.enqueue_indirect_dma source(%dma_start3A_261 : memref<125x128xf32, #tpu.memory_space<vmem>>) target(%dma_start3A_267 : memref<10000x128xf32, #tpu.memory_space<vmem_shared>>) offsets(%dma_start3A_264 : memref<125xi32, #tpu.memory_space<vmem>>) semaphore(%run_scoped3A_257 : memref<!tpu.dma_semaphore, #tpu.memory_space<semaphore_mem>>) {add = true}
        %dma_wait3A_268 = arith.constant 0 : i32
        %dma_wait3A_269 = arith.constant 0 : i32
        %dma_wait3A_270 = tpu.memref_slice %arg8[%run_scoped3A_85, %dma_wait3A_268, %dma_wait3A_269] : memref<2x125x128xf32, #tpu.memory_space<vmem>> -> memref<1x125x128xf32, #tpu.memory_space<vmem>>
        %dma_wait3A_271 = tpu.memref_squeeze %dma_wait3A_270 : memref<1x125x128xf32, #tpu.memory_space<vmem>> -> memref<125x128xf32, #tpu.memory_space<vmem>>
        %dma_wait3A_272 = arith.constant 0 : i32
        %dma_wait3A_273 = tpu.memref_slice %arg7[%run_scoped3A_86, %dma_wait3A_272] : memref<8x125xi32, #tpu.memory_space<vmem>> -> memref<1x125xi32, #tpu.memory_space<vmem>>
        %dma_wait3A_274 = tpu.memref_squeeze %dma_wait3A_273 : memref<1x125xi32, #tpu.memory_space<vmem>> -> memref<125xi32, #tpu.memory_space<vmem>>
        %dma_wait3A_275 = arith.constant 0 : i32
        %dma_wait3A_276 = arith.constant 0 : i32
        %dma_wait3A_277 = tpu.memref_slice %arg9[%dma_wait3A_275, %dma_wait3A_276] : memref<10000x128xf32, #tpu.memory_space<vmem_shared>> -> memref<10000x128xf32, #tpu.memory_space<vmem_shared>>
        tpu.wait_indirect_dma semaphore(%run_scoped3A_257 : memref<!tpu.dma_semaphore, #tpu.memory_space<semaphore_mem>>) src(%dma_wait3A_271 : memref<125x128xf32, #tpu.memory_space<vmem>>) dst(%dma_wait3A_277 : memref<10000x128xf32, #tpu.memory_space<vmem_shared>>)
        tpu.yield
      }) : () -> ()
      %dma_wait3A_87 = arith.constant 1 : i32
      %dma_wait3A_88 = arith.constant 1 : i32
      %dma_wait3A_89 = arith.constant 0 : i32
      %dma_wait3A_90 = arith.constant 0 : i32
      %dma_wait3A_91 = tpu.memref_slice %arg8[%dma_wait3A_88, %dma_wait3A_89, %dma_wait3A_90] : memref<2x125x128xf32, #tpu.memory_space<vmem>> -> memref<1x125x128xf32, #tpu.memory_space<vmem>>
      %dma_wait3A_92 = tpu.memref_squeeze %dma_wait3A_91 : memref<1x125x128xf32, #tpu.memory_space<vmem>> -> memref<125x128xf32, #tpu.memory_space<vmem>>
      %dma_wait3A_93 = arith.constant 0 : i32
      %dma_wait3A_94 = tpu.memref_slice %arg6[%dma_wait3A_87, %dma_wait3A_93] : memref<8x125xi32, #tpu.memory_space<vmem>> -> memref<1x125xi32, #tpu.memory_space<vmem>>
      %dma_wait3A_95 = tpu.memref_squeeze %dma_wait3A_94 : memref<1x125xi32, #tpu.memory_space<vmem>> -> memref<125xi32, #tpu.memory_space<vmem>>
      %dma_wait3A_96 = arith.constant 0 : i32
      %dma_wait3A_97 = arith.constant 0 : i32
      %dma_wait3A_98 = tpu.memref_slice %arg2[%dma_wait3A_96, %dma_wait3A_97] : memref<10000x128xf32, #tpu.memory_space<hbm>> -> memref<10000x128xf32, #tpu.memory_space<hbm>>
      tpu.wait_indirect_dma semaphore(%arg11 : memref<!tpu.dma_semaphore, #tpu.memory_space<semaphore_mem>>) src(%dma_wait3A_98 : memref<10000x128xf32, #tpu.memory_space<hbm>>) dst(%dma_wait3A_92 : memref<125x128xf32, #tpu.memory_space<vmem>>)
      %dma_start3A_99 = arith.constant 2 : i32
      %dma_start3A_100 = arith.constant 0 : i32
      %dma_start3A_101 = arith.constant 0 : i32
      %dma_start3A_102 = arith.constant 0 : i32
      %dma_start3A_103 = tpu.memref_slice %arg8[%dma_start3A_100, %dma_start3A_101, %dma_start3A_102] : memref<2x125x128xf32, #tpu.memory_space<vmem>> -> memref<1x125x128xf32, #tpu.memory_space<vmem>>
      %dma_start3A_104 = tpu.memref_squeeze %dma_start3A_103 : memref<1x125x128xf32, #tpu.memory_space<vmem>> -> memref<125x128xf32, #tpu.memory_space<vmem>>
      %dma_start3A_105 = arith.constant 0 : i32
      %dma_start3A_106 = tpu.memref_slice %arg6[%dma_start3A_99, %dma_start3A_105] : memref<8x125xi32, #tpu.memory_space<vmem>> -> memref<1x125xi32, #tpu.memory_space<vmem>>
      %dma_start3A_107 = tpu.memref_squeeze %dma_start3A_106 : memref<1x125xi32, #tpu.memory_space<vmem>> -> memref<125xi32, #tpu.memory_space<vmem>>
      %dma_start3A_108 = arith.constant 0 : i32
      %dma_start3A_109 = arith.constant 0 : i32
      %dma_start3A_110 = tpu.memref_slice %arg2[%dma_start3A_108, %dma_start3A_109] : memref<10000x128xf32, #tpu.memory_space<hbm>> -> memref<10000x128xf32, #tpu.memory_space<hbm>>
      tpu.enqueue_indirect_dma source(%dma_start3A_110 : memref<10000x128xf32, #tpu.memory_space<hbm>>) target(%dma_start3A_104 : memref<125x128xf32, #tpu.memory_space<vmem>>) offsets(%dma_start3A_107 : memref<125xi32, #tpu.memory_space<vmem>>) semaphore(%arg10 : memref<!tpu.dma_semaphore, #tpu.memory_space<semaphore_mem>>)
      %run_scoped3A_111 = arith.constant 1 : i32
      %run_scoped3A_112 = arith.constant 1 : i32
      "tpu.region"() ({
        %run_scoped3A_257 = tpu.sem_alloc : memref<!tpu.dma_semaphore, #tpu.memory_space<semaphore_mem>>
        %dma_start3A_258 = arith.constant 0 : i32
        %dma_start3A_259 = arith.constant 0 : i32
        %dma_start3A_260 = tpu.memref_slice %arg8[%run_scoped3A_111, %dma_start3A_258, %dma_start3A_259] : memref<2x125x128xf32, #tpu.memory_space<vmem>> -> memref<1x125x128xf32, #tpu.memory_space<vmem>>
        %dma_start3A_261 = tpu.memref_squeeze %dma_start3A_260 : memref<1x125x128xf32, #tpu.memory_space<vmem>> -> memref<125x128xf32, #tpu.memory_space<vmem>>
        %dma_start3A_262 = arith.constant 0 : i32
        %dma_start3A_263 = tpu.memref_slice %arg7[%run_scoped3A_112, %dma_start3A_262] : memref<8x125xi32, #tpu.memory_space<vmem>> -> memref<1x125xi32, #tpu.memory_space<vmem>>
        %dma_start3A_264 = tpu.memref_squeeze %dma_start3A_263 : memref<1x125xi32, #tpu.memory_space<vmem>> -> memref<125xi32, #tpu.memory_space<vmem>>
        %dma_start3A_265 = arith.constant 0 : i32
        %dma_start3A_266 = arith.constant 0 : i32
        %dma_start3A_267 = tpu.memref_slice %arg9[%dma_start3A_265, %dma_start3A_266] : memref<10000x128xf32, #tpu.memory_space<vmem_shared>> -> memref<10000x128xf32, #tpu.memory_space<vmem_shared>>
        tpu.enqueue_indirect_dma source(%dma_start3A_261 : memref<125x128xf32, #tpu.memory_space<vmem>>) target(%dma_start3A_267 : memref<10000x128xf32, #tpu.memory_space<vmem_shared>>) offsets(%dma_start3A_264 : memref<125xi32, #tpu.memory_space<vmem>>) semaphore(%run_scoped3A_257 : memref<!tpu.dma_semaphore, #tpu.memory_space<semaphore_mem>>) {add = true}
        %dma_wait3A_268 = arith.constant 0 : i32
        %dma_wait3A_269 = arith.constant 0 : i32
        %dma_wait3A_270 = tpu.memref_slice %arg8[%run_scoped3A_111, %dma_wait3A_268, %dma_wait3A_269] : memref<2x125x128xf32, #tpu.memory_space<vmem>> -> memref<1x125x128xf32, #tpu.memory_space<vmem>>
        %dma_wait3A_271 = tpu.memref_squeeze %dma_wait3A_270 : memref<1x125x128xf32, #tpu.memory_space<vmem>> -> memref<125x128xf32, #tpu.memory_space<vmem>>
        %dma_wait3A_272 = arith.constant 0 : i32
        %dma_wait3A_273 = tpu.memref_slice %arg7[%run_scoped3A_112, %dma_wait3A_272] : memref<8x125xi32, #tpu.memory_space<vmem>> -> memref<1x125xi32, #tpu.memory_space<vmem>>
        %dma_wait3A_274 = tpu.memref_squeeze %dma_wait3A_273 : memref<1x125xi32, #tpu.memory_space<vmem>> -> memref<125xi32, #tpu.memory_space<vmem>>
        %dma_wait3A_275 = arith.constant 0 : i32
        %dma_wait3A_276 = arith.constant 0 : i32
        %dma_wait3A_277 = tpu.memref_slice %arg9[%dma_wait3A_275, %dma_wait3A_276] : memref<10000x128xf32, #tpu.memory_space<vmem_shared>> -> memref<10000x128xf32, #tpu.memory_space<vmem_shared>>
        tpu.wait_indirect_dma semaphore(%run_scoped3A_257 : memref<!tpu.dma_semaphore, #tpu.memory_space<semaphore_mem>>) src(%dma_wait3A_271 : memref<125x128xf32, #tpu.memory_space<vmem>>) dst(%dma_wait3A_277 : memref<10000x128xf32, #tpu.memory_space<vmem_shared>>)
        tpu.yield
      }) : () -> ()
      %dma_wait3A_113 = arith.constant 2 : i32
      %dma_wait3A_114 = arith.constant 0 : i32
      %dma_wait3A_115 = arith.constant 0 : i32
      %dma_wait3A_116 = arith.constant 0 : i32
      %dma_wait3A_117 = tpu.memref_slice %arg8[%dma_wait3A_114, %dma_wait3A_115, %dma_wait3A_116] : memref<2x125x128xf32, #tpu.memory_space<vmem>> -> memref<1x125x128xf32, #tpu.memory_space<vmem>>
      %dma_wait3A_118 = tpu.memref_squeeze %dma_wait3A_117 : memref<1x125x128xf32, #tpu.memory_space<vmem>> -> memref<125x128xf32, #tpu.memory_space<vmem>>
      %dma_wait3A_119 = arith.constant 0 : i32
      %dma_wait3A_120 = tpu.memref_slice %arg6[%dma_wait3A_113, %dma_wait3A_119] : memref<8x125xi32, #tpu.memory_space<vmem>> -> memref<1x125xi32, #tpu.memory_space<vmem>>
      %dma_wait3A_121 = tpu.memref_squeeze %dma_wait3A_120 : memref<1x125xi32, #tpu.memory_space<vmem>> -> memref<125xi32, #tpu.memory_space<vmem>>
      %dma_wait3A_122 = arith.constant 0 : i32
      %dma_wait3A_123 = arith.constant 0 : i32
      %dma_wait3A_124 = tpu.memref_slice %arg2[%dma_wait3A_122, %dma_wait3A_123] : memref<10000x128xf32, #tpu.memory_space<hbm>> -> memref<10000x128xf32, #tpu.memory_space<hbm>>
      tpu.wait_indirect_dma semaphore(%arg10 : memref<!tpu.dma_semaphore, #tpu.memory_space<semaphore_mem>>) src(%dma_wait3A_124 : memref<10000x128xf32, #tpu.memory_space<hbm>>) dst(%dma_wait3A_118 : memref<125x128xf32, #tpu.memory_space<vmem>>)
      %dma_start3A_125 = arith.constant 3 : i32
      %dma_start3A_126 = arith.constant 1 : i32
      %dma_start3A_127 = arith.constant 0 : i32
      %dma_start3A_128 = arith.constant 0 : i32
      %dma_start3A_129 = tpu.memref_slice %arg8[%dma_start3A_126, %dma_start3A_127, %dma_start3A_128] : memref<2x125x128xf32, #tpu.memory_space<vmem>> -> memref<1x125x128xf32, #tpu.memory_space<vmem>>
      %dma_start3A_130 = tpu.memref_squeeze %dma_start3A_129 : memref<1x125x128xf32, #tpu.memory_space<vmem>> -> memref<125x128xf32, #tpu.memory_space<vmem>>
      %dma_start3A_131 = arith.constant 0 : i32
      %dma_start3A_132 = tpu.memref_slice %arg6[%dma_start3A_125, %dma_start3A_131] : memref<8x125xi32, #tpu.memory_space<vmem>> -> memref<1x125xi32, #tpu.memory_space<vmem>>
      %dma_start3A_133 = tpu.memref_squeeze %dma_start3A_132 : memref<1x125xi32, #tpu.memory_space<vmem>> -> memref<125xi32, #tpu.memory_space<vmem>>
      %dma_start3A_134 = arith.constant 0 : i32
      %dma_start3A_135 = arith.constant 0 : i32
      %dma_start3A_136 = tpu.memref_slice %arg2[%dma_start3A_134, %dma_start3A_135] : memref<10000x128xf32, #tpu.memory_space<hbm>> -> memref<10000x128xf32, #tpu.memory_space<hbm>>
      tpu.enqueue_indirect_dma source(%dma_start3A_136 : memref<10000x128xf32, #tpu.memory_space<hbm>>) target(%dma_start3A_130 : memref<125x128xf32, #tpu.memory_space<vmem>>) offsets(%dma_start3A_133 : memref<125xi32, #tpu.memory_space<vmem>>) semaphore(%arg11 : memref<!tpu.dma_semaphore, #tpu.memory_space<semaphore_mem>>)
      %run_scoped3A_137 = arith.constant 0 : i32
      %run_scoped3A_138 = arith.constant 2 : i32
      "tpu.region"() ({
        %run_scoped3A_257 = tpu.sem_alloc : memref<!tpu.dma_semaphore, #tpu.memory_space<semaphore_mem>>
        %dma_start3A_258 = arith.constant 0 : i32
        %dma_start3A_259 = arith.constant 0 : i32
        %dma_start3A_260 = tpu.memref_slice %arg8[%run_scoped3A_137, %dma_start3A_258, %dma_start3A_259] : memref<2x125x128xf32, #tpu.memory_space<vmem>> -> memref<1x125x128xf32, #tpu.memory_space<vmem>>
        %dma_start3A_261 = tpu.memref_squeeze %dma_start3A_260 : memref<1x125x128xf32, #tpu.memory_space<vmem>> -> memref<125x128xf32, #tpu.memory_space<vmem>>
        %dma_start3A_262 = arith.constant 0 : i32
        %dma_start3A_263 = tpu.memref_slice %arg7[%run_scoped3A_138, %dma_start3A_262] : memref<8x125xi32, #tpu.memory_space<vmem>> -> memref<1x125xi32, #tpu.memory_space<vmem>>
        %dma_start3A_264 = tpu.memref_squeeze %dma_start3A_263 : memref<1x125xi32, #tpu.memory_space<vmem>> -> memref<125xi32, #tpu.memory_space<vmem>>
        %dma_start3A_265 = arith.constant 0 : i32
        %dma_start3A_266 = arith.constant 0 : i32
        %dma_start3A_267 = tpu.memref_slice %arg9[%dma_start3A_265, %dma_start3A_266] : memref<10000x128xf32, #tpu.memory_space<vmem_shared>> -> memref<10000x128xf32, #tpu.memory_space<vmem_shared>>
        tpu.enqueue_indirect_dma source(%dma_start3A_261 : memref<125x128xf32, #tpu.memory_space<vmem>>) target(%dma_start3A_267 : memref<10000x128xf32, #tpu.memory_space<vmem_shared>>) offsets(%dma_start3A_264 : memref<125xi32, #tpu.memory_space<vmem>>) semaphore(%run_scoped3A_257 : memref<!tpu.dma_semaphore, #tpu.memory_space<semaphore_mem>>) {add = true}
        %dma_wait3A_268 = arith.constant 0 : i32
        %dma_wait3A_269 = arith.constant 0 : i32
        %dma_wait3A_270 = tpu.memref_slice %arg8[%run_scoped3A_137, %dma_wait3A_268, %dma_wait3A_269] : memref<2x125x128xf32, #tpu.memory_space<vmem>> -> memref<1x125x128xf32, #tpu.memory_space<vmem>>
        %dma_wait3A_271 = tpu.memref_squeeze %dma_wait3A_270 : memref<1x125x128xf32, #tpu.memory_space<vmem>> -> memref<125x128xf32, #tpu.memory_space<vmem>>
        %dma_wait3A_272 = arith.constant 0 : i32
        %dma_wait3A_273 = tpu.memref_slice %arg7[%run_scoped3A_138, %dma_wait3A_272] : memref<8x125xi32, #tpu.memory_space<vmem>> -> memref<1x125xi32, #tpu.memory_space<vmem>>
        %dma_wait3A_274 = tpu.memref_squeeze %dma_wait3A_273 : memref<1x125xi32, #tpu.memory_space<vmem>> -> memref<125xi32, #tpu.memory_space<vmem>>
        %dma_wait3A_275 = arith.constant 0 : i32
        %dma_wait3A_276 = arith.constant 0 : i32
        %dma_wait3A_277 = tpu.memref_slice %arg9[%dma_wait3A_275, %dma_wait3A_276] : memref<10000x128xf32, #tpu.memory_space<vmem_shared>> -> memref<10000x128xf32, #tpu.memory_space<vmem_shared>>
        tpu.wait_indirect_dma semaphore(%run_scoped3A_257 : memref<!tpu.dma_semaphore, #tpu.memory_space<semaphore_mem>>) src(%dma_wait3A_271 : memref<125x128xf32, #tpu.memory_space<vmem>>) dst(%dma_wait3A_277 : memref<10000x128xf32, #tpu.memory_space<vmem_shared>>)
        tpu.yield
      }) : () -> ()
      %dma_wait3A_139 = arith.constant 3 : i32
      %dma_wait3A_140 = arith.constant 1 : i32
      %dma_wait3A_141 = arith.constant 0 : i32
      %dma_wait3A_142 = arith.constant 0 : i32
      %dma_wait3A_143 = tpu.memref_slice %arg8[%dma_wait3A_140, %dma_wait3A_141, %dma_wait3A_142] : memref<2x125x128xf32, #tpu.memory_space<vmem>> -> memref<1x125x128xf32, #tpu.memory_space<vmem>>
      %dma_wait3A_144 = tpu.memref_squeeze %dma_wait3A_143 : memref<1x125x128xf32, #tpu.memory_space<vmem>> -> memref<125x128xf32, #tpu.memory_space<vmem>>
      %dma_wait3A_145 = arith.constant 0 : i32
      %dma_wait3A_146 = tpu.memref_slice %arg6[%dma_wait3A_139, %dma_wait3A_145] : memref<8x125xi32, #tpu.memory_space<vmem>> -> memref<1x125xi32, #tpu.memory_space<vmem>>
      %dma_wait3A_147 = tpu.memref_squeeze %dma_wait3A_146 : memref<1x125xi32, #tpu.memory_space<vmem>> -> memref<125xi32, #tpu.memory_space<vmem>>
      %dma_wait3A_148 = arith.constant 0 : i32
      %dma_wait3A_149 = arith.constant 0 : i32
      %dma_wait3A_150 = tpu.memref_slice %arg2[%dma_wait3A_148, %dma_wait3A_149] : memref<10000x128xf32, #tpu.memory_space<hbm>> -> memref<10000x128xf32, #tpu.memory_space<hbm>>
      tpu.wait_indirect_dma semaphore(%arg11 : memref<!tpu.dma_semaphore, #tpu.memory_space<semaphore_mem>>) src(%dma_wait3A_150 : memref<10000x128xf32, #tpu.memory_space<hbm>>) dst(%dma_wait3A_144 : memref<125x128xf32, #tpu.memory_space<vmem>>)
      %dma_start3A_151 = arith.constant 4 : i32
      %dma_start3A_152 = arith.constant 0 : i32
      %dma_start3A_153 = arith.constant 0 : i32
      %dma_start3A_154 = arith.constant 0 : i32
      %dma_start3A_155 = tpu.memref_slice %arg8[%dma_start3A_152, %dma_start3A_153, %dma_start3A_154] : memref<2x125x128xf32, #tpu.memory_space<vmem>> -> memref<1x125x128xf32, #tpu.memory_space<vmem>>
      %dma_start3A_156 = tpu.memref_squeeze %dma_start3A_155 : memref<1x125x128xf32, #tpu.memory_space<vmem>> -> memref<125x128xf32, #tpu.memory_space<vmem>>
      %dma_start3A_157 = arith.constant 0 : i32
      %dma_start3A_158 = tpu.memref_slice %arg6[%dma_start3A_151, %dma_start3A_157] : memref<8x125xi32, #tpu.memory_space<vmem>> -> memref<1x125xi32, #tpu.memory_space<vmem>>
      %dma_start3A_159 = tpu.memref_squeeze %dma_start3A_158 : memref<1x125xi32, #tpu.memory_space<vmem>> -> memref<125xi32, #tpu.memory_space<vmem>>
      %dma_start3A_160 = arith.constant 0 : i32
      %dma_start3A_161 = arith.constant 0 : i32
      %dma_start3A_162 = tpu.memref_slice %arg2[%dma_start3A_160, %dma_start3A_161] : memref<10000x128xf32, #tpu.memory_space<hbm>> -> memref<10000x128xf32, #tpu.memory_space<hbm>>
      tpu.enqueue_indirect_dma source(%dma_start3A_162 : memref<10000x128xf32, #tpu.memory_space<hbm>>) target(%dma_start3A_156 : memref<125x128xf32, #tpu.memory_space<vmem>>) offsets(%dma_start3A_159 : memref<125xi32, #tpu.memory_space<vmem>>) semaphore(%arg10 : memref<!tpu.dma_semaphore, #tpu.memory_space<semaphore_mem>>)
      %run_scoped3A_163 = arith.constant 1 : i32
      %run_scoped3A_164 = arith.constant 3 : i32
      "tpu.region"() ({
        %run_scoped3A_257 = tpu.sem_alloc : memref<!tpu.dma_semaphore, #tpu.memory_space<semaphore_mem>>
        %dma_start3A_258 = arith.constant 0 : i32
        %dma_start3A_259 = arith.constant 0 : i32
        %dma_start3A_260 = tpu.memref_slice %arg8[%run_scoped3A_163, %dma_start3A_258, %dma_start3A_259] : memref<2x125x128xf32, #tpu.memory_space<vmem>> -> memref<1x125x128xf32, #tpu.memory_space<vmem>>
        %dma_start3A_261 = tpu.memref_squeeze %dma_start3A_260 : memref<1x125x128xf32, #tpu.memory_space<vmem>> -> memref<125x128xf32, #tpu.memory_space<vmem>>
        %dma_start3A_262 = arith.constant 0 : i32
        %dma_start3A_263 = tpu.memref_slice %arg7[%run_scoped3A_164, %dma_start3A_262] : memref<8x125xi32, #tpu.memory_space<vmem>> -> memref<1x125xi32, #tpu.memory_space<vmem>>
        %dma_start3A_264 = tpu.memref_squeeze %dma_start3A_263 : memref<1x125xi32, #tpu.memory_space<vmem>> -> memref<125xi32, #tpu.memory_space<vmem>>
        %dma_start3A_265 = arith.constant 0 : i32
        %dma_start3A_266 = arith.constant 0 : i32
        %dma_start3A_267 = tpu.memref_slice %arg9[%dma_start3A_265, %dma_start3A_266] : memref<10000x128xf32, #tpu.memory_space<vmem_shared>> -> memref<10000x128xf32, #tpu.memory_space<vmem_shared>>
        tpu.enqueue_indirect_dma source(%dma_start3A_261 : memref<125x128xf32, #tpu.memory_space<vmem>>) target(%dma_start3A_267 : memref<10000x128xf32, #tpu.memory_space<vmem_shared>>) offsets(%dma_start3A_264 : memref<125xi32, #tpu.memory_space<vmem>>) semaphore(%run_scoped3A_257 : memref<!tpu.dma_semaphore, #tpu.memory_space<semaphore_mem>>) {add = true}
        %dma_wait3A_268 = arith.constant 0 : i32
        %dma_wait3A_269 = arith.constant 0 : i32
        %dma_wait3A_270 = tpu.memref_slice %arg8[%run_scoped3A_163, %dma_wait3A_268, %dma_wait3A_269] : memref<2x125x128xf32, #tpu.memory_space<vmem>> -> memref<1x125x128xf32, #tpu.memory_space<vmem>>
        %dma_wait3A_271 = tpu.memref_squeeze %dma_wait3A_270 : memref<1x125x128xf32, #tpu.memory_space<vmem>> -> memref<125x128xf32, #tpu.memory_space<vmem>>
        %dma_wait3A_272 = arith.constant 0 : i32
        %dma_wait3A_273 = tpu.memref_slice %arg7[%run_scoped3A_164, %dma_wait3A_272] : memref<8x125xi32, #tpu.memory_space<vmem>> -> memref<1x125xi32, #tpu.memory_space<vmem>>
        %dma_wait3A_274 = tpu.memref_squeeze %dma_wait3A_273 : memref<1x125xi32, #tpu.memory_space<vmem>> -> memref<125xi32, #tpu.memory_space<vmem>>
        %dma_wait3A_275 = arith.constant 0 : i32
        %dma_wait3A_276 = arith.constant 0 : i32
        %dma_wait3A_277 = tpu.memref_slice %arg9[%dma_wait3A_275, %dma_wait3A_276] : memref<10000x128xf32, #tpu.memory_space<vmem_shared>> -> memref<10000x128xf32, #tpu.memory_space<vmem_shared>>
        tpu.wait_indirect_dma semaphore(%run_scoped3A_257 : memref<!tpu.dma_semaphore, #tpu.memory_space<semaphore_mem>>) src(%dma_wait3A_271 : memref<125x128xf32, #tpu.memory_space<vmem>>) dst(%dma_wait3A_277 : memref<10000x128xf32, #tpu.memory_space<vmem_shared>>)
        tpu.yield
      }) : () -> ()
      %dma_wait3A_165 = arith.constant 4 : i32
      %dma_wait3A_166 = arith.constant 0 : i32
      %dma_wait3A_167 = arith.constant 0 : i32
      %dma_wait3A_168 = arith.constant 0 : i32
      %dma_wait3A_169 = tpu.memref_slice %arg8[%dma_wait3A_166, %dma_wait3A_167, %dma_wait3A_168] : memref<2x125x128xf32, #tpu.memory_space<vmem>> -> memref<1x125x128xf32, #tpu.memory_space<vmem>>
      %dma_wait3A_170 = tpu.memref_squeeze %dma_wait3A_169 : memref<1x125x128xf32, #tpu.memory_space<vmem>> -> memref<125x128xf32, #tpu.memory_space<vmem>>
      %dma_wait3A_171 = arith.constant 0 : i32
      %dma_wait3A_172 = tpu.memref_slice %arg6[%dma_wait3A_165, %dma_wait3A_171] : memref<8x125xi32, #tpu.memory_space<vmem>> -> memref<1x125xi32, #tpu.memory_space<vmem>>
      %dma_wait3A_173 = tpu.memref_squeeze %dma_wait3A_172 : memref<1x125xi32, #tpu.memory_space<vmem>> -> memref<125xi32, #tpu.memory_space<vmem>>
      %dma_wait3A_174 = arith.constant 0 : i32
      %dma_wait3A_175 = arith.constant 0 : i32
      %dma_wait3A_176 = tpu.memref_slice %arg2[%dma_wait3A_174, %dma_wait3A_175] : memref<10000x128xf32, #tpu.memory_space<hbm>> -> memref<10000x128xf32, #tpu.memory_space<hbm>>
      tpu.wait_indirect_dma semaphore(%arg10 : memref<!tpu.dma_semaphore, #tpu.memory_space<semaphore_mem>>) src(%dma_wait3A_176 : memref<10000x128xf32, #tpu.memory_space<hbm>>) dst(%dma_wait3A_170 : memref<125x128xf32, #tpu.memory_space<vmem>>)
      %dma_start3A_177 = arith.constant 5 : i32
      %dma_start3A_178 = arith.constant 1 : i32
      %dma_start3A_179 = arith.constant 0 : i32
      %dma_start3A_180 = arith.constant 0 : i32
      %dma_start3A_181 = tpu.memref_slice %arg8[%dma_start3A_178, %dma_start3A_179, %dma_start3A_180] : memref<2x125x128xf32, #tpu.memory_space<vmem>> -> memref<1x125x128xf32, #tpu.memory_space<vmem>>
      %dma_start3A_182 = tpu.memref_squeeze %dma_start3A_181 : memref<1x125x128xf32, #tpu.memory_space<vmem>> -> memref<125x128xf32, #tpu.memory_space<vmem>>
      %dma_start3A_183 = arith.constant 0 : i32
      %dma_start3A_184 = tpu.memref_slice %arg6[%dma_start3A_177, %dma_start3A_183] : memref<8x125xi32, #tpu.memory_space<vmem>> -> memref<1x125xi32, #tpu.memory_space<vmem>>
      %dma_start3A_185 = tpu.memref_squeeze %dma_start3A_184 : memref<1x125xi32, #tpu.memory_space<vmem>> -> memref<125xi32, #tpu.memory_space<vmem>>
      %dma_start3A_186 = arith.constant 0 : i32
      %dma_start3A_187 = arith.constant 0 : i32
      %dma_start3A_188 = tpu.memref_slice %arg2[%dma_start3A_186, %dma_start3A_187] : memref<10000x128xf32, #tpu.memory_space<hbm>> -> memref<10000x128xf32, #tpu.memory_space<hbm>>
      tpu.enqueue_indirect_dma source(%dma_start3A_188 : memref<10000x128xf32, #tpu.memory_space<hbm>>) target(%dma_start3A_182 : memref<125x128xf32, #tpu.memory_space<vmem>>) offsets(%dma_start3A_185 : memref<125xi32, #tpu.memory_space<vmem>>) semaphore(%arg11 : memref<!tpu.dma_semaphore, #tpu.memory_space<semaphore_mem>>)
      %run_scoped3A_189 = arith.constant 0 : i32
      %run_scoped3A_190 = arith.constant 4 : i32
      "tpu.region"() ({
        %run_scoped3A_257 = tpu.sem_alloc : memref<!tpu.dma_semaphore, #tpu.memory_space<semaphore_mem>>
        %dma_start3A_258 = arith.constant 0 : i32
        %dma_start3A_259 = arith.constant 0 : i32
        %dma_start3A_260 = tpu.memref_slice %arg8[%run_scoped3A_189, %dma_start3A_258, %dma_start3A_259] : memref<2x125x128xf32, #tpu.memory_space<vmem>> -> memref<1x125x128xf32, #tpu.memory_space<vmem>>
        %dma_start3A_261 = tpu.memref_squeeze %dma_start3A_260 : memref<1x125x128xf32, #tpu.memory_space<vmem>> -> memref<125x128xf32, #tpu.memory_space<vmem>>
        %dma_start3A_262 = arith.constant 0 : i32
        %dma_start3A_263 = tpu.memref_slice %arg7[%run_scoped3A_190, %dma_start3A_262] : memref<8x125xi32, #tpu.memory_space<vmem>> -> memref<1x125xi32, #tpu.memory_space<vmem>>
        %dma_start3A_264 = tpu.memref_squeeze %dma_start3A_263 : memref<1x125xi32, #tpu.memory_space<vmem>> -> memref<125xi32, #tpu.memory_space<vmem>>
        %dma_start3A_265 = arith.constant 0 : i32
        %dma_start3A_266 = arith.constant 0 : i32
        %dma_start3A_267 = tpu.memref_slice %arg9[%dma_start3A_265, %dma_start3A_266] : memref<10000x128xf32, #tpu.memory_space<vmem_shared>> -> memref<10000x128xf32, #tpu.memory_space<vmem_shared>>
        tpu.enqueue_indirect_dma source(%dma_start3A_261 : memref<125x128xf32, #tpu.memory_space<vmem>>) target(%dma_start3A_267 : memref<10000x128xf32, #tpu.memory_space<vmem_shared>>) offsets(%dma_start3A_264 : memref<125xi32, #tpu.memory_space<vmem>>) semaphore(%run_scoped3A_257 : memref<!tpu.dma_semaphore, #tpu.memory_space<semaphore_mem>>) {add = true}
        %dma_wait3A_268 = arith.constant 0 : i32
        %dma_wait3A_269 = arith.constant 0 : i32
        %dma_wait3A_270 = tpu.memref_slice %arg8[%run_scoped3A_189, %dma_wait3A_268, %dma_wait3A_269] : memref<2x125x128xf32, #tpu.memory_space<vmem>> -> memref<1x125x128xf32, #tpu.memory_space<vmem>>
        %dma_wait3A_271 = tpu.memref_squeeze %dma_wait3A_270 : memref<1x125x128xf32, #tpu.memory_space<vmem>> -> memref<125x128xf32, #tpu.memory_space<vmem>>
        %dma_wait3A_272 = arith.constant 0 : i32
        %dma_wait3A_273 = tpu.memref_slice %arg7[%run_scoped3A_190, %dma_wait3A_272] : memref<8x125xi32, #tpu.memory_space<vmem>> -> memref<1x125xi32, #tpu.memory_space<vmem>>
        %dma_wait3A_274 = tpu.memref_squeeze %dma_wait3A_273 : memref<1x125xi32, #tpu.memory_space<vmem>> -> memref<125xi32, #tpu.memory_space<vmem>>
        %dma_wait3A_275 = arith.constant 0 : i32
        %dma_wait3A_276 = arith.constant 0 : i32
        %dma_wait3A_277 = tpu.memref_slice %arg9[%dma_wait3A_275, %dma_wait3A_276] : memref<10000x128xf32, #tpu.memory_space<vmem_shared>> -> memref<10000x128xf32, #tpu.memory_space<vmem_shared>>
        tpu.wait_indirect_dma semaphore(%run_scoped3A_257 : memref<!tpu.dma_semaphore, #tpu.memory_space<semaphore_mem>>) src(%dma_wait3A_271 : memref<125x128xf32, #tpu.memory_space<vmem>>) dst(%dma_wait3A_277 : memref<10000x128xf32, #tpu.memory_space<vmem_shared>>)
        tpu.yield
      }) : () -> ()
      %dma_wait3A_191 = arith.constant 5 : i32
      %dma_wait3A_192 = arith.constant 1 : i32
      %dma_wait3A_193 = arith.constant 0 : i32
      %dma_wait3A_194 = arith.constant 0 : i32
      %dma_wait3A_195 = tpu.memref_slice %arg8[%dma_wait3A_192, %dma_wait3A_193, %dma_wait3A_194] : memref<2x125x128xf32, #tpu.memory_space<vmem>> -> memref<1x125x128xf32, #tpu.memory_space<vmem>>
      %dma_wait3A_196 = tpu.memref_squeeze %dma_wait3A_195 : memref<1x125x128xf32, #tpu.memory_space<vmem>> -> memref<125x128xf32, #tpu.memory_space<vmem>>
      %dma_wait3A_197 = arith.constant 0 : i32
      %dma_wait3A_198 = tpu.memref_slice %arg6[%dma_wait3A_191, %dma_wait3A_197] : memref<8x125xi32, #tpu.memory_space<vmem>> -> memref<1x125xi32, #tpu.memory_space<vmem>>
      %dma_wait3A_199 = tpu.memref_squeeze %dma_wait3A_198 : memref<1x125xi32, #tpu.memory_space<vmem>> -> memref<125xi32, #tpu.memory_space<vmem>>
      %dma_wait3A_200 = arith.constant 0 : i32
      %dma_wait3A_201 = arith.constant 0 : i32
      %dma_wait3A_202 = tpu.memref_slice %arg2[%dma_wait3A_200, %dma_wait3A_201] : memref<10000x128xf32, #tpu.memory_space<hbm>> -> memref<10000x128xf32, #tpu.memory_space<hbm>>
      tpu.wait_indirect_dma semaphore(%arg11 : memref<!tpu.dma_semaphore, #tpu.memory_space<semaphore_mem>>) src(%dma_wait3A_202 : memref<10000x128xf32, #tpu.memory_space<hbm>>) dst(%dma_wait3A_196 : memref<125x128xf32, #tpu.memory_space<vmem>>)
      %dma_start3A_203 = arith.constant 6 : i32
      %dma_start3A_204 = arith.constant 0 : i32
      %dma_start3A_205 = arith.constant 0 : i32
      %dma_start3A_206 = arith.constant 0 : i32
      %dma_start3A_207 = tpu.memref_slice %arg8[%dma_start3A_204, %dma_start3A_205, %dma_start3A_206] : memref<2x125x128xf32, #tpu.memory_space<vmem>> -> memref<1x125x128xf32, #tpu.memory_space<vmem>>
      %dma_start3A_208 = tpu.memref_squeeze %dma_start3A_207 : memref<1x125x128xf32, #tpu.memory_space<vmem>> -> memref<125x128xf32, #tpu.memory_space<vmem>>
      %dma_start3A_209 = arith.constant 0 : i32
      %dma_start3A_210 = tpu.memref_slice %arg6[%dma_start3A_203, %dma_start3A_209] : memref<8x125xi32, #tpu.memory_space<vmem>> -> memref<1x125xi32, #tpu.memory_space<vmem>>
      %dma_start3A_211 = tpu.memref_squeeze %dma_start3A_210 : memref<1x125xi32, #tpu.memory_space<vmem>> -> memref<125xi32, #tpu.memory_space<vmem>>
      %dma_start3A_212 = arith.constant 0 : i32
      %dma_start3A_213 = arith.constant 0 : i32
      %dma_start3A_214 = tpu.memref_slice %arg2[%dma_start3A_212, %dma_start3A_213] : memref<10000x128xf32, #tpu.memory_space<hbm>> -> memref<10000x128xf32, #tpu.memory_space<hbm>>
      tpu.enqueue_indirect_dma source(%dma_start3A_214 : memref<10000x128xf32, #tpu.memory_space<hbm>>) target(%dma_start3A_208 : memref<125x128xf32, #tpu.memory_space<vmem>>) offsets(%dma_start3A_211 : memref<125xi32, #tpu.memory_space<vmem>>) semaphore(%arg10 : memref<!tpu.dma_semaphore, #tpu.memory_space<semaphore_mem>>)
      %run_scoped3A_215 = arith.constant 1 : i32
      %run_scoped3A_216 = arith.constant 5 : i32
      "tpu.region"() ({
        %run_scoped3A_257 = tpu.sem_alloc : memref<!tpu.dma_semaphore, #tpu.memory_space<semaphore_mem>>
        %dma_start3A_258 = arith.constant 0 : i32
        %dma_start3A_259 = arith.constant 0 : i32
        %dma_start3A_260 = tpu.memref_slice %arg8[%run_scoped3A_215, %dma_start3A_258, %dma_start3A_259] : memref<2x125x128xf32, #tpu.memory_space<vmem>> -> memref<1x125x128xf32, #tpu.memory_space<vmem>>
        %dma_start3A_261 = tpu.memref_squeeze %dma_start3A_260 : memref<1x125x128xf32, #tpu.memory_space<vmem>> -> memref<125x128xf32, #tpu.memory_space<vmem>>
        %dma_start3A_262 = arith.constant 0 : i32
        %dma_start3A_263 = tpu.memref_slice %arg7[%run_scoped3A_216, %dma_start3A_262] : memref<8x125xi32, #tpu.memory_space<vmem>> -> memref<1x125xi32, #tpu.memory_space<vmem>>
        %dma_start3A_264 = tpu.memref_squeeze %dma_start3A_263 : memref<1x125xi32, #tpu.memory_space<vmem>> -> memref<125xi32, #tpu.memory_space<vmem>>
        %dma_start3A_265 = arith.constant 0 : i32
        %dma_start3A_266 = arith.constant 0 : i32
        %dma_start3A_267 = tpu.memref_slice %arg9[%dma_start3A_265, %dma_start3A_266] : memref<10000x128xf32, #tpu.memory_space<vmem_shared>> -> memref<10000x128xf32, #tpu.memory_space<vmem_shared>>
        tpu.enqueue_indirect_dma source(%dma_start3A_261 : memref<125x128xf32, #tpu.memory_space<vmem>>) target(%dma_start3A_267 : memref<10000x128xf32, #tpu.memory_space<vmem_shared>>) offsets(%dma_start3A_264 : memref<125xi32, #tpu.memory_space<vmem>>) semaphore(%run_scoped3A_257 : memref<!tpu.dma_semaphore, #tpu.memory_space<semaphore_mem>>) {add = true}
        %dma_wait3A_268 = arith.constant 0 : i32
        %dma_wait3A_269 = arith.constant 0 : i32
        %dma_wait3A_270 = tpu.memref_slice %arg8[%run_scoped3A_215, %dma_wait3A_268, %dma_wait3A_269] : memref<2x125x128xf32, #tpu.memory_space<vmem>> -> memref<1x125x128xf32, #tpu.memory_space<vmem>>
        %dma_wait3A_271 = tpu.memref_squeeze %dma_wait3A_270 : memref<1x125x128xf32, #tpu.memory_space<vmem>> -> memref<125x128xf32, #tpu.memory_space<vmem>>
        %dma_wait3A_272 = arith.constant 0 : i32
        %dma_wait3A_273 = tpu.memref_slice %arg7[%run_scoped3A_216, %dma_wait3A_272] : memref<8x125xi32, #tpu.memory_space<vmem>> -> memref<1x125xi32, #tpu.memory_space<vmem>>
        %dma_wait3A_274 = tpu.memref_squeeze %dma_wait3A_273 : memref<1x125xi32, #tpu.memory_space<vmem>> -> memref<125xi32, #tpu.memory_space<vmem>>
        %dma_wait3A_275 = arith.constant 0 : i32
        %dma_wait3A_276 = arith.constant 0 : i32
        %dma_wait3A_277 = tpu.memref_slice %arg9[%dma_wait3A_275, %dma_wait3A_276] : memref<10000x128xf32, #tpu.memory_space<vmem_shared>> -> memref<10000x128xf32, #tpu.memory_space<vmem_shared>>
        tpu.wait_indirect_dma semaphore(%run_scoped3A_257 : memref<!tpu.dma_semaphore, #tpu.memory_space<semaphore_mem>>) src(%dma_wait3A_271 : memref<125x128xf32, #tpu.memory_space<vmem>>) dst(%dma_wait3A_277 : memref<10000x128xf32, #tpu.memory_space<vmem_shared>>)
        tpu.yield
      }) : () -> ()
      %dma_wait3A_217 = arith.constant 6 : i32
      %dma_wait3A_218 = arith.constant 0 : i32
      %dma_wait3A_219 = arith.constant 0 : i32
      %dma_wait3A_220 = arith.constant 0 : i32
      %dma_wait3A_221 = tpu.memref_slice %arg8[%dma_wait3A_218, %dma_wait3A_219, %dma_wait3A_220] : memref<2x125x128xf32, #tpu.memory_space<vmem>> -> memref<1x125x128xf32, #tpu.memory_space<vmem>>
      %dma_wait3A_222 = tpu.memref_squeeze %dma_wait3A_221 : memref<1x125x128xf32, #tpu.memory_space<vmem>> -> memref<125x128xf32, #tpu.memory_space<vmem>>
      %dma_wait3A_223 = arith.constant 0 : i32
      %dma_wait3A_224 = tpu.memref_slice %arg6[%dma_wait3A_217, %dma_wait3A_223] : memref<8x125xi32, #tpu.memory_space<vmem>> -> memref<1x125xi32, #tpu.memory_space<vmem>>
      %dma_wait3A_225 = tpu.memref_squeeze %dma_wait3A_224 : memref<1x125xi32, #tpu.memory_space<vmem>> -> memref<125xi32, #tpu.memory_space<vmem>>
      %dma_wait3A_226 = arith.constant 0 : i32
      %dma_wait3A_227 = arith.constant 0 : i32
      %dma_wait3A_228 = tpu.memref_slice %arg2[%dma_wait3A_226, %dma_wait3A_227] : memref<10000x128xf32, #tpu.memory_space<hbm>> -> memref<10000x128xf32, #tpu.memory_space<hbm>>
      tpu.wait_indirect_dma semaphore(%arg10 : memref<!tpu.dma_semaphore, #tpu.memory_space<semaphore_mem>>) src(%dma_wait3A_228 : memref<10000x128xf32, #tpu.memory_space<hbm>>) dst(%dma_wait3A_222 : memref<125x128xf32, #tpu.memory_space<vmem>>)
      %dma_start3A_229 = arith.constant 7 : i32
      %dma_start3A_230 = arith.constant 1 : i32
      %dma_start3A_231 = arith.constant 0 : i32
      %dma_start3A_232 = arith.constant 0 : i32
      %dma_start3A_233 = tpu.memref_slice %arg8[%dma_start3A_230, %dma_start3A_231, %dma_start3A_232] : memref<2x125x128xf32, #tpu.memory_space<vmem>> -> memref<1x125x128xf32, #tpu.memory_space<vmem>>
      %dma_start3A_234 = tpu.memref_squeeze %dma_start3A_233 : memref<1x125x128xf32, #tpu.memory_space<vmem>> -> memref<125x128xf32, #tpu.memory_space<vmem>>
      %dma_start3A_235 = arith.constant 0 : i32
      %dma_start3A_236 = tpu.memref_slice %arg6[%dma_start3A_229, %dma_start3A_235] : memref<8x125xi32, #tpu.memory_space<vmem>> -> memref<1x125xi32, #tpu.memory_space<vmem>>
      %dma_start3A_237 = tpu.memref_squeeze %dma_start3A_236 : memref<1x125xi32, #tpu.memory_space<vmem>> -> memref<125xi32, #tpu.memory_space<vmem>>
      %dma_start3A_238 = arith.constant 0 : i32
      %dma_start3A_239 = arith.constant 0 : i32
      %dma_start3A_240 = tpu.memref_slice %arg2[%dma_start3A_238, %dma_start3A_239] : memref<10000x128xf32, #tpu.memory_space<hbm>> -> memref<10000x128xf32, #tpu.memory_space<hbm>>
      tpu.enqueue_indirect_dma source(%dma_start3A_240 : memref<10000x128xf32, #tpu.memory_space<hbm>>) target(%dma_start3A_234 : memref<125x128xf32, #tpu.memory_space<vmem>>) offsets(%dma_start3A_237 : memref<125xi32, #tpu.memory_space<vmem>>) semaphore(%arg11 : memref<!tpu.dma_semaphore, #tpu.memory_space<semaphore_mem>>)
      %run_scoped3A_241 = arith.constant 0 : i32
      %run_scoped3A_242 = arith.constant 6 : i32
      "tpu.region"() ({
        %run_scoped3A_257 = tpu.sem_alloc : memref<!tpu.dma_semaphore, #tpu.memory_space<semaphore_mem>>
        %dma_start3A_258 = arith.constant 0 : i32
        %dma_start3A_259 = arith.constant 0 : i32
        %dma_start3A_260 = tpu.memref_slice %arg8[%run_scoped3A_241, %dma_start3A_258, %dma_start3A_259] : memref<2x125x128xf32, #tpu.memory_space<vmem>> -> memref<1x125x128xf32, #tpu.memory_space<vmem>>
        %dma_start3A_261 = tpu.memref_squeeze %dma_start3A_260 : memref<1x125x128xf32, #tpu.memory_space<vmem>> -> memref<125x128xf32, #tpu.memory_space<vmem>>
        %dma_start3A_262 = arith.constant 0 : i32
        %dma_start3A_263 = tpu.memref_slice %arg7[%run_scoped3A_242, %dma_start3A_262] : memref<8x125xi32, #tpu.memory_space<vmem>> -> memref<1x125xi32, #tpu.memory_space<vmem>>
        %dma_start3A_264 = tpu.memref_squeeze %dma_start3A_263 : memref<1x125xi32, #tpu.memory_space<vmem>> -> memref<125xi32, #tpu.memory_space<vmem>>
        %dma_start3A_265 = arith.constant 0 : i32
        %dma_start3A_266 = arith.constant 0 : i32
        %dma_start3A_267 = tpu.memref_slice %arg9[%dma_start3A_265, %dma_start3A_266] : memref<10000x128xf32, #tpu.memory_space<vmem_shared>> -> memref<10000x128xf32, #tpu.memory_space<vmem_shared>>
        tpu.enqueue_indirect_dma source(%dma_start3A_261 : memref<125x128xf32, #tpu.memory_space<vmem>>) target(%dma_start3A_267 : memref<10000x128xf32, #tpu.memory_space<vmem_shared>>) offsets(%dma_start3A_264 : memref<125xi32, #tpu.memory_space<vmem>>) semaphore(%run_scoped3A_257 : memref<!tpu.dma_semaphore, #tpu.memory_space<semaphore_mem>>) {add = true}
        %dma_wait3A_268 = arith.constant 0 : i32
        %dma_wait3A_269 = arith.constant 0 : i32
        %dma_wait3A_270 = tpu.memref_slice %arg8[%run_scoped3A_241, %dma_wait3A_268, %dma_wait3A_269] : memref<2x125x128xf32, #tpu.memory_space<vmem>> -> memref<1x125x128xf32, #tpu.memory_space<vmem>>
        %dma_wait3A_271 = tpu.memref_squeeze %dma_wait3A_270 : memref<1x125x128xf32, #tpu.memory_space<vmem>> -> memref<125x128xf32, #tpu.memory_space<vmem>>
        %dma_wait3A_272 = arith.constant 0 : i32
        %dma_wait3A_273 = tpu.memref_slice %arg7[%run_scoped3A_242, %dma_wait3A_272] : memref<8x125xi32, #tpu.memory_space<vmem>> -> memref<1x125xi32, #tpu.memory_space<vmem>>
        %dma_wait3A_274 = tpu.memref_squeeze %dma_wait3A_273 : memref<1x125xi32, #tpu.memory_space<vmem>> -> memref<125xi32, #tpu.memory_space<vmem>>
        %dma_wait3A_275 = arith.constant 0 : i32
        %dma_wait3A_276 = arith.constant 0 : i32
        %dma_wait3A_277 = tpu.memref_slice %arg9[%dma_wait3A_275, %dma_wait3A_276] : memref<10000x128xf32, #tpu.memory_space<vmem_shared>> -> memref<10000x128xf32, #tpu.memory_space<vmem_shared>>
        tpu.wait_indirect_dma semaphore(%run_scoped3A_257 : memref<!tpu.dma_semaphore, #tpu.memory_space<semaphore_mem>>) src(%dma_wait3A_271 : memref<125x128xf32, #tpu.memory_space<vmem>>) dst(%dma_wait3A_277 : memref<10000x128xf32, #tpu.memory_space<vmem_shared>>)
        tpu.yield
      }) : () -> ()
      %dma_wait3A_243 = arith.constant 7 : i32
      %dma_wait3A_244 = arith.constant 1 : i32
      %dma_wait3A_245 = arith.constant 0 : i32
      %dma_wait3A_246 = arith.constant 0 : i32
      %dma_wait3A_247 = tpu.memref_slice %arg8[%dma_wait3A_244, %dma_wait3A_245, %dma_wait3A_246] : memref<2x125x128xf32, #tpu.memory_space<vmem>> -> memref<1x125x128xf32, #tpu.memory_space<vmem>>
      %dma_wait3A_248 = tpu.memref_squeeze %dma_wait3A_247 : memref<1x125x128xf32, #tpu.memory_space<vmem>> -> memref<125x128xf32, #tpu.memory_space<vmem>>
      %dma_wait3A_249 = arith.constant 0 : i32
      %dma_wait3A_250 = tpu.memref_slice %arg6[%dma_wait3A_243, %dma_wait3A_249] : memref<8x125xi32, #tpu.memory_space<vmem>> -> memref<1x125xi32, #tpu.memory_space<vmem>>
      %dma_wait3A_251 = tpu.memref_squeeze %dma_wait3A_250 : memref<1x125xi32, #tpu.memory_space<vmem>> -> memref<125xi32, #tpu.memory_space<vmem>>
      %dma_wait3A_252 = arith.constant 0 : i32
      %dma_wait3A_253 = arith.constant 0 : i32
      %dma_wait3A_254 = tpu.memref_slice %arg2[%dma_wait3A_252, %dma_wait3A_253] : memref<10000x128xf32, #tpu.memory_space<hbm>> -> memref<10000x128xf32, #tpu.memory_space<hbm>>
      tpu.wait_indirect_dma semaphore(%arg11 : memref<!tpu.dma_semaphore, #tpu.memory_space<semaphore_mem>>) src(%dma_wait3A_254 : memref<10000x128xf32, #tpu.memory_space<hbm>>) dst(%dma_wait3A_248 : memref<125x128xf32, #tpu.memory_space<vmem>>)
      %run_scoped3A_255 = arith.constant 1 : i32
      %run_scoped3A_256 = arith.constant 7 : i32
      "tpu.region"() ({
        %run_scoped3A_257 = tpu.sem_alloc : memref<!tpu.dma_semaphore, #tpu.memory_space<semaphore_mem>>
        %dma_start3A_258 = arith.constant 0 : i32
        %dma_start3A_259 = arith.constant 0 : i32
        %dma_start3A_260 = tpu.memref_slice %arg8[%run_scoped3A_255, %dma_start3A_258, %dma_start3A_259] : memref<2x125x128xf32, #tpu.memory_space<vmem>> -> memref<1x125x128xf32, #tpu.memory_space<vmem>>
        %dma_start3A_261 = tpu.memref_squeeze %dma_start3A_260 : memref<1x125x128xf32, #tpu.memory_space<vmem>> -> memref<125x128xf32, #tpu.memory_space<vmem>>
        %dma_start3A_262 = arith.constant 0 : i32
        %dma_start3A_263 = tpu.memref_slice %arg7[%run_scoped3A_256, %dma_start3A_262] : memref<8x125xi32, #tpu.memory_space<vmem>> -> memref<1x125xi32, #tpu.memory_space<vmem>>
        %dma_start3A_264 = tpu.memref_squeeze %dma_start3A_263 : memref<1x125xi32, #tpu.memory_space<vmem>> -> memref<125xi32, #tpu.memory_space<vmem>>
        %dma_start3A_265 = arith.constant 0 : i32
        %dma_start3A_266 = arith.constant 0 : i32
        %dma_start3A_267 = tpu.memref_slice %arg9[%dma_start3A_265, %dma_start3A_266] : memref<10000x128xf32, #tpu.memory_space<vmem_shared>> -> memref<10000x128xf32, #tpu.memory_space<vmem_shared>>
        tpu.enqueue_indirect_dma source(%dma_start3A_261 : memref<125x128xf32, #tpu.memory_space<vmem>>) target(%dma_start3A_267 : memref<10000x128xf32, #tpu.memory_space<vmem_shared>>) offsets(%dma_start3A_264 : memref<125xi32, #tpu.memory_space<vmem>>) semaphore(%run_scoped3A_257 : memref<!tpu.dma_semaphore, #tpu.memory_space<semaphore_mem>>) {add = true}
        %dma_wait3A_268 = arith.constant 0 : i32
        %dma_wait3A_269 = arith.constant 0 : i32
        %dma_wait3A_270 = tpu.memref_slice %arg8[%run_scoped3A_255, %dma_wait3A_268, %dma_wait3A_269] : memref<2x125x128xf32, #tpu.memory_space<vmem>> -> memref<1x125x128xf32, #tpu.memory_space<vmem>>
        %dma_wait3A_271 = tpu.memref_squeeze %dma_wait3A_270 : memref<1x125x128xf32, #tpu.memory_space<vmem>> -> memref<125x128xf32, #tpu.memory_space<vmem>>
        %dma_wait3A_272 = arith.constant 0 : i32
        %dma_wait3A_273 = tpu.memref_slice %arg7[%run_scoped3A_256, %dma_wait3A_272] : memref<8x125xi32, #tpu.memory_space<vmem>> -> memref<1x125xi32, #tpu.memory_space<vmem>>
        %dma_wait3A_274 = tpu.memref_squeeze %dma_wait3A_273 : memref<1x125xi32, #tpu.memory_space<vmem>> -> memref<125xi32, #tpu.memory_space<vmem>>
        %dma_wait3A_275 = arith.constant 0 : i32
        %dma_wait3A_276 = arith.constant 0 : i32
        %dma_wait3A_277 = tpu.memref_slice %arg9[%dma_wait3A_275, %dma_wait3A_276] : memref<10000x128xf32, #tpu.memory_space<vmem_shared>> -> memref<10000x128xf32, #tpu.memory_space<vmem_shared>>
        tpu.wait_indirect_dma semaphore(%run_scoped3A_257 : memref<!tpu.dma_semaphore, #tpu.memory_space<semaphore_mem>>) src(%dma_wait3A_271 : memref<125x128xf32, #tpu.memory_space<vmem>>) dst(%dma_wait3A_277 : memref<10000x128xf32, #tpu.memory_space<vmem_shared>>)
        tpu.yield
      }) : () -> ()
    }
    %scan3A_35 = arith.constant 10 : i32
    %barrier3A_36 = arith.constant 0 : index
    tpu.barrier barrier_id(%barrier3A_36)
    %mul3A_37 = arith.constant 632 : i32
    %mul3A_38 = arith.muli %arg1, %mul3A_37 : i32
    %multiple_of3A = tpu.assume_multiple %mul3A_38, 8 : i32
    %lt3A = arith.constant 15 : i32
    %lt3A_39 = arith.cmpi slt, %arg1, %lt3A : i32
    %convert_element_type3A = arith.extui %lt3A_39 : i1 to i32
    %cond3A = arith.constant 0 : i32
    %cond3A_40 = arith.cmpi ne, %convert_element_type3A, %cond3A : i32
    scf.if %cond3A_40 {
      "tpu.region"() ({
        %run_scoped3A_45 = tpu.sem_alloc : memref<!tpu.dma_semaphore, #tpu.memory_space<semaphore_mem>>
        %dma_start3A = arith.constant 0 : i32
        %dma_start3A_46 = tpu.memref_slice %arg5[%arg0, %multiple_of3A, %dma_start3A] : memref<2x10000x128xf32, #tpu.memory_space<hbm>> -> memref<1x632x128xf32, #tpu.memory_space<hbm>>
        %dma_start3A_47 = tpu.memref_squeeze %dma_start3A_46 : memref<1x632x128xf32, #tpu.memory_space<hbm>> -> memref<632x128xf32, #tpu.memory_space<hbm>>
        %dma_start3A_48 = arith.constant 0 : i32
        %dma_start3A_49 = tpu.memref_slice %arg9[%multiple_of3A, %dma_start3A_48] : memref<10000x128xf32, #tpu.memory_space<vmem_shared>> -> memref<632x128xf32, #tpu.memory_space<vmem_shared>>
        tpu.enqueue_dma source(%dma_start3A_49 : memref<632x128xf32, #tpu.memory_space<vmem_shared>>) target(%dma_start3A_47 : memref<632x128xf32, #tpu.memory_space<hbm>>) target_semaphore(%run_scoped3A_45 : memref<!tpu.dma_semaphore, #tpu.memory_space<semaphore_mem>>)
        %dma_wait3A = arith.constant 0 : i32
        %dma_wait3A_50 = tpu.memref_slice %arg5[%arg0, %multiple_of3A, %dma_wait3A] : memref<2x10000x128xf32, #tpu.memory_space<hbm>> -> memref<1x632x128xf32, #tpu.memory_space<hbm>>
        %dma_wait3A_51 = tpu.memref_squeeze %dma_wait3A_50 : memref<1x632x128xf32, #tpu.memory_space<hbm>> -> memref<632x128xf32, #tpu.memory_space<hbm>>
        %dma_wait3A_52 = arith.constant 0 : i32
        %dma_wait3A_53 = tpu.memref_slice %arg9[%multiple_of3A, %dma_wait3A_52] : memref<10000x128xf32, #tpu.memory_space<vmem_shared>> -> memref<632x128xf32, #tpu.memory_space<vmem_shared>>
        tpu.wait_dma2 semaphore(%run_scoped3A_45 : memref<!tpu.dma_semaphore, #tpu.memory_space<semaphore_mem>>) src(%dma_wait3A_53 : memref<632x128xf32, #tpu.memory_space<vmem_shared>>) dst(%dma_wait3A_51 : memref<632x128xf32, #tpu.memory_space<hbm>>)
        tpu.yield
      }) : () -> ()
    } else {
    }
    %eq3A = arith.constant 15 : i32
    %eq3A_41 = arith.cmpi eq, %arg1, %eq3A : i32
    %convert_element_type3A_42 = arith.extui %eq3A_41 : i1 to i32
    %cond3A_43 = arith.constant 0 : i32
    %cond3A_44 = arith.cmpi ne, %convert_element_type3A_42, %cond3A_43 : i32
    scf.if %cond3A_44 {
      "tpu.region"() ({
        %run_scoped3A_45 = tpu.sem_alloc : memref<!tpu.dma_semaphore, #tpu.memory_space<semaphore_mem>>
        %dma_start3A = arith.constant 0 : i32
        %dma_start3A_46 = tpu.memref_slice %arg5[%arg0, %multiple_of3A, %dma_start3A] : memref<2x10000x128xf32, #tpu.memory_space<hbm>> -> memref<1x520x128xf32, #tpu.memory_space<hbm>>
        %dma_start3A_47 = tpu.memref_squeeze %dma_start3A_46 : memref<1x520x128xf32, #tpu.memory_space<hbm>> -> memref<520x128xf32, #tpu.memory_space<hbm>>
        %dma_start3A_48 = arith.constant 0 : i32
        %dma_start3A_49 = tpu.memref_slice %arg9[%multiple_of3A, %dma_start3A_48] : memref<10000x128xf32, #tpu.memory_space<vmem_shared>> -> memref<520x128xf32, #tpu.memory_space<vmem_shared>>
        tpu.enqueue_dma source(%dma_start3A_49 : memref<520x128xf32, #tpu.memory_space<vmem_shared>>) target(%dma_start3A_47 : memref<520x128xf32, #tpu.memory_space<hbm>>) target_semaphore(%run_scoped3A_45 : memref<!tpu.dma_semaphore, #tpu.memory_space<semaphore_mem>>)
        %dma_wait3A = arith.constant 0 : i32
        %dma_wait3A_50 = tpu.memref_slice %arg5[%arg0, %multiple_of3A, %dma_wait3A] : memref<2x10000x128xf32, #tpu.memory_space<hbm>> -> memref<1x520x128xf32, #tpu.memory_space<hbm>>
        %dma_wait3A_51 = tpu.memref_squeeze %dma_wait3A_50 : memref<1x520x128xf32, #tpu.memory_space<hbm>> -> memref<520x128xf32, #tpu.memory_space<hbm>>
        %dma_wait3A_52 = arith.constant 0 : i32
        %dma_wait3A_53 = tpu.memref_slice %arg9[%multiple_of3A, %dma_wait3A_52] : memref<10000x128xf32, #tpu.memory_space<vmem_shared>> -> memref<520x128xf32, #tpu.memory_space<vmem_shared>>
        tpu.wait_dma2 semaphore(%run_scoped3A_45 : memref<!tpu.dma_semaphore, #tpu.memory_space<semaphore_mem>>) src(%dma_wait3A_53 : memref<520x128xf32, #tpu.memory_space<vmem_shared>>) dst(%dma_wait3A_51 : memref<520x128xf32, #tpu.memory_space<hbm>>)
        tpu.yield
      }) : () -> ()
    } else {
    }
    return
  }
}

#map = affine_map<(d0, d1) -> (0, 0)>
#map1 = affine_map<(d0, d1) -> (0, 0, 0)>
module attributes {stable_mosaic.version = 14 : i64} {
  func.func @_segsum_sc(%arg0: i32, %arg1: i32, %arg2: memref<10000x128xf32, #tpu.memory_space<hbm>>, %arg3: memref<2560x125xi32, #tpu.memory_space<hbm>>, %arg4: memref<2560x125xi32, #tpu.memory_space<hbm>>, %arg5: memref<2x10000x128xf32, #tpu.memory_space<hbm>>, %arg6: memref<8x125xi32, #tpu.memory_space<vmem>>, %arg7: memref<8x125xi32, #tpu.memory_space<vmem>>, %arg8: memref<2x125x128xf32, #tpu.memory_space<vmem>>, %arg9: memref<10000x128xf32, #tpu.memory_space<vmem_shared>>, %arg10: memref<!tpu.dma_semaphore, #tpu.memory_space<semaphore_mem>>, %arg11: memref<!tpu.dma_semaphore, #tpu.memory_space<semaphore_mem>>) attributes {dimension_semantics = [#tpu.dimension_semantics<core_parallel>, #tpu.dimension_semantics<subcore_parallel>], iteration_bounds = array<i64: 2, 16>, scalar_prefetch = 0 : i64, scratch_operands = 6 : i64, tpu.core_type = #tpu.core_type<sc_vector_subcore>, window_params = [{transform_indices = #map}, {transform_indices = #map}, {transform_indices = #map}, {transform_indices = #map1}]} {
    %mul3A = arith.constant 2 : i32
    %mul3A_0 = arith.muli %arg1, %mul3A : i32
    %add3A = arith.addi %mul3A_0, %arg0 : i32
    %scan3A = arith.constant 0 : i32
    %scan3A_1 = arith.constant 0 : i32
    %scan3A_2 = arith.constant 1000 : i32
    %scan3A_3 = arith.addi %scan3A_1, %scan3A_2 : i32
    %scan3A_4 = arith.constant 1 : i32
    scf.for %scan3A_45 = %scan3A_1 to %scan3A_3 step %scan3A_4  : i32 {
      %jit3A = arith.constant 8 : i32
      %div3A = arith.divsi %scan3A_45, %jit3A : i32
      %sign3A = arith.constant 0 : i32
      %sign3A_46 = arith.cmpi sgt, %scan3A_45, %sign3A : i32
      %sign3A_47 = arith.extui %sign3A_46 : i1 to i32
      %sign3A_48 = arith.constant 0 : i32
      %sign3A_49 = arith.cmpi slt, %scan3A_45, %sign3A_48 : i32
      %sign3A_50 = arith.extui %sign3A_49 : i1 to i32
      %sign3A_51 = arith.subi %sign3A_47, %sign3A_50 : i32
      %sign3A_52 = arith.constant 0 : i32
      %sign3A_53 = arith.cmpi sgt, %jit3A, %sign3A_52 : i32
      %sign3A_54 = arith.extui %sign3A_53 : i1 to i32
      %sign3A_55 = arith.constant 0 : i32
      %sign3A_56 = arith.cmpi slt, %jit3A, %sign3A_55 : i32
      %sign3A_57 = arith.extui %sign3A_56 : i1 to i32
      %sign3A_58 = arith.subi %sign3A_54, %sign3A_57 : i32
      %ne3A = arith.cmpi ne, %sign3A_51, %sign3A_58 : i32
      %rem3A = arith.remsi %scan3A_45, %jit3A : i32
      %ne3A_59 = arith.constant 0 : i32
      %ne3A_60 = arith.cmpi ne, %rem3A, %ne3A_59 : i32
      %and3A = arith.andi %ne3A, %ne3A_60 : i1
      %sub3A = arith.constant 1 : i32
      %sub3A_61 = arith.subi %div3A, %sub3A : i32
      %select_n3A = arith.select %and3A, %sub3A_61, %div3A : i32
      %jit3A_62 = arith.constant 8 : i32
      %eq3A_63 = arith.constant 0 : i32
      %eq3A_64 = arith.cmpi eq, %jit3A_62, %eq3A_63 : i32
      %jit3A_65 = arith.constant 1 : i32
      %select_n3A_66 = arith.select %eq3A_64, %jit3A_65, %jit3A_62 : i32
      %rem3A_67 = arith.remsi %scan3A_45, %select_n3A_66 : i32
      %ne3A_68 = arith.constant 0 : i32
      %ne3A_69 = arith.cmpi ne, %rem3A_67, %ne3A_68 : i32
      %lt3A_70 = arith.constant 0 : i32
      %lt3A_71 = arith.cmpi slt, %rem3A_67, %lt3A_70 : i32
      %lt3A_72 = arith.constant 0 : i32
      %lt3A_73 = arith.cmpi slt, %select_n3A_66, %lt3A_72 : i32
      %ne3A_74 = arith.xori %lt3A_71, %lt3A_73 : i1
      %and3A_75 = arith.andi %ne3A_74, %ne3A_69 : i1
      %add3A_76 = arith.addi %rem3A_67, %select_n3A_66 : i32
      %select_n3A_77 = arith.select %and3A_75, %add3A_76, %rem3A_67 : i32
      %mul3A_78 = arith.constant 16 : i32
      %mul3A_79 = arith.muli %select_n3A_77, %mul3A_78 : i32
      %broadcast_in_dim3A = arith.constant 0.000000e+00 : f32
      %broadcast_in_dim3A_80 = vector.broadcast %broadcast_in_dim3A : f32 to vector<16xf32>
      %swap3A = arith.constant 0 : i32
      %swap3A_81 = arith.index_cast %swap3A : i32 to index
      %swap3A_82 = arith.index_cast %select_n3A : i32 to index
      %swap3A_83 = arith.index_cast %mul3A_79 : i32 to index
      %swap3A_84 = tpu.vector_load %arg8[%swap3A_81, %swap3A_82, %swap3A_83] {strides = array<i32>} : memref<2x125x128xf32, #tpu.memory_space<vmem>>, vector<1x1x16xf32>,
      %swap3A_85 = vector.shape_cast %swap3A_84 : vector<1x1x16xf32> to vector<16xf32>
      %swap3A_86 = vector.shape_cast %broadcast_in_dim3A_80 : vector<16xf32> to vector<1x1x16xf32>
      tpu.vector_store %arg8[%swap3A_81, %swap3A_82, %swap3A_83], %swap3A_86 {strides = array<i32>} : memref<2x125x128xf32, #tpu.memory_space<vmem>>, vector<1x1x16xf32>,
    }
    %scan3A_5 = arith.constant 1000 : i32
    %mul3A_6 = arith.constant 625 : i32
    %mul3A_7 = arith.muli %arg1, %mul3A_6 : i32
    %add3A_8 = arith.constant 0 : i32
    %add3A_9 = arith.addi %mul3A_7, %add3A_8 : i32
    %run_scoped3A = arith.constant 0 : i32
    "tpu.region"() ({
      %run_scoped3A_45 = tpu.sem_alloc : memref<!tpu.dma_semaphore, #tpu.memory_space<semaphore_mem>>
      %dma_start3A = arith.constant 0 : i32
      %dma_start3A_46 = arith.constant 0 : i32
      %dma_start3A_47 = tpu.memref_slice %arg8[%run_scoped3A, %dma_start3A, %dma_start3A_46] : memref<2x125x128xf32, #tpu.memory_space<vmem>> -> memref<1x125x128xf32, #tpu.memory_space<vmem>>
      %dma_start3A_48 = tpu.memref_squeeze %dma_start3A_47 : memref<1x125x128xf32, #tpu.memory_space<vmem>> -> memref<125x128xf32, #tpu.memory_space<vmem>>
      %dma_start3A_49 = arith.constant 0 : i32
      %dma_start3A_50 = tpu.memref_slice %arg9[%add3A_9, %dma_start3A_49] : memref<10000x128xf32, #tpu.memory_space<vmem_shared>> -> memref<125x128xf32, #tpu.memory_space<vmem_shared>>
      %dma_start3A_51 = arith.constant 0 : i32
      %dma_start3A_52 = tpu.memref_slice %arg9[%add3A_9, %dma_start3A_51] : memref<10000x128xf32, #tpu.memory_space<vmem_shared>> -> memref<125x128xf32, #tpu.memory_space<vmem_shared>>
      %dma_start3A_53 = arith.constant 0 : i32
      %dma_start3A_54 = arith.constant 0 : i32
      %dma_start3A_55 = tpu.memref_slice %arg8[%run_scoped3A, %dma_start3A_53, %dma_start3A_54] : memref<2x125x128xf32, #tpu.memory_space<vmem>> -> memref<1x125x128xf32, #tpu.memory_space<vmem>>
      %dma_start3A_56 = tpu.memref_squeeze %dma_start3A_55 : memref<1x125x128xf32, #tpu.memory_space<vmem>> -> memref<125x128xf32, #tpu.memory_space<vmem>>
      tpu.enqueue_dma source(%dma_start3A_56 : memref<125x128xf32, #tpu.memory_space<vmem>>) target(%dma_start3A_52 : memref<125x128xf32, #tpu.memory_space<vmem_shared>>) target_semaphore(%run_scoped3A_45 : memref<!tpu.dma_semaphore, #tpu.memory_space<semaphore_mem>>)
      %dma_wait3A = arith.constant 0 : i32
      %dma_wait3A_57 = arith.constant 0 : i32
      %dma_wait3A_58 = tpu.memref_slice %arg8[%run_scoped3A, %dma_wait3A, %dma_wait3A_57] : memref<2x125x128xf32, #tpu.memory_space<vmem>> -> memref<1x125x128xf32, #tpu.memory_space<vmem>>
      %dma_wait3A_59 = tpu.memref_squeeze %dma_wait3A_58 : memref<1x125x128xf32, #tpu.memory_space<vmem>> -> memref<125x128xf32, #tpu.memory_space<vmem>>
      %dma_wait3A_60 = arith.constant 0 : i32
      %dma_wait3A_61 = tpu.memref_slice %arg9[%add3A_9, %dma_wait3A_60] : memref<10000x128xf32, #tpu.memory_space<vmem_shared>> -> memref<125x128xf32, #tpu.memory_space<vmem_shared>>
      %dma_wait3A_62 = arith.constant 0 : i32
      %dma_wait3A_63 = tpu.memref_slice %arg9[%add3A_9, %dma_wait3A_62] : memref<10000x128xf32, #tpu.memory_space<vmem_shared>> -> memref<125x128xf32, #tpu.memory_space<vmem_shared>>
      %dma_wait3A_64 = arith.constant 0 : i32
      %dma_wait3A_65 = arith.constant 0 : i32
      %dma_wait3A_66 = tpu.memref_slice %arg8[%run_scoped3A, %dma_wait3A_64, %dma_wait3A_65] : memref<2x125x128xf32, #tpu.memory_space<vmem>> -> memref<1x125x128xf32, #tpu.memory_space<vmem>>
      %dma_wait3A_67 = tpu.memref_squeeze %dma_wait3A_66 : memref<1x125x128xf32, #tpu.memory_space<vmem>> -> memref<125x128xf32, #tpu.memory_space<vmem>>
      tpu.wait_dma2 semaphore(%run_scoped3A_45 : memref<!tpu.dma_semaphore, #tpu.memory_space<semaphore_mem>>) src(%dma_wait3A_67 : memref<125x128xf32, #tpu.memory_space<vmem>>) dst(%dma_wait3A_63 : memref<125x128xf32, #tpu.memory_space<vmem_shared>>)
      tpu.yield
    }) : () -> ()
    %mul3A_10 = arith.constant 625 : i32
    %mul3A_11 = arith.muli %arg1, %mul3A_10 : i32
    %add3A_12 = arith.constant 125 : i32
    %add3A_13 = arith.addi %mul3A_11, %add3A_12 : i32
    %run_scoped3A_14 = arith.constant 0 : i32
    "tpu.region"() ({
      %run_scoped3A_45 = tpu.sem_alloc : memref<!tpu.dma_semaphore, #tpu.memory_space<semaphore_mem>>
      %dma_start3A = arith.constant 0 : i32
      %dma_start3A_46 = arith.constant 0 : i32
      %dma_start3A_47 = tpu.memref_slice %arg8[%run_scoped3A_14, %dma_start3A, %dma_start3A_46] : memref<2x125x128xf32, #tpu.memory_space<vmem>> -> memref<1x125x128xf32, #tpu.memory_space<vmem>>
      %dma_start3A_48 = tpu.memref_squeeze %dma_start3A_47 : memref<1x125x128xf32, #tpu.memory_space<vmem>> -> memref<125x128xf32, #tpu.memory_space<vmem>>
      %dma_start3A_49 = arith.constant 0 : i32
      %dma_start3A_50 = tpu.memref_slice %arg9[%add3A_13, %dma_start3A_49] : memref<10000x128xf32, #tpu.memory_space<vmem_shared>> -> memref<125x128xf32, #tpu.memory_space<vmem_shared>>
      %dma_start3A_51 = arith.constant 0 : i32
      %dma_start3A_52 = tpu.memref_slice %arg9[%add3A_13, %dma_start3A_51] : memref<10000x128xf32, #tpu.memory_space<vmem_shared>> -> memref<125x128xf32, #tpu.memory_space<vmem_shared>>
      %dma_start3A_53 = arith.constant 0 : i32
      %dma_start3A_54 = arith.constant 0 : i32
      %dma_start3A_55 = tpu.memref_slice %arg8[%run_scoped3A_14, %dma_start3A_53, %dma_start3A_54] : memref<2x125x128xf32, #tpu.memory_space<vmem>> -> memref<1x125x128xf32, #tpu.memory_space<vmem>>
      %dma_start3A_56 = tpu.memref_squeeze %dma_start3A_55 : memref<1x125x128xf32, #tpu.memory_space<vmem>> -> memref<125x128xf32, #tpu.memory_space<vmem>>
      tpu.enqueue_dma source(%dma_start3A_56 : memref<125x128xf32, #tpu.memory_space<vmem>>) target(%dma_start3A_52 : memref<125x128xf32, #tpu.memory_space<vmem_shared>>) target_semaphore(%run_scoped3A_45 : memref<!tpu.dma_semaphore, #tpu.memory_space<semaphore_mem>>)
      %dma_wait3A = arith.constant 0 : i32
      %dma_wait3A_57 = arith.constant 0 : i32
      %dma_wait3A_58 = tpu.memref_slice %arg8[%run_scoped3A_14, %dma_wait3A, %dma_wait3A_57] : memref<2x125x128xf32, #tpu.memory_space<vmem>> -> memref<1x125x128xf32, #tpu.memory_space<vmem>>
      %dma_wait3A_59 = tpu.memref_squeeze %dma_wait3A_58 : memref<1x125x128xf32, #tpu.memory_space<vmem>> -> memref<125x128xf32, #tpu.memory_space<vmem>>
      %dma_wait3A_60 = arith.constant 0 : i32
      %dma_wait3A_61 = tpu.memref_slice %arg9[%add3A_13, %dma_wait3A_60] : memref<10000x128xf32, #tpu.memory_space<vmem_shared>> -> memref<125x128xf32, #tpu.memory_space<vmem_shared>>
      %dma_wait3A_62 = arith.constant 0 : i32
      %dma_wait3A_63 = tpu.memref_slice %arg9[%add3A_13, %dma_wait3A_62] : memref<10000x128xf32, #tpu.memory_space<vmem_shared>> -> memref<125x128xf32, #tpu.memory_space<vmem_shared>>
      %dma_wait3A_64 = arith.constant 0 : i32
      %dma_wait3A_65 = arith.constant 0 : i32
      %dma_wait3A_66 = tpu.memref_slice %arg8[%run_scoped3A_14, %dma_wait3A_64, %dma_wait3A_65] : memref<2x125x128xf32, #tpu.memory_space<vmem>> -> memref<1x125x128xf32, #tpu.memory_space<vmem>>
      %dma_wait3A_67 = tpu.memref_squeeze %dma_wait3A_66 : memref<1x125x128xf32, #tpu.memory_space<vmem>> -> memref<125x128xf32, #tpu.memory_space<vmem>>
      tpu.wait_dma2 semaphore(%run_scoped3A_45 : memref<!tpu.dma_semaphore, #tpu.memory_space<semaphore_mem>>) src(%dma_wait3A_67 : memref<125x128xf32, #tpu.memory_space<vmem>>) dst(%dma_wait3A_63 : memref<125x128xf32, #tpu.memory_space<vmem_shared>>)
      tpu.yield
    }) : () -> ()
    %mul3A_15 = arith.constant 625 : i32
    %mul3A_16 = arith.muli %arg1, %mul3A_15 : i32
    %add3A_17 = arith.constant 250 : i32
    %add3A_18 = arith.addi %mul3A_16, %add3A_17 : i32
    %run_scoped3A_19 = arith.constant 0 : i32
    "tpu.region"() ({
      %run_scoped3A_45 = tpu.sem_alloc : memref<!tpu.dma_semaphore, #tpu.memory_space<semaphore_mem>>
      %dma_start3A = arith.constant 0 : i32
      %dma_start3A_46 = arith.constant 0 : i32
      %dma_start3A_47 = tpu.memref_slice %arg8[%run_scoped3A_19, %dma_start3A, %dma_start3A_46] : memref<2x125x128xf32, #tpu.memory_space<vmem>> -> memref<1x125x128xf32, #tpu.memory_space<vmem>>
      %dma_start3A_48 = tpu.memref_squeeze %dma_start3A_47 : memref<1x125x128xf32, #tpu.memory_space<vmem>> -> memref<125x128xf32, #tpu.memory_space<vmem>>
      %dma_start3A_49 = arith.constant 0 : i32
      %dma_start3A_50 = tpu.memref_slice %arg9[%add3A_18, %dma_start3A_49] : memref<10000x128xf32, #tpu.memory_space<vmem_shared>> -> memref<125x128xf32, #tpu.memory_space<vmem_shared>>
      %dma_start3A_51 = arith.constant 0 : i32
      %dma_start3A_52 = tpu.memref_slice %arg9[%add3A_18, %dma_start3A_51] : memref<10000x128xf32, #tpu.memory_space<vmem_shared>> -> memref<125x128xf32, #tpu.memory_space<vmem_shared>>
      %dma_start3A_53 = arith.constant 0 : i32
      %dma_start3A_54 = arith.constant 0 : i32
      %dma_start3A_55 = tpu.memref_slice %arg8[%run_scoped3A_19, %dma_start3A_53, %dma_start3A_54] : memref<2x125x128xf32, #tpu.memory_space<vmem>> -> memref<1x125x128xf32, #tpu.memory_space<vmem>>
      %dma_start3A_56 = tpu.memref_squeeze %dma_start3A_55 : memref<1x125x128xf32, #tpu.memory_space<vmem>> -> memref<125x128xf32, #tpu.memory_space<vmem>>
      tpu.enqueue_dma source(%dma_start3A_56 : memref<125x128xf32, #tpu.memory_space<vmem>>) target(%dma_start3A_52 : memref<125x128xf32, #tpu.memory_space<vmem_shared>>) target_semaphore(%run_scoped3A_45 : memref<!tpu.dma_semaphore, #tpu.memory_space<semaphore_mem>>)
      %dma_wait3A = arith.constant 0 : i32
      %dma_wait3A_57 = arith.constant 0 : i32
      %dma_wait3A_58 = tpu.memref_slice %arg8[%run_scoped3A_19, %dma_wait3A, %dma_wait3A_57] : memref<2x125x128xf32, #tpu.memory_space<vmem>> -> memref<1x125x128xf32, #tpu.memory_space<vmem>>
      %dma_wait3A_59 = tpu.memref_squeeze %dma_wait3A_58 : memref<1x125x128xf32, #tpu.memory_space<vmem>> -> memref<125x128xf32, #tpu.memory_space<vmem>>
      %dma_wait3A_60 = arith.constant 0 : i32
      %dma_wait3A_61 = tpu.memref_slice %arg9[%add3A_18, %dma_wait3A_60] : memref<10000x128xf32, #tpu.memory_space<vmem_shared>> -> memref<125x128xf32, #tpu.memory_space<vmem_shared>>
      %dma_wait3A_62 = arith.constant 0 : i32
      %dma_wait3A_63 = tpu.memref_slice %arg9[%add3A_18, %dma_wait3A_62] : memref<10000x128xf32, #tpu.memory_space<vmem_shared>> -> memref<125x128xf32, #tpu.memory_space<vmem_shared>>
      %dma_wait3A_64 = arith.constant 0 : i32
      %dma_wait3A_65 = arith.constant 0 : i32
      %dma_wait3A_66 = tpu.memref_slice %arg8[%run_scoped3A_19, %dma_wait3A_64, %dma_wait3A_65] : memref<2x125x128xf32, #tpu.memory_space<vmem>> -> memref<1x125x128xf32, #tpu.memory_space<vmem>>
      %dma_wait3A_67 = tpu.memref_squeeze %dma_wait3A_66 : memref<1x125x128xf32, #tpu.memory_space<vmem>> -> memref<125x128xf32, #tpu.memory_space<vmem>>
      tpu.wait_dma2 semaphore(%run_scoped3A_45 : memref<!tpu.dma_semaphore, #tpu.memory_space<semaphore_mem>>) src(%dma_wait3A_67 : memref<125x128xf32, #tpu.memory_space<vmem>>) dst(%dma_wait3A_63 : memref<125x128xf32, #tpu.memory_space<vmem_shared>>)
      tpu.yield
    }) : () -> ()
    %mul3A_20 = arith.constant 625 : i32
    %mul3A_21 = arith.muli %arg1, %mul3A_20 : i32
    %add3A_22 = arith.constant 375 : i32
    %add3A_23 = arith.addi %mul3A_21, %add3A_22 : i32
    %run_scoped3A_24 = arith.constant 0 : i32
    "tpu.region"() ({
      %run_scoped3A_45 = tpu.sem_alloc : memref<!tpu.dma_semaphore, #tpu.memory_space<semaphore_mem>>
      %dma_start3A = arith.constant 0 : i32
      %dma_start3A_46 = arith.constant 0 : i32
      %dma_start3A_47 = tpu.memref_slice %arg8[%run_scoped3A_24, %dma_start3A, %dma_start3A_46] : memref<2x125x128xf32, #tpu.memory_space<vmem>> -> memref<1x125x128xf32, #tpu.memory_space<vmem>>
      %dma_start3A_48 = tpu.memref_squeeze %dma_start3A_47 : memref<1x125x128xf32, #tpu.memory_space<vmem>> -> memref<125x128xf32, #tpu.memory_space<vmem>>
      %dma_start3A_49 = arith.constant 0 : i32
      %dma_start3A_50 = tpu.memref_slice %arg9[%add3A_23, %dma_start3A_49] : memref<10000x128xf32, #tpu.memory_space<vmem_shared>> -> memref<125x128xf32, #tpu.memory_space<vmem_shared>>
      %dma_start3A_51 = arith.constant 0 : i32
      %dma_start3A_52 = tpu.memref_slice %arg9[%add3A_23, %dma_start3A_51] : memref<10000x128xf32, #tpu.memory_space<vmem_shared>> -> memref<125x128xf32, #tpu.memory_space<vmem_shared>>
      %dma_start3A_53 = arith.constant 0 : i32
      %dma_start3A_54 = arith.constant 0 : i32
      %dma_start3A_55 = tpu.memref_slice %arg8[%run_scoped3A_24, %dma_start3A_53, %dma_start3A_54] : memref<2x125x128xf32, #tpu.memory_space<vmem>> -> memref<1x125x128xf32, #tpu.memory_space<vmem>>
      %dma_start3A_56 = tpu.memref_squeeze %dma_start3A_55 : memref<1x125x128xf32, #tpu.memory_space<vmem>> -> memref<125x128xf32, #tpu.memory_space<vmem>>
      tpu.enqueue_dma source(%dma_start3A_56 : memref<125x128xf32, #tpu.memory_space<vmem>>) target(%dma_start3A_52 : memref<125x128xf32, #tpu.memory_space<vmem_shared>>) target_semaphore(%run_scoped3A_45 : memref<!tpu.dma_semaphore, #tpu.memory_space<semaphore_mem>>)
      %dma_wait3A = arith.constant 0 : i32
      %dma_wait3A_57 = arith.constant 0 : i32
      %dma_wait3A_58 = tpu.memref_slice %arg8[%run_scoped3A_24, %dma_wait3A, %dma_wait3A_57] : memref<2x125x128xf32, #tpu.memory_space<vmem>> -> memref<1x125x128xf32, #tpu.memory_space<vmem>>
      %dma_wait3A_59 = tpu.memref_squeeze %dma_wait3A_58 : memref<1x125x128xf32, #tpu.memory_space<vmem>> -> memref<125x128xf32, #tpu.memory_space<vmem>>
      %dma_wait3A_60 = arith.constant 0 : i32
      %dma_wait3A_61 = tpu.memref_slice %arg9[%add3A_23, %dma_wait3A_60] : memref<10000x128xf32, #tpu.memory_space<vmem_shared>> -> memref<125x128xf32, #tpu.memory_space<vmem_shared>>
      %dma_wait3A_62 = arith.constant 0 : i32
      %dma_wait3A_63 = tpu.memref_slice %arg9[%add3A_23, %dma_wait3A_62] : memref<10000x128xf32, #tpu.memory_space<vmem_shared>> -> memref<125x128xf32, #tpu.memory_space<vmem_shared>>
      %dma_wait3A_64 = arith.constant 0 : i32
      %dma_wait3A_65 = arith.constant 0 : i32
      %dma_wait3A_66 = tpu.memref_slice %arg8[%run_scoped3A_24, %dma_wait3A_64, %dma_wait3A_65] : memref<2x125x128xf32, #tpu.memory_space<vmem>> -> memref<1x125x128xf32, #tpu.memory_space<vmem>>
      %dma_wait3A_67 = tpu.memref_squeeze %dma_wait3A_66 : memref<1x125x128xf32, #tpu.memory_space<vmem>> -> memref<125x128xf32, #tpu.memory_space<vmem>>
      tpu.wait_dma2 semaphore(%run_scoped3A_45 : memref<!tpu.dma_semaphore, #tpu.memory_space<semaphore_mem>>) src(%dma_wait3A_67 : memref<125x128xf32, #tpu.memory_space<vmem>>) dst(%dma_wait3A_63 : memref<125x128xf32, #tpu.memory_space<vmem_shared>>)
      tpu.yield
    }) : () -> ()
    %mul3A_25 = arith.constant 625 : i32
    %mul3A_26 = arith.muli %arg1, %mul3A_25 : i32
    %add3A_27 = arith.constant 500 : i32
    %add3A_28 = arith.addi %mul3A_26, %add3A_27 : i32
    %run_scoped3A_29 = arith.constant 0 : i32
    "tpu.region"() ({
      %run_scoped3A_45 = tpu.sem_alloc : memref<!tpu.dma_semaphore, #tpu.memory_space<semaphore_mem>>
      %dma_start3A = arith.constant 0 : i32
      %dma_start3A_46 = arith.constant 0 : i32
      %dma_start3A_47 = tpu.memref_slice %arg8[%run_scoped3A_29, %dma_start3A, %dma_start3A_46] : memref<2x125x128xf32, #tpu.memory_space<vmem>> -> memref<1x125x128xf32, #tpu.memory_space<vmem>>
      %dma_start3A_48 = tpu.memref_squeeze %dma_start3A_47 : memref<1x125x128xf32, #tpu.memory_space<vmem>> -> memref<125x128xf32, #tpu.memory_space<vmem>>
      %dma_start3A_49 = arith.constant 0 : i32
      %dma_start3A_50 = tpu.memref_slice %arg9[%add3A_28, %dma_start3A_49] : memref<10000x128xf32, #tpu.memory_space<vmem_shared>> -> memref<125x128xf32, #tpu.memory_space<vmem_shared>>
      %dma_start3A_51 = arith.constant 0 : i32
      %dma_start3A_52 = tpu.memref_slice %arg9[%add3A_28, %dma_start3A_51] : memref<10000x128xf32, #tpu.memory_space<vmem_shared>> -> memref<125x128xf32, #tpu.memory_space<vmem_shared>>
      %dma_start3A_53 = arith.constant 0 : i32
      %dma_start3A_54 = arith.constant 0 : i32
      %dma_start3A_55 = tpu.memref_slice %arg8[%run_scoped3A_29, %dma_start3A_53, %dma_start3A_54] : memref<2x125x128xf32, #tpu.memory_space<vmem>> -> memref<1x125x128xf32, #tpu.memory_space<vmem>>
      %dma_start3A_56 = tpu.memref_squeeze %dma_start3A_55 : memref<1x125x128xf32, #tpu.memory_space<vmem>> -> memref<125x128xf32, #tpu.memory_space<vmem>>
      tpu.enqueue_dma source(%dma_start3A_56 : memref<125x128xf32, #tpu.memory_space<vmem>>) target(%dma_start3A_52 : memref<125x128xf32, #tpu.memory_space<vmem_shared>>) target_semaphore(%run_scoped3A_45 : memref<!tpu.dma_semaphore, #tpu.memory_space<semaphore_mem>>)
      %dma_wait3A = arith.constant 0 : i32
      %dma_wait3A_57 = arith.constant 0 : i32
      %dma_wait3A_58 = tpu.memref_slice %arg8[%run_scoped3A_29, %dma_wait3A, %dma_wait3A_57] : memref<2x125x128xf32, #tpu.memory_space<vmem>> -> memref<1x125x128xf32, #tpu.memory_space<vmem>>
      %dma_wait3A_59 = tpu.memref_squeeze %dma_wait3A_58 : memref<1x125x128xf32, #tpu.memory_space<vmem>> -> memref<125x128xf32, #tpu.memory_space<vmem>>
      %dma_wait3A_60 = arith.constant 0 : i32
      %dma_wait3A_61 = tpu.memref_slice %arg9[%add3A_28, %dma_wait3A_60] : memref<10000x128xf32, #tpu.memory_space<vmem_shared>> -> memref<125x128xf32, #tpu.memory_space<vmem_shared>>
      %dma_wait3A_62 = arith.constant 0 : i32
      %dma_wait3A_63 = tpu.memref_slice %arg9[%add3A_28, %dma_wait3A_62] : memref<10000x128xf32, #tpu.memory_space<vmem_shared>> -> memref<125x128xf32, #tpu.memory_space<vmem_shared>>
      %dma_wait3A_64 = arith.constant 0 : i32
      %dma_wait3A_65 = arith.constant 0 : i32
      %dma_wait3A_66 = tpu.memref_slice %arg8[%run_scoped3A_29, %dma_wait3A_64, %dma_wait3A_65] : memref<2x125x128xf32, #tpu.memory_space<vmem>> -> memref<1x125x128xf32, #tpu.memory_space<vmem>>
      %dma_wait3A_67 = tpu.memref_squeeze %dma_wait3A_66 : memref<1x125x128xf32, #tpu.memory_space<vmem>> -> memref<125x128xf32, #tpu.memory_space<vmem>>
      tpu.wait_dma2 semaphore(%run_scoped3A_45 : memref<!tpu.dma_semaphore, #tpu.memory_space<semaphore_mem>>) src(%dma_wait3A_67 : memref<125x128xf32, #tpu.memory_space<vmem>>) dst(%dma_wait3A_63 : memref<125x128xf32, #tpu.memory_space<vmem_shared>>)
      tpu.yield
    }) : () -> ()
    %barrier3A = arith.constant 0 : index
    tpu.barrier barrier_id(%barrier3A)
    %scan3A_30 = arith.constant 0 : i32
    %scan3A_31 = arith.constant 0 : i32
    %scan3A_32 = arith.constant 10 : i32
    %scan3A_33 = arith.addi %scan3A_31, %scan3A_32 : i32
    %scan3A_34 = arith.constant 1 : i32
    scf.for %scan3A_45 = %scan3A_31 to %scan3A_33 step %scan3A_34  : i32 {
      %mul3A_46 = arith.constant 80 : i32
      %mul3A_47 = arith.muli %add3A, %mul3A_46 : i32
      %mul3A_48 = arith.constant 8 : i32
      %mul3A_49 = arith.muli %scan3A_45, %mul3A_48 : i32
      %add3A_50 = arith.addi %mul3A_47, %mul3A_49 : i32
      "tpu.region"() ({
        %run_scoped3A_257 = tpu.sem_alloc : memref<!tpu.dma_semaphore, #tpu.memory_space<semaphore_mem>>
        %dma_start3A_258 = arith.constant 0 : i32
        %dma_start3A_259 = tpu.memref_slice %arg3[%add3A_50, %dma_start3A_258] : memref<2560x125xi32, #tpu.memory_space<hbm>> -> memref<8x125xi32, #tpu.memory_space<hbm>>
        %dma_start3A_260 = arith.constant 0 : i32
        %dma_start3A_261 = tpu.memref_slice %arg3[%add3A_50, %dma_start3A_260] : memref<2560x125xi32, #tpu.memory_space<hbm>> -> memref<8x125xi32, #tpu.memory_space<hbm>>
        tpu.enqueue_dma source(%dma_start3A_261 : memref<8x125xi32, #tpu.memory_space<hbm>>) target(%arg6 : memref<8x125xi32, #tpu.memory_space<vmem>>) target_semaphore(%run_scoped3A_257 : memref<!tpu.dma_semaphore, #tpu.memory_space<semaphore_mem>>)
        %dma_wait3A_262 = arith.constant 0 : i32
        %dma_wait3A_263 = tpu.memref_slice %arg3[%add3A_50, %dma_wait3A_262] : memref<2560x125xi32, #tpu.memory_space<hbm>> -> memref<8x125xi32, #tpu.memory_space<hbm>>
        %dma_wait3A_264 = arith.constant 0 : i32
        %dma_wait3A_265 = tpu.memref_slice %arg3[%add3A_50, %dma_wait3A_264] : memref<2560x125xi32, #tpu.memory_space<hbm>> -> memref<8x125xi32, #tpu.memory_space<hbm>>
        tpu.wait_dma2 semaphore(%run_scoped3A_257 : memref<!tpu.dma_semaphore, #tpu.memory_space<semaphore_mem>>) src(%dma_wait3A_265 : memref<8x125xi32, #tpu.memory_space<hbm>>) dst(%arg6 : memref<8x125xi32, #tpu.memory_space<vmem>>)
        tpu.yield
      }) : () -> ()
      "tpu.region"() ({
        %run_scoped3A_257 = tpu.sem_alloc : memref<!tpu.dma_semaphore, #tpu.memory_space<semaphore_mem>>
        %dma_start3A_258 = arith.constant 0 : i32
        %dma_start3A_259 = tpu.memref_slice %arg4[%add3A_50, %dma_start3A_258] : memref<2560x125xi32, #tpu.memory_space<hbm>> -> memref<8x125xi32, #tpu.memory_space<hbm>>
        %dma_start3A_260 = arith.constant 0 : i32
        %dma_start3A_261 = tpu.memref_slice %arg4[%add3A_50, %dma_start3A_260] : memref<2560x125xi32, #tpu.memory_space<hbm>> -> memref<8x125xi32, #tpu.memory_space<hbm>>
        tpu.enqueue_dma source(%dma_start3A_261 : memref<8x125xi32, #tpu.memory_space<hbm>>) target(%arg7 : memref<8x125xi32, #tpu.memory_space<vmem>>) target_semaphore(%run_scoped3A_257 : memref<!tpu.dma_semaphore, #tpu.memory_space<semaphore_mem>>)
        %dma_wait3A_262 = arith.constant 0 : i32
        %dma_wait3A_263 = tpu.memref_slice %arg4[%add3A_50, %dma_wait3A_262] : memref<2560x125xi32, #tpu.memory_space<hbm>> -> memref<8x125xi32, #tpu.memory_space<hbm>>
        %dma_wait3A_264 = arith.constant 0 : i32
        %dma_wait3A_265 = tpu.memref_slice %arg4[%add3A_50, %dma_wait3A_264] : memref<2560x125xi32, #tpu.memory_space<hbm>> -> memref<8x125xi32, #tpu.memory_space<hbm>>
        tpu.wait_dma2 semaphore(%run_scoped3A_257 : memref<!tpu.dma_semaphore, #tpu.memory_space<semaphore_mem>>) src(%dma_wait3A_265 : memref<8x125xi32, #tpu.memory_space<hbm>>) dst(%arg7 : memref<8x125xi32, #tpu.memory_space<vmem>>)
        tpu.yield
      }) : () -> ()
      %dma_start3A = arith.constant 0 : i32
      %dma_start3A_51 = arith.constant 0 : i32
      %dma_start3A_52 = arith.constant 0 : i32
      %dma_start3A_53 = arith.constant 0 : i32
      %dma_start3A_54 = tpu.memref_slice %arg8[%dma_start3A_51, %dma_start3A_52, %dma_start3A_53] : memref<2x125x128xf32, #tpu.memory_space<vmem>> -> memref<1x125x128xf32, #tpu.memory_space<vmem>>
      %dma_start3A_55 = tpu.memref_squeeze %dma_start3A_54 : memref<1x125x128xf32, #tpu.memory_space<vmem>> -> memref<125x128xf32, #tpu.memory_space<vmem>>
      %dma_start3A_56 = arith.constant 0 : i32
      %dma_start3A_57 = tpu.memref_slice %arg6[%dma_start3A, %dma_start3A_56] : memref<8x125xi32, #tpu.memory_space<vmem>> -> memref<1x125xi32, #tpu.memory_space<vmem>>
      %dma_start3A_58 = tpu.memref_squeeze %dma_start3A_57 : memref<1x125xi32, #tpu.memory_space<vmem>> -> memref<125xi32, #tpu.memory_space<vmem>>
      %dma_start3A_59 = arith.constant 0 : i32
      %dma_start3A_60 = arith.constant 0 : i32
      %dma_start3A_61 = tpu.memref_slice %arg2[%dma_start3A_59, %dma_start3A_60] : memref<10000x128xf32, #tpu.memory_space<hbm>> -> memref<10000x128xf32, #tpu.memory_space<hbm>>
      tpu.enqueue_indirect_dma source(%dma_start3A_61 : memref<10000x128xf32, #tpu.memory_space<hbm>>) target(%dma_start3A_55 : memref<125x128xf32, #tpu.memory_space<vmem>>) offsets(%dma_start3A_58 : memref<125xi32, #tpu.memory_space<vmem>>) semaphore(%arg10 : memref<!tpu.dma_semaphore, #tpu.memory_space<semaphore_mem>>)
      %dma_wait3A = arith.constant 0 : i32
      %dma_wait3A_62 = arith.constant 0 : i32
      %dma_wait3A_63 = arith.constant 0 : i32
      %dma_wait3A_64 = arith.constant 0 : i32
      %dma_wait3A_65 = tpu.memref_slice %arg8[%dma_wait3A_62, %dma_wait3A_63, %dma_wait3A_64] : memref<2x125x128xf32, #tpu.memory_space<vmem>> -> memref<1x125x128xf32, #tpu.memory_space<vmem>>
      %dma_wait3A_66 = tpu.memref_squeeze %dma_wait3A_65 : memref<1x125x128xf32, #tpu.memory_space<vmem>> -> memref<125x128xf32, #tpu.memory_space<vmem>>
      %dma_wait3A_67 = arith.constant 0 : i32
      %dma_wait3A_68 = tpu.memref_slice %arg6[%dma_wait3A, %dma_wait3A_67] : memref<8x125xi32, #tpu.memory_space<vmem>> -> memref<1x125xi32, #tpu.memory_space<vmem>>
      %dma_wait3A_69 = tpu.memref_squeeze %dma_wait3A_68 : memref<1x125xi32, #tpu.memory_space<vmem>> -> memref<125xi32, #tpu.memory_space<vmem>>
      %dma_wait3A_70 = arith.constant 0 : i32
      %dma_wait3A_71 = arith.constant 0 : i32
      %dma_wait3A_72 = tpu.memref_slice %arg2[%dma_wait3A_70, %dma_wait3A_71] : memref<10000x128xf32, #tpu.memory_space<hbm>> -> memref<10000x128xf32, #tpu.memory_space<hbm>>
      tpu.wait_indirect_dma semaphore(%arg10 : memref<!tpu.dma_semaphore, #tpu.memory_space<semaphore_mem>>) src(%dma_wait3A_72 : memref<10000x128xf32, #tpu.memory_space<hbm>>) dst(%dma_wait3A_66 : memref<125x128xf32, #tpu.memory_space<vmem>>)
      %dma_start3A_73 = arith.constant 1 : i32
      %dma_start3A_74 = arith.constant 1 : i32
      %dma_start3A_75 = arith.constant 0 : i32
      %dma_start3A_76 = arith.constant 0 : i32
      %dma_start3A_77 = tpu.memref_slice %arg8[%dma_start3A_74, %dma_start3A_75, %dma_start3A_76] : memref<2x125x128xf32, #tpu.memory_space<vmem>> -> memref<1x125x128xf32, #tpu.memory_space<vmem>>
      %dma_start3A_78 = tpu.memref_squeeze %dma_start3A_77 : memref<1x125x128xf32, #tpu.memory_space<vmem>> -> memref<125x128xf32, #tpu.memory_space<vmem>>
      %dma_start3A_79 = arith.constant 0 : i32
      %dma_start3A_80 = tpu.memref_slice %arg6[%dma_start3A_73, %dma_start3A_79] : memref<8x125xi32, #tpu.memory_space<vmem>> -> memref<1x125xi32, #tpu.memory_space<vmem>>
      %dma_start3A_81 = tpu.memref_squeeze %dma_start3A_80 : memref<1x125xi32, #tpu.memory_space<vmem>> -> memref<125xi32, #tpu.memory_space<vmem>>
      %dma_start3A_82 = arith.constant 0 : i32
      %dma_start3A_83 = arith.constant 0 : i32
      %dma_start3A_84 = tpu.memref_slice %arg2[%dma_start3A_82, %dma_start3A_83] : memref<10000x128xf32, #tpu.memory_space<hbm>> -> memref<10000x128xf32, #tpu.memory_space<hbm>>
      tpu.enqueue_indirect_dma source(%dma_start3A_84 : memref<10000x128xf32, #tpu.memory_space<hbm>>) target(%dma_start3A_78 : memref<125x128xf32, #tpu.memory_space<vmem>>) offsets(%dma_start3A_81 : memref<125xi32, #tpu.memory_space<vmem>>) semaphore(%arg11 : memref<!tpu.dma_semaphore, #tpu.memory_space<semaphore_mem>>)
      %run_scoped3A_85 = arith.constant 0 : i32
      %run_scoped3A_86 = arith.constant 0 : i32
      "tpu.region"() ({
        %run_scoped3A_257 = tpu.sem_alloc : memref<!tpu.dma_semaphore, #tpu.memory_space<semaphore_mem>>
        %dma_start3A_258 = arith.constant 0 : i32
        %dma_start3A_259 = arith.constant 0 : i32
        %dma_start3A_260 = tpu.memref_slice %arg8[%run_scoped3A_85, %dma_start3A_258, %dma_start3A_259] : memref<2x125x128xf32, #tpu.memory_space<vmem>> -> memref<1x125x128xf32, #tpu.memory_space<vmem>>
        %dma_start3A_261 = tpu.memref_squeeze %dma_start3A_260 : memref<1x125x128xf32, #tpu.memory_space<vmem>> -> memref<125x128xf32, #tpu.memory_space<vmem>>
        %dma_start3A_262 = arith.constant 0 : i32
        %dma_start3A_263 = tpu.memref_slice %arg7[%run_scoped3A_86, %dma_start3A_262] : memref<8x125xi32, #tpu.memory_space<vmem>> -> memref<1x125xi32, #tpu.memory_space<vmem>>
        %dma_start3A_264 = tpu.memref_squeeze %dma_start3A_263 : memref<1x125xi32, #tpu.memory_space<vmem>> -> memref<125xi32, #tpu.memory_space<vmem>>
        %dma_start3A_265 = arith.constant 0 : i32
        %dma_start3A_266 = arith.constant 0 : i32
        %dma_start3A_267 = tpu.memref_slice %arg9[%dma_start3A_265, %dma_start3A_266] : memref<10000x128xf32, #tpu.memory_space<vmem_shared>> -> memref<10000x128xf32, #tpu.memory_space<vmem_shared>>
        tpu.enqueue_indirect_dma source(%dma_start3A_261 : memref<125x128xf32, #tpu.memory_space<vmem>>) target(%dma_start3A_267 : memref<10000x128xf32, #tpu.memory_space<vmem_shared>>) offsets(%dma_start3A_264 : memref<125xi32, #tpu.memory_space<vmem>>) semaphore(%run_scoped3A_257 : memref<!tpu.dma_semaphore, #tpu.memory_space<semaphore_mem>>) {add = true}
        %dma_wait3A_268 = arith.constant 0 : i32
        %dma_wait3A_269 = arith.constant 0 : i32
        %dma_wait3A_270 = tpu.memref_slice %arg8[%run_scoped3A_85, %dma_wait3A_268, %dma_wait3A_269] : memref<2x125x128xf32, #tpu.memory_space<vmem>> -> memref<1x125x128xf32, #tpu.memory_space<vmem>>
        %dma_wait3A_271 = tpu.memref_squeeze %dma_wait3A_270 : memref<1x125x128xf32, #tpu.memory_space<vmem>> -> memref<125x128xf32, #tpu.memory_space<vmem>>
        %dma_wait3A_272 = arith.constant 0 : i32
        %dma_wait3A_273 = tpu.memref_slice %arg7[%run_scoped3A_86, %dma_wait3A_272] : memref<8x125xi32, #tpu.memory_space<vmem>> -> memref<1x125xi32, #tpu.memory_space<vmem>>
        %dma_wait3A_274 = tpu.memref_squeeze %dma_wait3A_273 : memref<1x125xi32, #tpu.memory_space<vmem>> -> memref<125xi32, #tpu.memory_space<vmem>>
        %dma_wait3A_275 = arith.constant 0 : i32
        %dma_wait3A_276 = arith.constant 0 : i32
        %dma_wait3A_277 = tpu.memref_slice %arg9[%dma_wait3A_275, %dma_wait3A_276] : memref<10000x128xf32, #tpu.memory_space<vmem_shared>> -> memref<10000x128xf32, #tpu.memory_space<vmem_shared>>
        tpu.wait_indirect_dma semaphore(%run_scoped3A_257 : memref<!tpu.dma_semaphore, #tpu.memory_space<semaphore_mem>>) src(%dma_wait3A_271 : memref<125x128xf32, #tpu.memory_space<vmem>>) dst(%dma_wait3A_277 : memref<10000x128xf32, #tpu.memory_space<vmem_shared>>)
        tpu.yield
      }) : () -> ()
      %dma_wait3A_87 = arith.constant 1 : i32
      %dma_wait3A_88 = arith.constant 1 : i32
      %dma_wait3A_89 = arith.constant 0 : i32
      %dma_wait3A_90 = arith.constant 0 : i32
      %dma_wait3A_91 = tpu.memref_slice %arg8[%dma_wait3A_88, %dma_wait3A_89, %dma_wait3A_90] : memref<2x125x128xf32, #tpu.memory_space<vmem>> -> memref<1x125x128xf32, #tpu.memory_space<vmem>>
      %dma_wait3A_92 = tpu.memref_squeeze %dma_wait3A_91 : memref<1x125x128xf32, #tpu.memory_space<vmem>> -> memref<125x128xf32, #tpu.memory_space<vmem>>
      %dma_wait3A_93 = arith.constant 0 : i32
      %dma_wait3A_94 = tpu.memref_slice %arg6[%dma_wait3A_87, %dma_wait3A_93] : memref<8x125xi32, #tpu.memory_space<vmem>> -> memref<1x125xi32, #tpu.memory_space<vmem>>
      %dma_wait3A_95 = tpu.memref_squeeze %dma_wait3A_94 : memref<1x125xi32, #tpu.memory_space<vmem>> -> memref<125xi32, #tpu.memory_space<vmem>>
      %dma_wait3A_96 = arith.constant 0 : i32
      %dma_wait3A_97 = arith.constant 0 : i32
      %dma_wait3A_98 = tpu.memref_slice %arg2[%dma_wait3A_96, %dma_wait3A_97] : memref<10000x128xf32, #tpu.memory_space<hbm>> -> memref<10000x128xf32, #tpu.memory_space<hbm>>
      tpu.wait_indirect_dma semaphore(%arg11 : memref<!tpu.dma_semaphore, #tpu.memory_space<semaphore_mem>>) src(%dma_wait3A_98 : memref<10000x128xf32, #tpu.memory_space<hbm>>) dst(%dma_wait3A_92 : memref<125x128xf32, #tpu.memory_space<vmem>>)
      %dma_start3A_99 = arith.constant 2 : i32
      %dma_start3A_100 = arith.constant 0 : i32
      %dma_start3A_101 = arith.constant 0 : i32
      %dma_start3A_102 = arith.constant 0 : i32
      %dma_start3A_103 = tpu.memref_slice %arg8[%dma_start3A_100, %dma_start3A_101, %dma_start3A_102] : memref<2x125x128xf32, #tpu.memory_space<vmem>> -> memref<1x125x128xf32, #tpu.memory_space<vmem>>
      %dma_start3A_104 = tpu.memref_squeeze %dma_start3A_103 : memref<1x125x128xf32, #tpu.memory_space<vmem>> -> memref<125x128xf32, #tpu.memory_space<vmem>>
      %dma_start3A_105 = arith.constant 0 : i32
      %dma_start3A_106 = tpu.memref_slice %arg6[%dma_start3A_99, %dma_start3A_105] : memref<8x125xi32, #tpu.memory_space<vmem>> -> memref<1x125xi32, #tpu.memory_space<vmem>>
      %dma_start3A_107 = tpu.memref_squeeze %dma_start3A_106 : memref<1x125xi32, #tpu.memory_space<vmem>> -> memref<125xi32, #tpu.memory_space<vmem>>
      %dma_start3A_108 = arith.constant 0 : i32
      %dma_start3A_109 = arith.constant 0 : i32
      %dma_start3A_110 = tpu.memref_slice %arg2[%dma_start3A_108, %dma_start3A_109] : memref<10000x128xf32, #tpu.memory_space<hbm>> -> memref<10000x128xf32, #tpu.memory_space<hbm>>
      tpu.enqueue_indirect_dma source(%dma_start3A_110 : memref<10000x128xf32, #tpu.memory_space<hbm>>) target(%dma_start3A_104 : memref<125x128xf32, #tpu.memory_space<vmem>>) offsets(%dma_start3A_107 : memref<125xi32, #tpu.memory_space<vmem>>) semaphore(%arg10 : memref<!tpu.dma_semaphore, #tpu.memory_space<semaphore_mem>>)
      %run_scoped3A_111 = arith.constant 1 : i32
      %run_scoped3A_112 = arith.constant 1 : i32
      "tpu.region"() ({
        %run_scoped3A_257 = tpu.sem_alloc : memref<!tpu.dma_semaphore, #tpu.memory_space<semaphore_mem>>
        %dma_start3A_258 = arith.constant 0 : i32
        %dma_start3A_259 = arith.constant 0 : i32
        %dma_start3A_260 = tpu.memref_slice %arg8[%run_scoped3A_111, %dma_start3A_258, %dma_start3A_259] : memref<2x125x128xf32, #tpu.memory_space<vmem>> -> memref<1x125x128xf32, #tpu.memory_space<vmem>>
        %dma_start3A_261 = tpu.memref_squeeze %dma_start3A_260 : memref<1x125x128xf32, #tpu.memory_space<vmem>> -> memref<125x128xf32, #tpu.memory_space<vmem>>
        %dma_start3A_262 = arith.constant 0 : i32
        %dma_start3A_263 = tpu.memref_slice %arg7[%run_scoped3A_112, %dma_start3A_262] : memref<8x125xi32, #tpu.memory_space<vmem>> -> memref<1x125xi32, #tpu.memory_space<vmem>>
        %dma_start3A_264 = tpu.memref_squeeze %dma_start3A_263 : memref<1x125xi32, #tpu.memory_space<vmem>> -> memref<125xi32, #tpu.memory_space<vmem>>
        %dma_start3A_265 = arith.constant 0 : i32
        %dma_start3A_266 = arith.constant 0 : i32
        %dma_start3A_267 = tpu.memref_slice %arg9[%dma_start3A_265, %dma_start3A_266] : memref<10000x128xf32, #tpu.memory_space<vmem_shared>> -> memref<10000x128xf32, #tpu.memory_space<vmem_shared>>
        tpu.enqueue_indirect_dma source(%dma_start3A_261 : memref<125x128xf32, #tpu.memory_space<vmem>>) target(%dma_start3A_267 : memref<10000x128xf32, #tpu.memory_space<vmem_shared>>) offsets(%dma_start3A_264 : memref<125xi32, #tpu.memory_space<vmem>>) semaphore(%run_scoped3A_257 : memref<!tpu.dma_semaphore, #tpu.memory_space<semaphore_mem>>) {add = true}
        %dma_wait3A_268 = arith.constant 0 : i32
        %dma_wait3A_269 = arith.constant 0 : i32
        %dma_wait3A_270 = tpu.memref_slice %arg8[%run_scoped3A_111, %dma_wait3A_268, %dma_wait3A_269] : memref<2x125x128xf32, #tpu.memory_space<vmem>> -> memref<1x125x128xf32, #tpu.memory_space<vmem>>
        %dma_wait3A_271 = tpu.memref_squeeze %dma_wait3A_270 : memref<1x125x128xf32, #tpu.memory_space<vmem>> -> memref<125x128xf32, #tpu.memory_space<vmem>>
        %dma_wait3A_272 = arith.constant 0 : i32
        %dma_wait3A_273 = tpu.memref_slice %arg7[%run_scoped3A_112, %dma_wait3A_272] : memref<8x125xi32, #tpu.memory_space<vmem>> -> memref<1x125xi32, #tpu.memory_space<vmem>>
        %dma_wait3A_274 = tpu.memref_squeeze %dma_wait3A_273 : memref<1x125xi32, #tpu.memory_space<vmem>> -> memref<125xi32, #tpu.memory_space<vmem>>
        %dma_wait3A_275 = arith.constant 0 : i32
        %dma_wait3A_276 = arith.constant 0 : i32
        %dma_wait3A_277 = tpu.memref_slice %arg9[%dma_wait3A_275, %dma_wait3A_276] : memref<10000x128xf32, #tpu.memory_space<vmem_shared>> -> memref<10000x128xf32, #tpu.memory_space<vmem_shared>>
        tpu.wait_indirect_dma semaphore(%run_scoped3A_257 : memref<!tpu.dma_semaphore, #tpu.memory_space<semaphore_mem>>) src(%dma_wait3A_271 : memref<125x128xf32, #tpu.memory_space<vmem>>) dst(%dma_wait3A_277 : memref<10000x128xf32, #tpu.memory_space<vmem_shared>>)
        tpu.yield
      }) : () -> ()
      %dma_wait3A_113 = arith.constant 2 : i32
      %dma_wait3A_114 = arith.constant 0 : i32
      %dma_wait3A_115 = arith.constant 0 : i32
      %dma_wait3A_116 = arith.constant 0 : i32
      %dma_wait3A_117 = tpu.memref_slice %arg8[%dma_wait3A_114, %dma_wait3A_115, %dma_wait3A_116] : memref<2x125x128xf32, #tpu.memory_space<vmem>> -> memref<1x125x128xf32, #tpu.memory_space<vmem>>
      %dma_wait3A_118 = tpu.memref_squeeze %dma_wait3A_117 : memref<1x125x128xf32, #tpu.memory_space<vmem>> -> memref<125x128xf32, #tpu.memory_space<vmem>>
      %dma_wait3A_119 = arith.constant 0 : i32
      %dma_wait3A_120 = tpu.memref_slice %arg6[%dma_wait3A_113, %dma_wait3A_119] : memref<8x125xi32, #tpu.memory_space<vmem>> -> memref<1x125xi32, #tpu.memory_space<vmem>>
      %dma_wait3A_121 = tpu.memref_squeeze %dma_wait3A_120 : memref<1x125xi32, #tpu.memory_space<vmem>> -> memref<125xi32, #tpu.memory_space<vmem>>
      %dma_wait3A_122 = arith.constant 0 : i32
      %dma_wait3A_123 = arith.constant 0 : i32
      %dma_wait3A_124 = tpu.memref_slice %arg2[%dma_wait3A_122, %dma_wait3A_123] : memref<10000x128xf32, #tpu.memory_space<hbm>> -> memref<10000x128xf32, #tpu.memory_space<hbm>>
      tpu.wait_indirect_dma semaphore(%arg10 : memref<!tpu.dma_semaphore, #tpu.memory_space<semaphore_mem>>) src(%dma_wait3A_124 : memref<10000x128xf32, #tpu.memory_space<hbm>>) dst(%dma_wait3A_118 : memref<125x128xf32, #tpu.memory_space<vmem>>)
      %dma_start3A_125 = arith.constant 3 : i32
      %dma_start3A_126 = arith.constant 1 : i32
      %dma_start3A_127 = arith.constant 0 : i32
      %dma_start3A_128 = arith.constant 0 : i32
      %dma_start3A_129 = tpu.memref_slice %arg8[%dma_start3A_126, %dma_start3A_127, %dma_start3A_128] : memref<2x125x128xf32, #tpu.memory_space<vmem>> -> memref<1x125x128xf32, #tpu.memory_space<vmem>>
      %dma_start3A_130 = tpu.memref_squeeze %dma_start3A_129 : memref<1x125x128xf32, #tpu.memory_space<vmem>> -> memref<125x128xf32, #tpu.memory_space<vmem>>
      %dma_start3A_131 = arith.constant 0 : i32
      %dma_start3A_132 = tpu.memref_slice %arg6[%dma_start3A_125, %dma_start3A_131] : memref<8x125xi32, #tpu.memory_space<vmem>> -> memref<1x125xi32, #tpu.memory_space<vmem>>
      %dma_start3A_133 = tpu.memref_squeeze %dma_start3A_132 : memref<1x125xi32, #tpu.memory_space<vmem>> -> memref<125xi32, #tpu.memory_space<vmem>>
      %dma_start3A_134 = arith.constant 0 : i32
      %dma_start3A_135 = arith.constant 0 : i32
      %dma_start3A_136 = tpu.memref_slice %arg2[%dma_start3A_134, %dma_start3A_135] : memref<10000x128xf32, #tpu.memory_space<hbm>> -> memref<10000x128xf32, #tpu.memory_space<hbm>>
      tpu.enqueue_indirect_dma source(%dma_start3A_136 : memref<10000x128xf32, #tpu.memory_space<hbm>>) target(%dma_start3A_130 : memref<125x128xf32, #tpu.memory_space<vmem>>) offsets(%dma_start3A_133 : memref<125xi32, #tpu.memory_space<vmem>>) semaphore(%arg11 : memref<!tpu.dma_semaphore, #tpu.memory_space<semaphore_mem>>)
      %run_scoped3A_137 = arith.constant 0 : i32
      %run_scoped3A_138 = arith.constant 2 : i32
      "tpu.region"() ({
        %run_scoped3A_257 = tpu.sem_alloc : memref<!tpu.dma_semaphore, #tpu.memory_space<semaphore_mem>>
        %dma_start3A_258 = arith.constant 0 : i32
        %dma_start3A_259 = arith.constant 0 : i32
        %dma_start3A_260 = tpu.memref_slice %arg8[%run_scoped3A_137, %dma_start3A_258, %dma_start3A_259] : memref<2x125x128xf32, #tpu.memory_space<vmem>> -> memref<1x125x128xf32, #tpu.memory_space<vmem>>
        %dma_start3A_261 = tpu.memref_squeeze %dma_start3A_260 : memref<1x125x128xf32, #tpu.memory_space<vmem>> -> memref<125x128xf32, #tpu.memory_space<vmem>>
        %dma_start3A_262 = arith.constant 0 : i32
        %dma_start3A_263 = tpu.memref_slice %arg7[%run_scoped3A_138, %dma_start3A_262] : memref<8x125xi32, #tpu.memory_space<vmem>> -> memref<1x125xi32, #tpu.memory_space<vmem>>
        %dma_start3A_264 = tpu.memref_squeeze %dma_start3A_263 : memref<1x125xi32, #tpu.memory_space<vmem>> -> memref<125xi32, #tpu.memory_space<vmem>>
        %dma_start3A_265 = arith.constant 0 : i32
        %dma_start3A_266 = arith.constant 0 : i32
        %dma_start3A_267 = tpu.memref_slice %arg9[%dma_start3A_265, %dma_start3A_266] : memref<10000x128xf32, #tpu.memory_space<vmem_shared>> -> memref<10000x128xf32, #tpu.memory_space<vmem_shared>>
        tpu.enqueue_indirect_dma source(%dma_start3A_261 : memref<125x128xf32, #tpu.memory_space<vmem>>) target(%dma_start3A_267 : memref<10000x128xf32, #tpu.memory_space<vmem_shared>>) offsets(%dma_start3A_264 : memref<125xi32, #tpu.memory_space<vmem>>) semaphore(%run_scoped3A_257 : memref<!tpu.dma_semaphore, #tpu.memory_space<semaphore_mem>>) {add = true}
        %dma_wait3A_268 = arith.constant 0 : i32
        %dma_wait3A_269 = arith.constant 0 : i32
        %dma_wait3A_270 = tpu.memref_slice %arg8[%run_scoped3A_137, %dma_wait3A_268, %dma_wait3A_269] : memref<2x125x128xf32, #tpu.memory_space<vmem>> -> memref<1x125x128xf32, #tpu.memory_space<vmem>>
        %dma_wait3A_271 = tpu.memref_squeeze %dma_wait3A_270 : memref<1x125x128xf32, #tpu.memory_space<vmem>> -> memref<125x128xf32, #tpu.memory_space<vmem>>
        %dma_wait3A_272 = arith.constant 0 : i32
        %dma_wait3A_273 = tpu.memref_slice %arg7[%run_scoped3A_138, %dma_wait3A_272] : memref<8x125xi32, #tpu.memory_space<vmem>> -> memref<1x125xi32, #tpu.memory_space<vmem>>
        %dma_wait3A_274 = tpu.memref_squeeze %dma_wait3A_273 : memref<1x125xi32, #tpu.memory_space<vmem>> -> memref<125xi32, #tpu.memory_space<vmem>>
        %dma_wait3A_275 = arith.constant 0 : i32
        %dma_wait3A_276 = arith.constant 0 : i32
        %dma_wait3A_277 = tpu.memref_slice %arg9[%dma_wait3A_275, %dma_wait3A_276] : memref<10000x128xf32, #tpu.memory_space<vmem_shared>> -> memref<10000x128xf32, #tpu.memory_space<vmem_shared>>
        tpu.wait_indirect_dma semaphore(%run_scoped3A_257 : memref<!tpu.dma_semaphore, #tpu.memory_space<semaphore_mem>>) src(%dma_wait3A_271 : memref<125x128xf32, #tpu.memory_space<vmem>>) dst(%dma_wait3A_277 : memref<10000x128xf32, #tpu.memory_space<vmem_shared>>)
        tpu.yield
      }) : () -> ()
      %dma_wait3A_139 = arith.constant 3 : i32
      %dma_wait3A_140 = arith.constant 1 : i32
      %dma_wait3A_141 = arith.constant 0 : i32
      %dma_wait3A_142 = arith.constant 0 : i32
      %dma_wait3A_143 = tpu.memref_slice %arg8[%dma_wait3A_140, %dma_wait3A_141, %dma_wait3A_142] : memref<2x125x128xf32, #tpu.memory_space<vmem>> -> memref<1x125x128xf32, #tpu.memory_space<vmem>>
      %dma_wait3A_144 = tpu.memref_squeeze %dma_wait3A_143 : memref<1x125x128xf32, #tpu.memory_space<vmem>> -> memref<125x128xf32, #tpu.memory_space<vmem>>
      %dma_wait3A_145 = arith.constant 0 : i32
      %dma_wait3A_146 = tpu.memref_slice %arg6[%dma_wait3A_139, %dma_wait3A_145] : memref<8x125xi32, #tpu.memory_space<vmem>> -> memref<1x125xi32, #tpu.memory_space<vmem>>
      %dma_wait3A_147 = tpu.memref_squeeze %dma_wait3A_146 : memref<1x125xi32, #tpu.memory_space<vmem>> -> memref<125xi32, #tpu.memory_space<vmem>>
      %dma_wait3A_148 = arith.constant 0 : i32
      %dma_wait3A_149 = arith.constant 0 : i32
      %dma_wait3A_150 = tpu.memref_slice %arg2[%dma_wait3A_148, %dma_wait3A_149] : memref<10000x128xf32, #tpu.memory_space<hbm>> -> memref<10000x128xf32, #tpu.memory_space<hbm>>
      tpu.wait_indirect_dma semaphore(%arg11 : memref<!tpu.dma_semaphore, #tpu.memory_space<semaphore_mem>>) src(%dma_wait3A_150 : memref<10000x128xf32, #tpu.memory_space<hbm>>) dst(%dma_wait3A_144 : memref<125x128xf32, #tpu.memory_space<vmem>>)
      %dma_start3A_151 = arith.constant 4 : i32
      %dma_start3A_152 = arith.constant 0 : i32
      %dma_start3A_153 = arith.constant 0 : i32
      %dma_start3A_154 = arith.constant 0 : i32
      %dma_start3A_155 = tpu.memref_slice %arg8[%dma_start3A_152, %dma_start3A_153, %dma_start3A_154] : memref<2x125x128xf32, #tpu.memory_space<vmem>> -> memref<1x125x128xf32, #tpu.memory_space<vmem>>
      %dma_start3A_156 = tpu.memref_squeeze %dma_start3A_155 : memref<1x125x128xf32, #tpu.memory_space<vmem>> -> memref<125x128xf32, #tpu.memory_space<vmem>>
      %dma_start3A_157 = arith.constant 0 : i32
      %dma_start3A_158 = tpu.memref_slice %arg6[%dma_start3A_151, %dma_start3A_157] : memref<8x125xi32, #tpu.memory_space<vmem>> -> memref<1x125xi32, #tpu.memory_space<vmem>>
      %dma_start3A_159 = tpu.memref_squeeze %dma_start3A_158 : memref<1x125xi32, #tpu.memory_space<vmem>> -> memref<125xi32, #tpu.memory_space<vmem>>
      %dma_start3A_160 = arith.constant 0 : i32
      %dma_start3A_161 = arith.constant 0 : i32
      %dma_start3A_162 = tpu.memref_slice %arg2[%dma_start3A_160, %dma_start3A_161] : memref<10000x128xf32, #tpu.memory_space<hbm>> -> memref<10000x128xf32, #tpu.memory_space<hbm>>
      tpu.enqueue_indirect_dma source(%dma_start3A_162 : memref<10000x128xf32, #tpu.memory_space<hbm>>) target(%dma_start3A_156 : memref<125x128xf32, #tpu.memory_space<vmem>>) offsets(%dma_start3A_159 : memref<125xi32, #tpu.memory_space<vmem>>) semaphore(%arg10 : memref<!tpu.dma_semaphore, #tpu.memory_space<semaphore_mem>>)
      %run_scoped3A_163 = arith.constant 1 : i32
      %run_scoped3A_164 = arith.constant 3 : i32
      "tpu.region"() ({
        %run_scoped3A_257 = tpu.sem_alloc : memref<!tpu.dma_semaphore, #tpu.memory_space<semaphore_mem>>
        %dma_start3A_258 = arith.constant 0 : i32
        %dma_start3A_259 = arith.constant 0 : i32
        %dma_start3A_260 = tpu.memref_slice %arg8[%run_scoped3A_163, %dma_start3A_258, %dma_start3A_259] : memref<2x125x128xf32, #tpu.memory_space<vmem>> -> memref<1x125x128xf32, #tpu.memory_space<vmem>>
        %dma_start3A_261 = tpu.memref_squeeze %dma_start3A_260 : memref<1x125x128xf32, #tpu.memory_space<vmem>> -> memref<125x128xf32, #tpu.memory_space<vmem>>
        %dma_start3A_262 = arith.constant 0 : i32
        %dma_start3A_263 = tpu.memref_slice %arg7[%run_scoped3A_164, %dma_start3A_262] : memref<8x125xi32, #tpu.memory_space<vmem>> -> memref<1x125xi32, #tpu.memory_space<vmem>>
        %dma_start3A_264 = tpu.memref_squeeze %dma_start3A_263 : memref<1x125xi32, #tpu.memory_space<vmem>> -> memref<125xi32, #tpu.memory_space<vmem>>
        %dma_start3A_265 = arith.constant 0 : i32
        %dma_start3A_266 = arith.constant 0 : i32
        %dma_start3A_267 = tpu.memref_slice %arg9[%dma_start3A_265, %dma_start3A_266] : memref<10000x128xf32, #tpu.memory_space<vmem_shared>> -> memref<10000x128xf32, #tpu.memory_space<vmem_shared>>
        tpu.enqueue_indirect_dma source(%dma_start3A_261 : memref<125x128xf32, #tpu.memory_space<vmem>>) target(%dma_start3A_267 : memref<10000x128xf32, #tpu.memory_space<vmem_shared>>) offsets(%dma_start3A_264 : memref<125xi32, #tpu.memory_space<vmem>>) semaphore(%run_scoped3A_257 : memref<!tpu.dma_semaphore, #tpu.memory_space<semaphore_mem>>) {add = true}
        %dma_wait3A_268 = arith.constant 0 : i32
        %dma_wait3A_269 = arith.constant 0 : i32
        %dma_wait3A_270 = tpu.memref_slice %arg8[%run_scoped3A_163, %dma_wait3A_268, %dma_wait3A_269] : memref<2x125x128xf32, #tpu.memory_space<vmem>> -> memref<1x125x128xf32, #tpu.memory_space<vmem>>
        %dma_wait3A_271 = tpu.memref_squeeze %dma_wait3A_270 : memref<1x125x128xf32, #tpu.memory_space<vmem>> -> memref<125x128xf32, #tpu.memory_space<vmem>>
        %dma_wait3A_272 = arith.constant 0 : i32
        %dma_wait3A_273 = tpu.memref_slice %arg7[%run_scoped3A_164, %dma_wait3A_272] : memref<8x125xi32, #tpu.memory_space<vmem>> -> memref<1x125xi32, #tpu.memory_space<vmem>>
        %dma_wait3A_274 = tpu.memref_squeeze %dma_wait3A_273 : memref<1x125xi32, #tpu.memory_space<vmem>> -> memref<125xi32, #tpu.memory_space<vmem>>
        %dma_wait3A_275 = arith.constant 0 : i32
        %dma_wait3A_276 = arith.constant 0 : i32
        %dma_wait3A_277 = tpu.memref_slice %arg9[%dma_wait3A_275, %dma_wait3A_276] : memref<10000x128xf32, #tpu.memory_space<vmem_shared>> -> memref<10000x128xf32, #tpu.memory_space<vmem_shared>>
        tpu.wait_indirect_dma semaphore(%run_scoped3A_257 : memref<!tpu.dma_semaphore, #tpu.memory_space<semaphore_mem>>) src(%dma_wait3A_271 : memref<125x128xf32, #tpu.memory_space<vmem>>) dst(%dma_wait3A_277 : memref<10000x128xf32, #tpu.memory_space<vmem_shared>>)
        tpu.yield
      }) : () -> ()
      %dma_wait3A_165 = arith.constant 4 : i32
      %dma_wait3A_166 = arith.constant 0 : i32
      %dma_wait3A_167 = arith.constant 0 : i32
      %dma_wait3A_168 = arith.constant 0 : i32
      %dma_wait3A_169 = tpu.memref_slice %arg8[%dma_wait3A_166, %dma_wait3A_167, %dma_wait3A_168] : memref<2x125x128xf32, #tpu.memory_space<vmem>> -> memref<1x125x128xf32, #tpu.memory_space<vmem>>
      %dma_wait3A_170 = tpu.memref_squeeze %dma_wait3A_169 : memref<1x125x128xf32, #tpu.memory_space<vmem>> -> memref<125x128xf32, #tpu.memory_space<vmem>>
      %dma_wait3A_171 = arith.constant 0 : i32
      %dma_wait3A_172 = tpu.memref_slice %arg6[%dma_wait3A_165, %dma_wait3A_171] : memref<8x125xi32, #tpu.memory_space<vmem>> -> memref<1x125xi32, #tpu.memory_space<vmem>>
      %dma_wait3A_173 = tpu.memref_squeeze %dma_wait3A_172 : memref<1x125xi32, #tpu.memory_space<vmem>> -> memref<125xi32, #tpu.memory_space<vmem>>
      %dma_wait3A_174 = arith.constant 0 : i32
      %dma_wait3A_175 = arith.constant 0 : i32
      %dma_wait3A_176 = tpu.memref_slice %arg2[%dma_wait3A_174, %dma_wait3A_175] : memref<10000x128xf32, #tpu.memory_space<hbm>> -> memref<10000x128xf32, #tpu.memory_space<hbm>>
      tpu.wait_indirect_dma semaphore(%arg10 : memref<!tpu.dma_semaphore, #tpu.memory_space<semaphore_mem>>) src(%dma_wait3A_176 : memref<10000x128xf32, #tpu.memory_space<hbm>>) dst(%dma_wait3A_170 : memref<125x128xf32, #tpu.memory_space<vmem>>)
      %dma_start3A_177 = arith.constant 5 : i32
      %dma_start3A_178 = arith.constant 1 : i32
      %dma_start3A_179 = arith.constant 0 : i32
      %dma_start3A_180 = arith.constant 0 : i32
      %dma_start3A_181 = tpu.memref_slice %arg8[%dma_start3A_178, %dma_start3A_179, %dma_start3A_180] : memref<2x125x128xf32, #tpu.memory_space<vmem>> -> memref<1x125x128xf32, #tpu.memory_space<vmem>>
      %dma_start3A_182 = tpu.memref_squeeze %dma_start3A_181 : memref<1x125x128xf32, #tpu.memory_space<vmem>> -> memref<125x128xf32, #tpu.memory_space<vmem>>
      %dma_start3A_183 = arith.constant 0 : i32
      %dma_start3A_184 = tpu.memref_slice %arg6[%dma_start3A_177, %dma_start3A_183] : memref<8x125xi32, #tpu.memory_space<vmem>> -> memref<1x125xi32, #tpu.memory_space<vmem>>
      %dma_start3A_185 = tpu.memref_squeeze %dma_start3A_184 : memref<1x125xi32, #tpu.memory_space<vmem>> -> memref<125xi32, #tpu.memory_space<vmem>>
      %dma_start3A_186 = arith.constant 0 : i32
      %dma_start3A_187 = arith.constant 0 : i32
      %dma_start3A_188 = tpu.memref_slice %arg2[%dma_start3A_186, %dma_start3A_187] : memref<10000x128xf32, #tpu.memory_space<hbm>> -> memref<10000x128xf32, #tpu.memory_space<hbm>>
      tpu.enqueue_indirect_dma source(%dma_start3A_188 : memref<10000x128xf32, #tpu.memory_space<hbm>>) target(%dma_start3A_182 : memref<125x128xf32, #tpu.memory_space<vmem>>) offsets(%dma_start3A_185 : memref<125xi32, #tpu.memory_space<vmem>>) semaphore(%arg11 : memref<!tpu.dma_semaphore, #tpu.memory_space<semaphore_mem>>)
      %run_scoped3A_189 = arith.constant 0 : i32
      %run_scoped3A_190 = arith.constant 4 : i32
      "tpu.region"() ({
        %run_scoped3A_257 = tpu.sem_alloc : memref<!tpu.dma_semaphore, #tpu.memory_space<semaphore_mem>>
        %dma_start3A_258 = arith.constant 0 : i32
        %dma_start3A_259 = arith.constant 0 : i32
        %dma_start3A_260 = tpu.memref_slice %arg8[%run_scoped3A_189, %dma_start3A_258, %dma_start3A_259] : memref<2x125x128xf32, #tpu.memory_space<vmem>> -> memref<1x125x128xf32, #tpu.memory_space<vmem>>
        %dma_start3A_261 = tpu.memref_squeeze %dma_start3A_260 : memref<1x125x128xf32, #tpu.memory_space<vmem>> -> memref<125x128xf32, #tpu.memory_space<vmem>>
        %dma_start3A_262 = arith.constant 0 : i32
        %dma_start3A_263 = tpu.memref_slice %arg7[%run_scoped3A_190, %dma_start3A_262] : memref<8x125xi32, #tpu.memory_space<vmem>> -> memref<1x125xi32, #tpu.memory_space<vmem>>
        %dma_start3A_264 = tpu.memref_squeeze %dma_start3A_263 : memref<1x125xi32, #tpu.memory_space<vmem>> -> memref<125xi32, #tpu.memory_space<vmem>>
        %dma_start3A_265 = arith.constant 0 : i32
        %dma_start3A_266 = arith.constant 0 : i32
        %dma_start3A_267 = tpu.memref_slice %arg9[%dma_start3A_265, %dma_start3A_266] : memref<10000x128xf32, #tpu.memory_space<vmem_shared>> -> memref<10000x128xf32, #tpu.memory_space<vmem_shared>>
        tpu.enqueue_indirect_dma source(%dma_start3A_261 : memref<125x128xf32, #tpu.memory_space<vmem>>) target(%dma_start3A_267 : memref<10000x128xf32, #tpu.memory_space<vmem_shared>>) offsets(%dma_start3A_264 : memref<125xi32, #tpu.memory_space<vmem>>) semaphore(%run_scoped3A_257 : memref<!tpu.dma_semaphore, #tpu.memory_space<semaphore_mem>>) {add = true}
        %dma_wait3A_268 = arith.constant 0 : i32
        %dma_wait3A_269 = arith.constant 0 : i32
        %dma_wait3A_270 = tpu.memref_slice %arg8[%run_scoped3A_189, %dma_wait3A_268, %dma_wait3A_269] : memref<2x125x128xf32, #tpu.memory_space<vmem>> -> memref<1x125x128xf32, #tpu.memory_space<vmem>>
        %dma_wait3A_271 = tpu.memref_squeeze %dma_wait3A_270 : memref<1x125x128xf32, #tpu.memory_space<vmem>> -> memref<125x128xf32, #tpu.memory_space<vmem>>
        %dma_wait3A_272 = arith.constant 0 : i32
        %dma_wait3A_273 = tpu.memref_slice %arg7[%run_scoped3A_190, %dma_wait3A_272] : memref<8x125xi32, #tpu.memory_space<vmem>> -> memref<1x125xi32, #tpu.memory_space<vmem>>
        %dma_wait3A_274 = tpu.memref_squeeze %dma_wait3A_273 : memref<1x125xi32, #tpu.memory_space<vmem>> -> memref<125xi32, #tpu.memory_space<vmem>>
        %dma_wait3A_275 = arith.constant 0 : i32
        %dma_wait3A_276 = arith.constant 0 : i32
        %dma_wait3A_277 = tpu.memref_slice %arg9[%dma_wait3A_275, %dma_wait3A_276] : memref<10000x128xf32, #tpu.memory_space<vmem_shared>> -> memref<10000x128xf32, #tpu.memory_space<vmem_shared>>
        tpu.wait_indirect_dma semaphore(%run_scoped3A_257 : memref<!tpu.dma_semaphore, #tpu.memory_space<semaphore_mem>>) src(%dma_wait3A_271 : memref<125x128xf32, #tpu.memory_space<vmem>>) dst(%dma_wait3A_277 : memref<10000x128xf32, #tpu.memory_space<vmem_shared>>)
        tpu.yield
      }) : () -> ()
      %dma_wait3A_191 = arith.constant 5 : i32
      %dma_wait3A_192 = arith.constant 1 : i32
      %dma_wait3A_193 = arith.constant 0 : i32
      %dma_wait3A_194 = arith.constant 0 : i32
      %dma_wait3A_195 = tpu.memref_slice %arg8[%dma_wait3A_192, %dma_wait3A_193, %dma_wait3A_194] : memref<2x125x128xf32, #tpu.memory_space<vmem>> -> memref<1x125x128xf32, #tpu.memory_space<vmem>>
      %dma_wait3A_196 = tpu.memref_squeeze %dma_wait3A_195 : memref<1x125x128xf32, #tpu.memory_space<vmem>> -> memref<125x128xf32, #tpu.memory_space<vmem>>
      %dma_wait3A_197 = arith.constant 0 : i32
      %dma_wait3A_198 = tpu.memref_slice %arg6[%dma_wait3A_191, %dma_wait3A_197] : memref<8x125xi32, #tpu.memory_space<vmem>> -> memref<1x125xi32, #tpu.memory_space<vmem>>
      %dma_wait3A_199 = tpu.memref_squeeze %dma_wait3A_198 : memref<1x125xi32, #tpu.memory_space<vmem>> -> memref<125xi32, #tpu.memory_space<vmem>>
      %dma_wait3A_200 = arith.constant 0 : i32
      %dma_wait3A_201 = arith.constant 0 : i32
      %dma_wait3A_202 = tpu.memref_slice %arg2[%dma_wait3A_200, %dma_wait3A_201] : memref<10000x128xf32, #tpu.memory_space<hbm>> -> memref<10000x128xf32, #tpu.memory_space<hbm>>
      tpu.wait_indirect_dma semaphore(%arg11 : memref<!tpu.dma_semaphore, #tpu.memory_space<semaphore_mem>>) src(%dma_wait3A_202 : memref<10000x128xf32, #tpu.memory_space<hbm>>) dst(%dma_wait3A_196 : memref<125x128xf32, #tpu.memory_space<vmem>>)
      %dma_start3A_203 = arith.constant 6 : i32
      %dma_start3A_204 = arith.constant 0 : i32
      %dma_start3A_205 = arith.constant 0 : i32
      %dma_start3A_206 = arith.constant 0 : i32
      %dma_start3A_207 = tpu.memref_slice %arg8[%dma_start3A_204, %dma_start3A_205, %dma_start3A_206] : memref<2x125x128xf32, #tpu.memory_space<vmem>> -> memref<1x125x128xf32, #tpu.memory_space<vmem>>
      %dma_start3A_208 = tpu.memref_squeeze %dma_start3A_207 : memref<1x125x128xf32, #tpu.memory_space<vmem>> -> memref<125x128xf32, #tpu.memory_space<vmem>>
      %dma_start3A_209 = arith.constant 0 : i32
      %dma_start3A_210 = tpu.memref_slice %arg6[%dma_start3A_203, %dma_start3A_209] : memref<8x125xi32, #tpu.memory_space<vmem>> -> memref<1x125xi32, #tpu.memory_space<vmem>>
      %dma_start3A_211 = tpu.memref_squeeze %dma_start3A_210 : memref<1x125xi32, #tpu.memory_space<vmem>> -> memref<125xi32, #tpu.memory_space<vmem>>
      %dma_start3A_212 = arith.constant 0 : i32
      %dma_start3A_213 = arith.constant 0 : i32
      %dma_start3A_214 = tpu.memref_slice %arg2[%dma_start3A_212, %dma_start3A_213] : memref<10000x128xf32, #tpu.memory_space<hbm>> -> memref<10000x128xf32, #tpu.memory_space<hbm>>
      tpu.enqueue_indirect_dma source(%dma_start3A_214 : memref<10000x128xf32, #tpu.memory_space<hbm>>) target(%dma_start3A_208 : memref<125x128xf32, #tpu.memory_space<vmem>>) offsets(%dma_start3A_211 : memref<125xi32, #tpu.memory_space<vmem>>) semaphore(%arg10 : memref<!tpu.dma_semaphore, #tpu.memory_space<semaphore_mem>>)
      %run_scoped3A_215 = arith.constant 1 : i32
      %run_scoped3A_216 = arith.constant 5 : i32
      "tpu.region"() ({
        %run_scoped3A_257 = tpu.sem_alloc : memref<!tpu.dma_semaphore, #tpu.memory_space<semaphore_mem>>
        %dma_start3A_258 = arith.constant 0 : i32
        %dma_start3A_259 = arith.constant 0 : i32
        %dma_start3A_260 = tpu.memref_slice %arg8[%run_scoped3A_215, %dma_start3A_258, %dma_start3A_259] : memref<2x125x128xf32, #tpu.memory_space<vmem>> -> memref<1x125x128xf32, #tpu.memory_space<vmem>>
        %dma_start3A_261 = tpu.memref_squeeze %dma_start3A_260 : memref<1x125x128xf32, #tpu.memory_space<vmem>> -> memref<125x128xf32, #tpu.memory_space<vmem>>
        %dma_start3A_262 = arith.constant 0 : i32
        %dma_start3A_263 = tpu.memref_slice %arg7[%run_scoped3A_216, %dma_start3A_262] : memref<8x125xi32, #tpu.memory_space<vmem>> -> memref<1x125xi32, #tpu.memory_space<vmem>>
        %dma_start3A_264 = tpu.memref_squeeze %dma_start3A_263 : memref<1x125xi32, #tpu.memory_space<vmem>> -> memref<125xi32, #tpu.memory_space<vmem>>
        %dma_start3A_265 = arith.constant 0 : i32
        %dma_start3A_266 = arith.constant 0 : i32
        %dma_start3A_267 = tpu.memref_slice %arg9[%dma_start3A_265, %dma_start3A_266] : memref<10000x128xf32, #tpu.memory_space<vmem_shared>> -> memref<10000x128xf32, #tpu.memory_space<vmem_shared>>
        tpu.enqueue_indirect_dma source(%dma_start3A_261 : memref<125x128xf32, #tpu.memory_space<vmem>>) target(%dma_start3A_267 : memref<10000x128xf32, #tpu.memory_space<vmem_shared>>) offsets(%dma_start3A_264 : memref<125xi32, #tpu.memory_space<vmem>>) semaphore(%run_scoped3A_257 : memref<!tpu.dma_semaphore, #tpu.memory_space<semaphore_mem>>) {add = true}
        %dma_wait3A_268 = arith.constant 0 : i32
        %dma_wait3A_269 = arith.constant 0 : i32
        %dma_wait3A_270 = tpu.memref_slice %arg8[%run_scoped3A_215, %dma_wait3A_268, %dma_wait3A_269] : memref<2x125x128xf32, #tpu.memory_space<vmem>> -> memref<1x125x128xf32, #tpu.memory_space<vmem>>
        %dma_wait3A_271 = tpu.memref_squeeze %dma_wait3A_270 : memref<1x125x128xf32, #tpu.memory_space<vmem>> -> memref<125x128xf32, #tpu.memory_space<vmem>>
        %dma_wait3A_272 = arith.constant 0 : i32
        %dma_wait3A_273 = tpu.memref_slice %arg7[%run_scoped3A_216, %dma_wait3A_272] : memref<8x125xi32, #tpu.memory_space<vmem>> -> memref<1x125xi32, #tpu.memory_space<vmem>>
        %dma_wait3A_274 = tpu.memref_squeeze %dma_wait3A_273 : memref<1x125xi32, #tpu.memory_space<vmem>> -> memref<125xi32, #tpu.memory_space<vmem>>
        %dma_wait3A_275 = arith.constant 0 : i32
        %dma_wait3A_276 = arith.constant 0 : i32
        %dma_wait3A_277 = tpu.memref_slice %arg9[%dma_wait3A_275, %dma_wait3A_276] : memref<10000x128xf32, #tpu.memory_space<vmem_shared>> -> memref<10000x128xf32, #tpu.memory_space<vmem_shared>>
        tpu.wait_indirect_dma semaphore(%run_scoped3A_257 : memref<!tpu.dma_semaphore, #tpu.memory_space<semaphore_mem>>) src(%dma_wait3A_271 : memref<125x128xf32, #tpu.memory_space<vmem>>) dst(%dma_wait3A_277 : memref<10000x128xf32, #tpu.memory_space<vmem_shared>>)
        tpu.yield
      }) : () -> ()
      %dma_wait3A_217 = arith.constant 6 : i32
      %dma_wait3A_218 = arith.constant 0 : i32
      %dma_wait3A_219 = arith.constant 0 : i32
      %dma_wait3A_220 = arith.constant 0 : i32
      %dma_wait3A_221 = tpu.memref_slice %arg8[%dma_wait3A_218, %dma_wait3A_219, %dma_wait3A_220] : memref<2x125x128xf32, #tpu.memory_space<vmem>> -> memref<1x125x128xf32, #tpu.memory_space<vmem>>
      %dma_wait3A_222 = tpu.memref_squeeze %dma_wait3A_221 : memref<1x125x128xf32, #tpu.memory_space<vmem>> -> memref<125x128xf32, #tpu.memory_space<vmem>>
      %dma_wait3A_223 = arith.constant 0 : i32
      %dma_wait3A_224 = tpu.memref_slice %arg6[%dma_wait3A_217, %dma_wait3A_223] : memref<8x125xi32, #tpu.memory_space<vmem>> -> memref<1x125xi32, #tpu.memory_space<vmem>>
      %dma_wait3A_225 = tpu.memref_squeeze %dma_wait3A_224 : memref<1x125xi32, #tpu.memory_space<vmem>> -> memref<125xi32, #tpu.memory_space<vmem>>
      %dma_wait3A_226 = arith.constant 0 : i32
      %dma_wait3A_227 = arith.constant 0 : i32
      %dma_wait3A_228 = tpu.memref_slice %arg2[%dma_wait3A_226, %dma_wait3A_227] : memref<10000x128xf32, #tpu.memory_space<hbm>> -> memref<10000x128xf32, #tpu.memory_space<hbm>>
      tpu.wait_indirect_dma semaphore(%arg10 : memref<!tpu.dma_semaphore, #tpu.memory_space<semaphore_mem>>) src(%dma_wait3A_228 : memref<10000x128xf32, #tpu.memory_space<hbm>>) dst(%dma_wait3A_222 : memref<125x128xf32, #tpu.memory_space<vmem>>)
      %dma_start3A_229 = arith.constant 7 : i32
      %dma_start3A_230 = arith.constant 1 : i32
      %dma_start3A_231 = arith.constant 0 : i32
      %dma_start3A_232 = arith.constant 0 : i32
      %dma_start3A_233 = tpu.memref_slice %arg8[%dma_start3A_230, %dma_start3A_231, %dma_start3A_232] : memref<2x125x128xf32, #tpu.memory_space<vmem>> -> memref<1x125x128xf32, #tpu.memory_space<vmem>>
      %dma_start3A_234 = tpu.memref_squeeze %dma_start3A_233 : memref<1x125x128xf32, #tpu.memory_space<vmem>> -> memref<125x128xf32, #tpu.memory_space<vmem>>
      %dma_start3A_235 = arith.constant 0 : i32
      %dma_start3A_236 = tpu.memref_slice %arg6[%dma_start3A_229, %dma_start3A_235] : memref<8x125xi32, #tpu.memory_space<vmem>> -> memref<1x125xi32, #tpu.memory_space<vmem>>
      %dma_start3A_237 = tpu.memref_squeeze %dma_start3A_236 : memref<1x125xi32, #tpu.memory_space<vmem>> -> memref<125xi32, #tpu.memory_space<vmem>>
      %dma_start3A_238 = arith.constant 0 : i32
      %dma_start3A_239 = arith.constant 0 : i32
      %dma_start3A_240 = tpu.memref_slice %arg2[%dma_start3A_238, %dma_start3A_239] : memref<10000x128xf32, #tpu.memory_space<hbm>> -> memref<10000x128xf32, #tpu.memory_space<hbm>>
      tpu.enqueue_indirect_dma source(%dma_start3A_240 : memref<10000x128xf32, #tpu.memory_space<hbm>>) target(%dma_start3A_234 : memref<125x128xf32, #tpu.memory_space<vmem>>) offsets(%dma_start3A_237 : memref<125xi32, #tpu.memory_space<vmem>>) semaphore(%arg11 : memref<!tpu.dma_semaphore, #tpu.memory_space<semaphore_mem>>)
      %run_scoped3A_241 = arith.constant 0 : i32
      %run_scoped3A_242 = arith.constant 6 : i32
      "tpu.region"() ({
        %run_scoped3A_257 = tpu.sem_alloc : memref<!tpu.dma_semaphore, #tpu.memory_space<semaphore_mem>>
        %dma_start3A_258 = arith.constant 0 : i32
        %dma_start3A_259 = arith.constant 0 : i32
        %dma_start3A_260 = tpu.memref_slice %arg8[%run_scoped3A_241, %dma_start3A_258, %dma_start3A_259] : memref<2x125x128xf32, #tpu.memory_space<vmem>> -> memref<1x125x128xf32, #tpu.memory_space<vmem>>
        %dma_start3A_261 = tpu.memref_squeeze %dma_start3A_260 : memref<1x125x128xf32, #tpu.memory_space<vmem>> -> memref<125x128xf32, #tpu.memory_space<vmem>>
        %dma_start3A_262 = arith.constant 0 : i32
        %dma_start3A_263 = tpu.memref_slice %arg7[%run_scoped3A_242, %dma_start3A_262] : memref<8x125xi32, #tpu.memory_space<vmem>> -> memref<1x125xi32, #tpu.memory_space<vmem>>
        %dma_start3A_264 = tpu.memref_squeeze %dma_start3A_263 : memref<1x125xi32, #tpu.memory_space<vmem>> -> memref<125xi32, #tpu.memory_space<vmem>>
        %dma_start3A_265 = arith.constant 0 : i32
        %dma_start3A_266 = arith.constant 0 : i32
        %dma_start3A_267 = tpu.memref_slice %arg9[%dma_start3A_265, %dma_start3A_266] : memref<10000x128xf32, #tpu.memory_space<vmem_shared>> -> memref<10000x128xf32, #tpu.memory_space<vmem_shared>>
        tpu.enqueue_indirect_dma source(%dma_start3A_261 : memref<125x128xf32, #tpu.memory_space<vmem>>) target(%dma_start3A_267 : memref<10000x128xf32, #tpu.memory_space<vmem_shared>>) offsets(%dma_start3A_264 : memref<125xi32, #tpu.memory_space<vmem>>) semaphore(%run_scoped3A_257 : memref<!tpu.dma_semaphore, #tpu.memory_space<semaphore_mem>>) {add = true}
        %dma_wait3A_268 = arith.constant 0 : i32
        %dma_wait3A_269 = arith.constant 0 : i32
        %dma_wait3A_270 = tpu.memref_slice %arg8[%run_scoped3A_241, %dma_wait3A_268, %dma_wait3A_269] : memref<2x125x128xf32, #tpu.memory_space<vmem>> -> memref<1x125x128xf32, #tpu.memory_space<vmem>>
        %dma_wait3A_271 = tpu.memref_squeeze %dma_wait3A_270 : memref<1x125x128xf32, #tpu.memory_space<vmem>> -> memref<125x128xf32, #tpu.memory_space<vmem>>
        %dma_wait3A_272 = arith.constant 0 : i32
        %dma_wait3A_273 = tpu.memref_slice %arg7[%run_scoped3A_242, %dma_wait3A_272] : memref<8x125xi32, #tpu.memory_space<vmem>> -> memref<1x125xi32, #tpu.memory_space<vmem>>
        %dma_wait3A_274 = tpu.memref_squeeze %dma_wait3A_273 : memref<1x125xi32, #tpu.memory_space<vmem>> -> memref<125xi32, #tpu.memory_space<vmem>>
        %dma_wait3A_275 = arith.constant 0 : i32
        %dma_wait3A_276 = arith.constant 0 : i32
        %dma_wait3A_277 = tpu.memref_slice %arg9[%dma_wait3A_275, %dma_wait3A_276] : memref<10000x128xf32, #tpu.memory_space<vmem_shared>> -> memref<10000x128xf32, #tpu.memory_space<vmem_shared>>
        tpu.wait_indirect_dma semaphore(%run_scoped3A_257 : memref<!tpu.dma_semaphore, #tpu.memory_space<semaphore_mem>>) src(%dma_wait3A_271 : memref<125x128xf32, #tpu.memory_space<vmem>>) dst(%dma_wait3A_277 : memref<10000x128xf32, #tpu.memory_space<vmem_shared>>)
        tpu.yield
      }) : () -> ()
      %dma_wait3A_243 = arith.constant 7 : i32
      %dma_wait3A_244 = arith.constant 1 : i32
      %dma_wait3A_245 = arith.constant 0 : i32
      %dma_wait3A_246 = arith.constant 0 : i32
      %dma_wait3A_247 = tpu.memref_slice %arg8[%dma_wait3A_244, %dma_wait3A_245, %dma_wait3A_246] : memref<2x125x128xf32, #tpu.memory_space<vmem>> -> memref<1x125x128xf32, #tpu.memory_space<vmem>>
      %dma_wait3A_248 = tpu.memref_squeeze %dma_wait3A_247 : memref<1x125x128xf32, #tpu.memory_space<vmem>> -> memref<125x128xf32, #tpu.memory_space<vmem>>
      %dma_wait3A_249 = arith.constant 0 : i32
      %dma_wait3A_250 = tpu.memref_slice %arg6[%dma_wait3A_243, %dma_wait3A_249] : memref<8x125xi32, #tpu.memory_space<vmem>> -> memref<1x125xi32, #tpu.memory_space<vmem>>
      %dma_wait3A_251 = tpu.memref_squeeze %dma_wait3A_250 : memref<1x125xi32, #tpu.memory_space<vmem>> -> memref<125xi32, #tpu.memory_space<vmem>>
      %dma_wait3A_252 = arith.constant 0 : i32
      %dma_wait3A_253 = arith.constant 0 : i32
      %dma_wait3A_254 = tpu.memref_slice %arg2[%dma_wait3A_252, %dma_wait3A_253] : memref<10000x128xf32, #tpu.memory_space<hbm>> -> memref<10000x128xf32, #tpu.memory_space<hbm>>
      tpu.wait_indirect_dma semaphore(%arg11 : memref<!tpu.dma_semaphore, #tpu.memory_space<semaphore_mem>>) src(%dma_wait3A_254 : memref<10000x128xf32, #tpu.memory_space<hbm>>) dst(%dma_wait3A_248 : memref<125x128xf32, #tpu.memory_space<vmem>>)
      %run_scoped3A_255 = arith.constant 1 : i32
      %run_scoped3A_256 = arith.constant 7 : i32
      "tpu.region"() ({
        %run_scoped3A_257 = tpu.sem_alloc : memref<!tpu.dma_semaphore, #tpu.memory_space<semaphore_mem>>
        %dma_start3A_258 = arith.constant 0 : i32
        %dma_start3A_259 = arith.constant 0 : i32
        %dma_start3A_260 = tpu.memref_slice %arg8[%run_scoped3A_255, %dma_start3A_258, %dma_start3A_259] : memref<2x125x128xf32, #tpu.memory_space<vmem>> -> memref<1x125x128xf32, #tpu.memory_space<vmem>>
        %dma_start3A_261 = tpu.memref_squeeze %dma_start3A_260 : memref<1x125x128xf32, #tpu.memory_space<vmem>> -> memref<125x128xf32, #tpu.memory_space<vmem>>
        %dma_start3A_262 = arith.constant 0 : i32
        %dma_start3A_263 = tpu.memref_slice %arg7[%run_scoped3A_256, %dma_start3A_262] : memref<8x125xi32, #tpu.memory_space<vmem>> -> memref<1x125xi32, #tpu.memory_space<vmem>>
        %dma_start3A_264 = tpu.memref_squeeze %dma_start3A_263 : memref<1x125xi32, #tpu.memory_space<vmem>> -> memref<125xi32, #tpu.memory_space<vmem>>
        %dma_start3A_265 = arith.constant 0 : i32
        %dma_start3A_266 = arith.constant 0 : i32
        %dma_start3A_267 = tpu.memref_slice %arg9[%dma_start3A_265, %dma_start3A_266] : memref<10000x128xf32, #tpu.memory_space<vmem_shared>> -> memref<10000x128xf32, #tpu.memory_space<vmem_shared>>
        tpu.enqueue_indirect_dma source(%dma_start3A_261 : memref<125x128xf32, #tpu.memory_space<vmem>>) target(%dma_start3A_267 : memref<10000x128xf32, #tpu.memory_space<vmem_shared>>) offsets(%dma_start3A_264 : memref<125xi32, #tpu.memory_space<vmem>>) semaphore(%run_scoped3A_257 : memref<!tpu.dma_semaphore, #tpu.memory_space<semaphore_mem>>) {add = true}
        %dma_wait3A_268 = arith.constant 0 : i32
        %dma_wait3A_269 = arith.constant 0 : i32
        %dma_wait3A_270 = tpu.memref_slice %arg8[%run_scoped3A_255, %dma_wait3A_268, %dma_wait3A_269] : memref<2x125x128xf32, #tpu.memory_space<vmem>> -> memref<1x125x128xf32, #tpu.memory_space<vmem>>
        %dma_wait3A_271 = tpu.memref_squeeze %dma_wait3A_270 : memref<1x125x128xf32, #tpu.memory_space<vmem>> -> memref<125x128xf32, #tpu.memory_space<vmem>>
        %dma_wait3A_272 = arith.constant 0 : i32
        %dma_wait3A_273 = tpu.memref_slice %arg7[%run_scoped3A_256, %dma_wait3A_272] : memref<8x125xi32, #tpu.memory_space<vmem>> -> memref<1x125xi32, #tpu.memory_space<vmem>>
        %dma_wait3A_274 = tpu.memref_squeeze %dma_wait3A_273 : memref<1x125xi32, #tpu.memory_space<vmem>> -> memref<125xi32, #tpu.memory_space<vmem>>
        %dma_wait3A_275 = arith.constant 0 : i32
        %dma_wait3A_276 = arith.constant 0 : i32
        %dma_wait3A_277 = tpu.memref_slice %arg9[%dma_wait3A_275, %dma_wait3A_276] : memref<10000x128xf32, #tpu.memory_space<vmem_shared>> -> memref<10000x128xf32, #tpu.memory_space<vmem_shared>>
        tpu.wait_indirect_dma semaphore(%run_scoped3A_257 : memref<!tpu.dma_semaphore, #tpu.memory_space<semaphore_mem>>) src(%dma_wait3A_271 : memref<125x128xf32, #tpu.memory_space<vmem>>) dst(%dma_wait3A_277 : memref<10000x128xf32, #tpu.memory_space<vmem_shared>>)
        tpu.yield
      }) : () -> ()
    }
    %scan3A_35 = arith.constant 10 : i32
    %barrier3A_36 = arith.constant 0 : index
    tpu.barrier barrier_id(%barrier3A_36)
    %mul3A_37 = arith.constant 632 : i32
    %mul3A_38 = arith.muli %arg1, %mul3A_37 : i32
    %multiple_of3A = tpu.assume_multiple %mul3A_38, 8 : i32
    %lt3A = arith.constant 15 : i32
    %lt3A_39 = arith.cmpi slt, %arg1, %lt3A : i32
    %convert_element_type3A = arith.extui %lt3A_39 : i1 to i32
    %cond3A = arith.constant 0 : i32
    %cond3A_40 = arith.cmpi ne, %convert_element_type3A, %cond3A : i32
    scf.if %cond3A_40 {
      "tpu.region"() ({
        %run_scoped3A_45 = tpu.sem_alloc : memref<!tpu.dma_semaphore, #tpu.memory_space<semaphore_mem>>
        %dma_start3A = arith.constant 0 : i32
        %dma_start3A_46 = tpu.memref_slice %arg5[%arg0, %multiple_of3A, %dma_start3A] : memref<2x10000x128xf32, #tpu.memory_space<hbm>> -> memref<1x632x128xf32, #tpu.memory_space<hbm>>
        %dma_start3A_47 = tpu.memref_squeeze %dma_start3A_46 : memref<1x632x128xf32, #tpu.memory_space<hbm>> -> memref<632x128xf32, #tpu.memory_space<hbm>>
        %dma_start3A_48 = arith.constant 0 : i32
        %dma_start3A_49 = tpu.memref_slice %arg9[%multiple_of3A, %dma_start3A_48] : memref<10000x128xf32, #tpu.memory_space<vmem_shared>> -> memref<632x128xf32, #tpu.memory_space<vmem_shared>>
        tpu.enqueue_dma source(%dma_start3A_49 : memref<632x128xf32, #tpu.memory_space<vmem_shared>>) target(%dma_start3A_47 : memref<632x128xf32, #tpu.memory_space<hbm>>) target_semaphore(%run_scoped3A_45 : memref<!tpu.dma_semaphore, #tpu.memory_space<semaphore_mem>>)
        %dma_wait3A = arith.constant 0 : i32
        %dma_wait3A_50 = tpu.memref_slice %arg5[%arg0, %multiple_of3A, %dma_wait3A] : memref<2x10000x128xf32, #tpu.memory_space<hbm>> -> memref<1x632x128xf32, #tpu.memory_space<hbm>>
        %dma_wait3A_51 = tpu.memref_squeeze %dma_wait3A_50 : memref<1x632x128xf32, #tpu.memory_space<hbm>> -> memref<632x128xf32, #tpu.memory_space<hbm>>
        %dma_wait3A_52 = arith.constant 0 : i32
        %dma_wait3A_53 = tpu.memref_slice %arg9[%multiple_of3A, %dma_wait3A_52] : memref<10000x128xf32, #tpu.memory_space<vmem_shared>> -> memref<632x128xf32, #tpu.memory_space<vmem_shared>>
        tpu.wait_dma2 semaphore(%run_scoped3A_45 : memref<!tpu.dma_semaphore, #tpu.memory_space<semaphore_mem>>) src(%dma_wait3A_53 : memref<632x128xf32, #tpu.memory_space<vmem_shared>>) dst(%dma_wait3A_51 : memref<632x128xf32, #tpu.memory_space<hbm>>)
        tpu.yield
      }) : () -> ()
    } else {
    }
    %eq3A = arith.constant 15 : i32
    %eq3A_41 = arith.cmpi eq, %arg1, %eq3A : i32
    %convert_element_type3A_42 = arith.extui %eq3A_41 : i1 to i32
    %cond3A_43 = arith.constant 0 : i32
    %cond3A_44 = arith.cmpi ne, %convert_element_type3A_42, %cond3A_43 : i32
    scf.if %cond3A_44 {
      "tpu.region"() ({
        %run_scoped3A_45 = tpu.sem_alloc : memref<!tpu.dma_semaphore, #tpu.memory_space<semaphore_mem>>
        %dma_start3A = arith.constant 0 : i32
        %dma_start3A_46 = tpu.memref_slice %arg5[%arg0, %multiple_of3A, %dma_start3A] : memref<2x10000x128xf32, #tpu.memory_space<hbm>> -> memref<1x520x128xf32, #tpu.memory_space<hbm>>
        %dma_start3A_47 = tpu.memref_squeeze %dma_start3A_46 : memref<1x520x128xf32, #tpu.memory_space<hbm>> -> memref<520x128xf32, #tpu.memory_space<hbm>>
        %dma_start3A_48 = arith.constant 0 : i32
        %dma_start3A_49 = tpu.memref_slice %arg9[%multiple_of3A, %dma_start3A_48] : memref<10000x128xf32, #tpu.memory_space<vmem_shared>> -> memref<520x128xf32, #tpu.memory_space<vmem_shared>>
        tpu.enqueue_dma source(%dma_start3A_49 : memref<520x128xf32, #tpu.memory_space<vmem_shared>>) target(%dma_start3A_47 : memref<520x128xf32, #tpu.memory_space<hbm>>) target_semaphore(%run_scoped3A_45 : memref<!tpu.dma_semaphore, #tpu.memory_space<semaphore_mem>>)
        %dma_wait3A = arith.constant 0 : i32
        %dma_wait3A_50 = tpu.memref_slice %arg5[%arg0, %multiple_of3A, %dma_wait3A] : memref<2x10000x128xf32, #tpu.memory_space<hbm>> -> memref<1x520x128xf32, #tpu.memory_space<hbm>>
        %dma_wait3A_51 = tpu.memref_squeeze %dma_wait3A_50 : memref<1x520x128xf32, #tpu.memory_space<hbm>> -> memref<520x128xf32, #tpu.memory_space<hbm>>
        %dma_wait3A_52 = arith.constant 0 : i32
        %dma_wait3A_53 = tpu.memref_slice %arg9[%multiple_of3A, %dma_wait3A_52] : memref<10000x128xf32, #tpu.memory_space<vmem_shared>> -> memref<520x128xf32, #tpu.memory_space<vmem_shared>>
        tpu.wait_dma2 semaphore(%run_scoped3A_45 : memref<!tpu.dma_semaphore, #tpu.memory_space<semaphore_mem>>) src(%dma_wait3A_53 : memref<520x128xf32, #tpu.memory_space<vmem_shared>>) dst(%dma_wait3A_51 : memref<520x128xf32, #tpu.memory_space<hbm>>)
        tpu.yield
      }) : () -> ()
    } else {
    }
    return
  }
}

module attributes {stable_mosaic.version = 14 : i64} {
  func.func @_mm_body(%arg0: i32, %arg1: memref<1000x128xf32, #tpu.memory_space<vmem>>, %arg2: memref<128x128xf32, #tpu.memory_space<vmem>>, %arg3: memref<1000x128xf32, #tpu.memory_space<vmem>>) attributes {dimension_semantics = [#tpu.dimension_semantics<arbitrary>], iteration_bounds = array<i64: 10>, scalar_prefetch = 0 : i64, scratch_operands = 0 : i64, tpu.core_type = #tpu.core_type<tc>, window_params = [{transform_indices = @transform_0, window_bounds = array<i64: 1000, 128>}, {pipeline_mode = #tpu.pipeline_mode<synchronous>, transform_indices = @transform_1, window_bounds = array<i64: 128, 128>}, {transform_indices = @transform_2, window_bounds = array<i64: 1000, 128>}]} {
    %get3A = arith.constant 0 : index
    %get3A_0 = arith.constant 0 : index
    %get3A_1 = vector.load %arg1[%get3A, %get3A_0] : memref<1000x128xf32, #tpu.memory_space<vmem>>, vector<1000x128xf32>
    %get3A_2 = arith.constant 0 : index
    %get3A_3 = arith.constant 0 : index
    %get3A_4 = vector.load %arg2[%get3A_2, %get3A_3] : memref<128x128xf32, #tpu.memory_space<vmem>>, vector<128x128xf32>
    %dot_general3A = arith.constant dense<0.000000e+00> : vector<1000x128xf32>
    %dot_general3A_5 = tpu.matmul %get3A_1, %get3A_4, %dot_general3A {dimension_numbers = #tpu.dot_dimension_numbers<[1], [0], [0], [1], [0, 0, 1, 1], [], []>, precision = #tpu.contract_precision<fp32>, transpose_lhs_hint = false} : vector<1000x128xf32>, vector<128x128xf32>, vector<1000x128xf32> -> vector<1000x128xf32>
    %swap3A = arith.constant 0 : index
    %swap3A_6 = arith.constant 0 : index
    %swap3A_7 = vector.load %arg3[%swap3A, %swap3A_6] : memref<1000x128xf32, #tpu.memory_space<vmem>>, vector<1000x128xf32>
    tpu.vector_store %arg3[%swap3A, %swap3A_6], %dot_general3A_5 {strides = array<i32>} : memref<1000x128xf32, #tpu.memory_space<vmem>>, vector<1000x128xf32>,
    return
  }
  func.func @transform_0(%arg0: i32) -> (i32, i32) {
    %c0_i32 = arith.constant 0 : i32
    %c0_i32_0 = arith.constant 0 : i32
    return %arg0, %c0_i32 : i32, i32
  }
  func.func @transform_1(%arg0: i32) -> (i32, i32) {
    %c0_i32 = arith.constant 0 : i32
    %c0_i32_0 = arith.constant 0 : i32
    %c0_i32_1 = arith.constant 0 : i32
    return %c0_i32, %c0_i32_0 : i32, i32
  }
  func.func @transform_2(%arg0: i32) -> (i32, i32) {
    %c0_i32 = arith.constant 0 : i32
    %c0_i32_0 = arith.constant 0 : i32
    return %arg0, %c0_i32 : i32, i32
  }
}

module attributes {stable_mosaic.version = 14 : i64} {
  func.func @_fuse1_body(%arg0: i32, %arg1: memref<1000x128xf32, #tpu.memory_space<vmem>>, %arg2: memref<1000x128xf32, #tpu.memory_space<vmem>>, %arg3: memref<1000x128xf32, #tpu.memory_space<vmem>>, %arg4: memref<128x128xf32, #tpu.memory_space<vmem>>, %arg5: memref<1x128xf32, #tpu.memory_space<vmem>>, %arg6: memref<128x128xf32, #tpu.memory_space<vmem>>, %arg7: memref<1000x128xf32, #tpu.memory_space<vmem>>, %arg8: memref<1000x128xf32, #tpu.memory_space<vmem>>) attributes {dimension_semantics = [#tpu.dimension_semantics<arbitrary>], iteration_bounds = array<i64: 10>, scalar_prefetch = 0 : i64, scratch_operands = 0 : i64, tpu.core_type = #tpu.core_type<tc>, window_params = [{transform_indices = @transform_0, window_bounds = array<i64: 1000, 128>}, {transform_indices = @transform_1, window_bounds = array<i64: 1000, 128>}, {transform_indices = @transform_2, window_bounds = array<i64: 1000, 128>}, {pipeline_mode = #tpu.pipeline_mode<synchronous>, transform_indices = @transform_3, window_bounds = array<i64: 128, 128>}, {pipeline_mode = #tpu.pipeline_mode<synchronous>, transform_indices = @transform_4, window_bounds = array<i64: 1, 128>}, {pipeline_mode = #tpu.pipeline_mode<synchronous>, transform_indices = @transform_5, window_bounds = array<i64: 128, 128>}, {transform_indices = @transform_6, window_bounds = array<i64: 1000, 128>}, {transform_indices = @transform_7, window_bounds = array<i64: 1000, 128>}]} {
    %get3A = arith.constant 0 : index
    %get3A_0 = arith.constant 0 : index
    %get3A_1 = vector.load %arg2[%get3A, %get3A_0] : memref<1000x128xf32, #tpu.memory_space<vmem>>, vector<1000x128xf32>
    %get3A_2 = arith.constant 0 : index
    %get3A_3 = arith.constant 0 : index
    %get3A_4 = vector.load %arg3[%get3A_2, %get3A_3] : memref<1000x128xf32, #tpu.memory_space<vmem>>, vector<1000x128xf32>
    %add3A = arith.addf %get3A_1, %get3A_4 : vector<1000x128xf32>
    %get3A_5 = arith.constant 0 : index
    %get3A_6 = arith.constant 0 : index
    %get3A_7 = vector.load %arg1[%get3A_5, %get3A_6] : memref<1000x128xf32, #tpu.memory_space<vmem>>, vector<1000x128xf32>
    %get3A_8 = arith.constant 0 : index
    %get3A_9 = arith.constant 0 : index
    %get3A_10 = vector.load %arg4[%get3A_8, %get3A_9] : memref<128x128xf32, #tpu.memory_space<vmem>>, vector<128x128xf32>
    %dot_general3A = arith.constant dense<0.000000e+00> : vector<1000x128xf32>
    %dot_general3A_11 = tpu.matmul %get3A_7, %get3A_10, %dot_general3A {dimension_numbers = #tpu.dot_dimension_numbers<[1], [0], [0], [1], [0, 0, 1, 1], [], []>, precision = #tpu.contract_precision<fp32>, transpose_lhs_hint = false} : vector<1000x128xf32>, vector<128x128xf32>, vector<1000x128xf32> -> vector<1000x128xf32>
    %add3A_12 = arith.addf %dot_general3A_11, %add3A : vector<1000x128xf32>
    %get3A_13 = arith.constant 0 : index
    %get3A_14 = arith.constant 0 : index
    %get3A_15 = vector.load %arg5[%get3A_13, %get3A_14] : memref<1x128xf32, #tpu.memory_space<vmem>>, vector<1x128xf32>
    %add3A_16 = vector.broadcast %get3A_15 : vector<1x128xf32> to vector<1000x128xf32>
    %add3A_17 = arith.addf %add3A_12, %add3A_16 : vector<1000x128xf32>
    %max3A = arith.constant 0.000000e+00 : f32
    %max3A_18 = vector.broadcast %max3A : f32 to vector<1000x128xf32>
    %max3A_19 = arith.maximumf %add3A_17, %max3A_18 : vector<1000x128xf32>
    %swap3A = arith.constant 0 : index
    %swap3A_20 = arith.constant 0 : index
    %swap3A_21 = vector.load %arg7[%swap3A, %swap3A_20] : memref<1000x128xf32, #tpu.memory_space<vmem>>, vector<1000x128xf32>
    tpu.vector_store %arg7[%swap3A, %swap3A_20], %max3A_19 {strides = array<i32>} : memref<1000x128xf32, #tpu.memory_space<vmem>>, vector<1000x128xf32>,
    %get3A_22 = arith.constant 0 : index
    %get3A_23 = arith.constant 0 : index
    %get3A_24 = vector.load %arg6[%get3A_22, %get3A_23] : memref<128x128xf32, #tpu.memory_space<vmem>>, vector<128x128xf32>
    %dot_general3A_25 = arith.constant dense<0.000000e+00> : vector<1000x128xf32>
    %dot_general3A_26 = tpu.matmul %max3A_19, %get3A_24, %dot_general3A_25 {dimension_numbers = #tpu.dot_dimension_numbers<[1], [0], [0], [1], [0, 0, 1, 1], [], []>, precision = #tpu.contract_precision<fp32>, transpose_lhs_hint = false} : vector<1000x128xf32>, vector<128x128xf32>, vector<1000x128xf32> -> vector<1000x128xf32>
    %swap3A_27 = arith.constant 0 : index
    %swap3A_28 = arith.constant 0 : index
    %swap3A_29 = vector.load %arg8[%swap3A_27, %swap3A_28] : memref<1000x128xf32, #tpu.memory_space<vmem>>, vector<1000x128xf32>
    tpu.vector_store %arg8[%swap3A_27, %swap3A_28], %dot_general3A_26 {strides = array<i32>} : memref<1000x128xf32, #tpu.memory_space<vmem>>, vector<1000x128xf32>,
    return
  }
  func.func @transform_0(%arg0: i32) -> (i32, i32) {
    %c0_i32 = arith.constant 0 : i32
    %c0_i32_0 = arith.constant 0 : i32
    return %arg0, %c0_i32 : i32, i32
  }
  func.func @transform_1(%arg0: i32) -> (i32, i32) {
    %c0_i32 = arith.constant 0 : i32
    %c0_i32_0 = arith.constant 0 : i32
    return %arg0, %c0_i32 : i32, i32
  }
  func.func @transform_2(%arg0: i32) -> (i32, i32) {
    %c0_i32 = arith.constant 0 : i32
    %c0_i32_0 = arith.constant 0 : i32
    return %arg0, %c0_i32 : i32, i32
  }
  func.func @transform_3(%arg0: i32) -> (i32, i32) {
    %c0_i32 = arith.constant 0 : i32
    %c0_i32_0 = arith.constant 0 : i32
    %c0_i32_1 = arith.constant 0 : i32
    return %c0_i32, %c0_i32_0 : i32, i32
  }
  func.func @transform_4(%arg0: i32) -> (i32, i32) {
    %c0_i32 = arith.constant 0 : i32
    %c0_i32_0 = arith.constant 0 : i32
    %c0_i32_1 = arith.constant 0 : i32
    return %c0_i32, %c0_i32_0 : i32, i32
  }
  func.func @transform_5(%arg0: i32) -> (i32, i32) {
    %c0_i32 = arith.constant 0 : i32
    %c0_i32_0 = arith.constant 0 : i32
    %c0_i32_1 = arith.constant 0 : i32
    return %c0_i32, %c0_i32_0 : i32, i32
  }
  func.func @transform_6(%arg0: i32) -> (i32, i32) {
    %c0_i32 = arith.constant 0 : i32
    %c0_i32_0 = arith.constant 0 : i32
    return %arg0, %c0_i32 : i32, i32
  }
  func.func @transform_7(%arg0: i32) -> (i32, i32) {
    %c0_i32 = arith.constant 0 : i32
    %c0_i32_0 = arith.constant 0 : i32
    return %arg0, %c0_i32 : i32, i32
  }
}

module attributes {stable_mosaic.version = 14 : i64} {
  func.func @_fuse2_body(%arg0: i32, %arg1: memref<1000x128xf32, #tpu.memory_space<vmem>>, %arg2: memref<1000x128xf32, #tpu.memory_space<vmem>>, %arg3: memref<1000x128xf32, #tpu.memory_space<vmem>>, %arg4: memref<128x128xf32, #tpu.memory_space<vmem>>, %arg5: memref<1x128xf32, #tpu.memory_space<vmem>>, %arg6: memref<1000x1xi32, #tpu.memory_space<vmem>>, %arg7: memref<8x128xf32, #tpu.memory_space<vmem>>) attributes {dimension_semantics = [#tpu.dimension_semantics<arbitrary>], iteration_bounds = array<i64: 10>, scalar_prefetch = 0 : i64, scratch_operands = 0 : i64, tpu.core_type = #tpu.core_type<tc>, window_params = [{transform_indices = @transform_0, window_bounds = array<i64: 1000, 128>}, {transform_indices = @transform_1, window_bounds = array<i64: 1000, 128>}, {transform_indices = @transform_2, window_bounds = array<i64: 1000, 128>}, {pipeline_mode = #tpu.pipeline_mode<synchronous>, transform_indices = @transform_3, window_bounds = array<i64: 128, 128>}, {pipeline_mode = #tpu.pipeline_mode<synchronous>, transform_indices = @transform_4, window_bounds = array<i64: 1, 128>}, {transform_indices = @transform_5, window_bounds = array<i64: 1000, 1>}, {pipeline_mode = #tpu.pipeline_mode<synchronous>, transform_indices = @transform_6, window_bounds = array<i64: 8, 128>}]} {
    %get3A = arith.constant 0 : index
    %get3A_0 = arith.constant 0 : index
    %get3A_1 = vector.load %arg1[%get3A, %get3A_0] : memref<1000x128xf32, #tpu.memory_space<vmem>>, vector<1000x128xf32>
    %get3A_2 = arith.constant 0 : index
    %get3A_3 = arith.constant 0 : index
    %get3A_4 = vector.load %arg4[%get3A_2, %get3A_3] : memref<128x128xf32, #tpu.memory_space<vmem>>, vector<128x128xf32>
    %dot_general3A = arith.constant dense<0.000000e+00> : vector<1000x128xf32>
    %dot_general3A_5 = tpu.matmul %get3A_1, %get3A_4, %dot_general3A {dimension_numbers = #tpu.dot_dimension_numbers<[1], [0], [0], [1], [0, 0, 1, 1], [], []>, precision = #tpu.contract_precision<fp32>, transpose_lhs_hint = false} : vector<1000x128xf32>, vector<128x128xf32>, vector<1000x128xf32> -> vector<1000x128xf32>
    %get3A_6 = arith.constant 0 : index
    %get3A_7 = arith.constant 0 : index
    %get3A_8 = vector.load %arg2[%get3A_6, %get3A_7] : memref<1000x128xf32, #tpu.memory_space<vmem>>, vector<1000x128xf32>
    %add3A = arith.addf %dot_general3A_5, %get3A_8 : vector<1000x128xf32>
    %get3A_9 = arith.constant 0 : index
    %get3A_10 = arith.constant 0 : index
    %get3A_11 = vector.load %arg3[%get3A_9, %get3A_10] : memref<1000x128xf32, #tpu.memory_space<vmem>>, vector<1000x128xf32>
    %add3A_12 = arith.addf %add3A, %get3A_11 : vector<1000x128xf32>
    %get3A_13 = arith.constant 0 : index
    %get3A_14 = arith.constant 0 : index
    %get3A_15 = vector.load %arg5[%get3A_13, %get3A_14] : memref<1x128xf32, #tpu.memory_space<vmem>>, vector<1x128xf32>
    %add3A_16 = vector.broadcast %get3A_15 : vector<1x128xf32> to vector<1000x128xf32>
    %add3A_17 = arith.addf %add3A_12, %add3A_16 : vector<1000x128xf32>
    %get3A_18 = arith.constant 0 : index
    %get3A_19 = arith.constant 0 : index
    %get3A_20 = vector.load %arg6[%get3A_18, %get3A_19] : memref<1000x1xi32, #tpu.memory_space<vmem>>, vector<1000x1xi32>
    %eq3A = arith.constant 0 : i32
    %eq3A_21 = vector.broadcast %eq3A : i32 to vector<1000x1xi32>
    %eq3A_22 = arith.cmpi eq, %get3A_20, %eq3A_21 : vector<1000x1xi32>
    %jit3A = arith.constant 0xFF800000 : f32
    %broadcast_in_dim3A = vector.shape_cast %eq3A_22 : vector<1000x1xi1> to vector<1000x1xi1>
    %broadcast_in_dim3A_23 = vector.broadcast %broadcast_in_dim3A : vector<1000x1xi1> to vector<1000x128xi1>
    %broadcast_in_dim3A_24 = vector.broadcast %jit3A : f32 to vector<1000x128xf32>
    %select_n3A = arith.select %broadcast_in_dim3A_23, %add3A_17, %broadcast_in_dim3A_24 : vector<1000x128xi1>, vector<1000x128xf32>
    %reduce_max3A = arith.constant dense<0xFF800000> : vector<128xf32>
    %reduce_max3A_25 = vector.multi_reduction <maximumf>, %select_n3A, %reduce_max3A [0] : vector<1000x128xf32> to vector<128xf32>
    %broadcast_in_dim3A_26 = vector.shape_cast %reduce_max3A_25 : vector<128xf32> to vector<1x128xf32>
    %eq3A_27 = arith.constant 1 : i32
    %eq3A_28 = vector.broadcast %eq3A_27 : i32 to vector<1000x1xi32>
    %eq3A_29 = arith.cmpi eq, %get3A_20, %eq3A_28 : vector<1000x1xi32>
    %jit3A_30 = arith.constant 0xFF800000 : f32
    %broadcast_in_dim3A_31 = vector.shape_cast %eq3A_29 : vector<1000x1xi1> to vector<1000x1xi1>
    %broadcast_in_dim3A_32 = vector.broadcast %broadcast_in_dim3A_31 : vector<1000x1xi1> to vector<1000x128xi1>
    %broadcast_in_dim3A_33 = vector.broadcast %jit3A_30 : f32 to vector<1000x128xf32>
    %select_n3A_34 = arith.select %broadcast_in_dim3A_32, %add3A_17, %broadcast_in_dim3A_33 : vector<1000x128xi1>, vector<1000x128xf32>
    %reduce_max3A_35 = arith.constant dense<0xFF800000> : vector<128xf32>
    %reduce_max3A_36 = vector.multi_reduction <maximumf>, %select_n3A_34, %reduce_max3A_35 [0] : vector<1000x128xf32> to vector<128xf32>
    %broadcast_in_dim3A_37 = vector.shape_cast %reduce_max3A_36 : vector<128xf32> to vector<1x128xf32>
    %eq3A_38 = arith.constant 2 : i32
    %eq3A_39 = vector.broadcast %eq3A_38 : i32 to vector<1000x1xi32>
    %eq3A_40 = arith.cmpi eq, %get3A_20, %eq3A_39 : vector<1000x1xi32>
    %jit3A_41 = arith.constant 0xFF800000 : f32
    %broadcast_in_dim3A_42 = vector.shape_cast %eq3A_40 : vector<1000x1xi1> to vector<1000x1xi1>
    %broadcast_in_dim3A_43 = vector.broadcast %broadcast_in_dim3A_42 : vector<1000x1xi1> to vector<1000x128xi1>
    %broadcast_in_dim3A_44 = vector.broadcast %jit3A_41 : f32 to vector<1000x128xf32>
    %select_n3A_45 = arith.select %broadcast_in_dim3A_43, %add3A_17, %broadcast_in_dim3A_44 : vector<1000x128xi1>, vector<1000x128xf32>
    %reduce_max3A_46 = arith.constant dense<0xFF800000> : vector<128xf32>
    %reduce_max3A_47 = vector.multi_reduction <maximumf>, %select_n3A_45, %reduce_max3A_46 [0] : vector<1000x128xf32> to vector<128xf32>
    %broadcast_in_dim3A_48 = vector.shape_cast %reduce_max3A_47 : vector<128xf32> to vector<1x128xf32>
    %eq3A_49 = arith.constant 3 : i32
    %eq3A_50 = vector.broadcast %eq3A_49 : i32 to vector<1000x1xi32>
    %eq3A_51 = arith.cmpi eq, %get3A_20, %eq3A_50 : vector<1000x1xi32>
    %jit3A_52 = arith.constant 0xFF800000 : f32
    %broadcast_in_dim3A_53 = vector.shape_cast %eq3A_51 : vector<1000x1xi1> to vector<1000x1xi1>
    %broadcast_in_dim3A_54 = vector.broadcast %broadcast_in_dim3A_53 : vector<1000x1xi1> to vector<1000x128xi1>
    %broadcast_in_dim3A_55 = vector.broadcast %jit3A_52 : f32 to vector<1000x128xf32>
    %select_n3A_56 = arith.select %broadcast_in_dim3A_54, %add3A_17, %broadcast_in_dim3A_55 : vector<1000x128xi1>, vector<1000x128xf32>
    %reduce_max3A_57 = arith.constant dense<0xFF800000> : vector<128xf32>
    %reduce_max3A_58 = vector.multi_reduction <maximumf>, %select_n3A_56, %reduce_max3A_57 [0] : vector<1000x128xf32> to vector<128xf32>
    %broadcast_in_dim3A_59 = vector.shape_cast %reduce_max3A_58 : vector<128xf32> to vector<1x128xf32>
    %eq3A_60 = arith.constant 4 : i32
    %eq3A_61 = vector.broadcast %eq3A_60 : i32 to vector<1000x1xi32>
    %eq3A_62 = arith.cmpi eq, %get3A_20, %eq3A_61 : vector<1000x1xi32>
    %jit3A_63 = arith.constant 0xFF800000 : f32
    %broadcast_in_dim3A_64 = vector.shape_cast %eq3A_62 : vector<1000x1xi1> to vector<1000x1xi1>
    %broadcast_in_dim3A_65 = vector.broadcast %broadcast_in_dim3A_64 : vector<1000x1xi1> to vector<1000x128xi1>
    %broadcast_in_dim3A_66 = vector.broadcast %jit3A_63 : f32 to vector<1000x128xf32>
    %select_n3A_67 = arith.select %broadcast_in_dim3A_65, %add3A_17, %broadcast_in_dim3A_66 : vector<1000x128xi1>, vector<1000x128xf32>
    %reduce_max3A_68 = arith.constant dense<0xFF800000> : vector<128xf32>
    %reduce_max3A_69 = vector.multi_reduction <maximumf>, %select_n3A_67, %reduce_max3A_68 [0] : vector<1000x128xf32> to vector<128xf32>
    %broadcast_in_dim3A_70 = vector.shape_cast %reduce_max3A_69 : vector<128xf32> to vector<1x128xf32>
    %eq3A_71 = arith.constant 5 : i32
    %eq3A_72 = vector.broadcast %eq3A_71 : i32 to vector<1000x1xi32>
    %eq3A_73 = arith.cmpi eq, %get3A_20, %eq3A_72 : vector<1000x1xi32>
    %jit3A_74 = arith.constant 0xFF800000 : f32
    %broadcast_in_dim3A_75 = vector.shape_cast %eq3A_73 : vector<1000x1xi1> to vector<1000x1xi1>
    %broadcast_in_dim3A_76 = vector.broadcast %broadcast_in_dim3A_75 : vector<1000x1xi1> to vector<1000x128xi1>
    %broadcast_in_dim3A_77 = vector.broadcast %jit3A_74 : f32 to vector<1000x128xf32>
    %select_n3A_78 = arith.select %broadcast_in_dim3A_76, %add3A_17, %broadcast_in_dim3A_77 : vector<1000x128xi1>, vector<1000x128xf32>
    %reduce_max3A_79 = arith.constant dense<0xFF800000> : vector<128xf32>
    %reduce_max3A_80 = vector.multi_reduction <maximumf>, %select_n3A_78, %reduce_max3A_79 [0] : vector<1000x128xf32> to vector<128xf32>
    %broadcast_in_dim3A_81 = vector.shape_cast %reduce_max3A_80 : vector<128xf32> to vector<1x128xf32>
    %eq3A_82 = arith.constant 6 : i32
    %eq3A_83 = vector.broadcast %eq3A_82 : i32 to vector<1000x1xi32>
    %eq3A_84 = arith.cmpi eq, %get3A_20, %eq3A_83 : vector<1000x1xi32>
    %jit3A_85 = arith.constant 0xFF800000 : f32
    %broadcast_in_dim3A_86 = vector.shape_cast %eq3A_84 : vector<1000x1xi1> to vector<1000x1xi1>
    %broadcast_in_dim3A_87 = vector.broadcast %broadcast_in_dim3A_86 : vector<1000x1xi1> to vector<1000x128xi1>
    %broadcast_in_dim3A_88 = vector.broadcast %jit3A_85 : f32 to vector<1000x128xf32>
    %select_n3A_89 = arith.select %broadcast_in_dim3A_87, %add3A_17, %broadcast_in_dim3A_88 : vector<1000x128xi1>, vector<1000x128xf32>
    %reduce_max3A_90 = arith.constant dense<0xFF800000> : vector<128xf32>
    %reduce_max3A_91 = vector.multi_reduction <maximumf>, %select_n3A_89, %reduce_max3A_90 [0] : vector<1000x128xf32> to vector<128xf32>
    %broadcast_in_dim3A_92 = vector.shape_cast %reduce_max3A_91 : vector<128xf32> to vector<1x128xf32>
    %eq3A_93 = arith.constant 7 : i32
    %eq3A_94 = vector.broadcast %eq3A_93 : i32 to vector<1000x1xi32>
    %eq3A_95 = arith.cmpi eq, %get3A_20, %eq3A_94 : vector<1000x1xi32>
    %jit3A_96 = arith.constant 0xFF800000 : f32
    %broadcast_in_dim3A_97 = vector.shape_cast %eq3A_95 : vector<1000x1xi1> to vector<1000x1xi1>
    %broadcast_in_dim3A_98 = vector.broadcast %broadcast_in_dim3A_97 : vector<1000x1xi1> to vector<1000x128xi1>
    %broadcast_in_dim3A_99 = vector.broadcast %jit3A_96 : f32 to vector<1000x128xf32>
    %select_n3A_100 = arith.select %broadcast_in_dim3A_98, %add3A_17, %broadcast_in_dim3A_99 : vector<1000x128xi1>, vector<1000x128xf32>
    %reduce_max3A_101 = arith.constant dense<0xFF800000> : vector<128xf32>
    %reduce_max3A_102 = vector.multi_reduction <maximumf>, %select_n3A_100, %reduce_max3A_101 [0] : vector<1000x128xf32> to vector<128xf32>
    %broadcast_in_dim3A_103 = vector.shape_cast %reduce_max3A_102 : vector<128xf32> to vector<1x128xf32>
    %concatenate3A = tpu.concatenate %broadcast_in_dim3A_26, %broadcast_in_dim3A_37, %broadcast_in_dim3A_48, %broadcast_in_dim3A_59, %broadcast_in_dim3A_70, %broadcast_in_dim3A_81, %broadcast_in_dim3A_92, %broadcast_in_dim3A_103 in 0 : vector<1x128xf32>, vector<1x128xf32>, vector<1x128xf32>, vector<1x128xf32>, vector<1x128xf32>, vector<1x128xf32>, vector<1x128xf32>, vector<1x128xf32> -> vector<8x128xf32>
    %eq3A_104 = arith.constant 0 : i32
    %eq3A_105 = arith.cmpi eq, %arg0, %eq3A_104 : i32
    %convert_element_type3A = arith.extui %eq3A_105 : i1 to i32
    %cond3A = arith.constant 0xFF800000 : f32
    %cond3A_106 = arith.constant 0 : i32
    %cond3A_107 = arith.cmpi ne, %convert_element_type3A, %cond3A_106 : i32
    scf.if %cond3A_107 {
      %broadcast_in_dim3A_113 = vector.broadcast %cond3A : f32 to vector<8x128xf32>
      %swap3A_114 = arith.constant 0 : index
      %swap3A_115 = arith.constant 0 : index
      %swap3A_116 = vector.load %arg7[%swap3A_114, %swap3A_115] : memref<8x128xf32, #tpu.memory_space<vmem>>, vector<8x128xf32>
      tpu.vector_store %arg7[%swap3A_114, %swap3A_115], %broadcast_in_dim3A_113 {strides = array<i32>} : memref<8x128xf32, #tpu.memory_space<vmem>>, vector<8x128xf32>,
    } else {
    }
    %get3A_108 = arith.constant 0 : index
    %get3A_109 = arith.constant 0 : index
    %get3A_110 = vector.load %arg7[%get3A_108, %get3A_109] : memref<8x128xf32, #tpu.memory_space<vmem>>, vector<8x128xf32>
    %max3A = arith.maximumf %get3A_110, %concatenate3A : vector<8x128xf32>
    %swap3A = arith.constant 0 : index
    %swap3A_111 = arith.constant 0 : index
    %swap3A_112 = vector.load %arg7[%swap3A, %swap3A_111] : memref<8x128xf32, #tpu.memory_space<vmem>>, vector<8x128xf32>
    tpu.vector_store %arg7[%swap3A, %swap3A_111], %max3A {strides = array<i32>} : memref<8x128xf32, #tpu.memory_space<vmem>>, vector<8x128xf32>,
    return
  }
  func.func @transform_0(%arg0: i32) -> (i32, i32) {
    %c0_i32 = arith.constant 0 : i32
    %c0_i32_0 = arith.constant 0 : i32
    return %arg0, %c0_i32 : i32, i32
  }
  func.func @transform_1(%arg0: i32) -> (i32, i32) {
    %c0_i32 = arith.constant 0 : i32
    %c0_i32_0 = arith.constant 0 : i32
    return %arg0, %c0_i32 : i32, i32
  }
  func.func @transform_2(%arg0: i32) -> (i32, i32) {
    %c0_i32 = arith.constant 0 : i32
    %c0_i32_0 = arith.constant 0 : i32
    return %arg0, %c0_i32 : i32, i32
  }
  func.func @transform_3(%arg0: i32) -> (i32, i32) {
    %c0_i32 = arith.constant 0 : i32
    %c0_i32_0 = arith.constant 0 : i32
    %c0_i32_1 = arith.constant 0 : i32
    return %c0_i32, %c0_i32_0 : i32, i32
  }
  func.func @transform_4(%arg0: i32) -> (i32, i32) {
    %c0_i32 = arith.constant 0 : i32
    %c0_i32_0 = arith.constant 0 : i32
    %c0_i32_1 = arith.constant 0 : i32
    return %c0_i32, %c0_i32_0 : i32, i32
  }
  func.func @transform_5(%arg0: i32) -> (i32, i32) {
    %c0_i32 = arith.constant 0 : i32
    %c0_i32_0 = arith.constant 0 : i32
    return %arg0, %c0_i32 : i32, i32
  }
  func.func @transform_6(%arg0: i32) -> (i32, i32) {
    %c0_i32 = arith.constant 0 : i32
    %c0_i32_0 = arith.constant 0 : i32
    %c0_i32_1 = arith.constant 0 : i32
    return %c0_i32, %c0_i32_0 : i32, i32
  }
}

</mosaic_0001>

<sc_bundles>
// kernel: kernel.10.cloned.1.call-start
scs
__scs_entry_jumppad:
0x0: {  	(pc) =	sbr.rel $0x88, $3  }
0x1: {  	(tag) =	ssettag $0x0;
	lr =	simm.s32 $0x1  }
0x2: {  	[smem:$0x3F98] =	sst lr;
	_ =	strace $0xD0000000  }
0x3: {  	_ = 	snop  }
0x4: {  	_ = 	snop  }
0x5: {  	_ = 	snop  }
0x6: {  	_ = 	snop  }
0x7: {  	_ = 	snop  }
__scs_overlays_trampoline_lowered:
0x8: {  	[smem:$0x3FA7] =	sst s0  }
0x9: {  	[smem:$0x3FA8] =	sst s1  }
0xa: {  	[smem:$0x3FA9] =	sst s2  }
0xb: {  	[smem:$0x3FAA] =	sst s3  }
0xc: {  	[smem:$0x3FAB] =	sst s4  }
0xd: {  	[smem:$0x3FAC] =	sst s5  }
0xe: {  	[smem:$0x3FAD] =	sst s6  }
0xf: {  	[smem:$0x3FAE] =	sst s7  }
0x10: {  	[smem:$0x3FAF] =	sst s8  }
0x11: {  	[smem:$0x3FB0] =	sst s9;
	s0 =	simm.s32 @!p0 $0x0  }
0x12: {  	s1 =	sld [smem:$0x3F96];
	s0 =	simm.s32 @p0 $0x1  }
0x13: {  	[smem:$0x3FB1] =	sst s0;
	s0 =	simm.s32 @!p1 $0x0  }
0x14: {  	s2 =	sld [smem:$0x3F95];
	s0 =	simm.s32 @p1 $0x1  }
0x15: {  	[smem:$0x3FB2] =	sst s0;
	s0 =	simm.s32 @!p2 $0x0  }
0x16: {  	s3 =	sld [smem:$0x3FDB];
	s0 =	simm.s32 @p2 $0x1  }
0x17: {  	s4 =	simm.s32 $0x1BF5;
	[smem:$0x3FB4] =	sst s0  }
0x18: {  	s0 =	sld [smem:$0x3F97];
	_ =	swait.ge [sflag:s4], $0x0  }
0x19: {  	s7 =	sld [smem:$0x3F98]  }
0x1a: {  	s8 =	sadd.s32 $0xFFFFE003, lr  }
0x1b: {  	s9 =	sadd.s32 $0xFFFFFEF7, lr;
	s5 =	simm.s32 $0xFFFFFFFF;
	p2 =	slt.u32 s8, $0xFFFFF086  }
0x1c: {  	p1 =	slt.u32 s9, $0xF7A;
	s5 =	simm.s32 @!p2 $0x0  }
0x1d: {  	s5 =	simm.s32 @p1 $0x1;
	p0 =	seq.s32 s7, s2  }
0x1e: {  	s7 =	smul.u32 @!p0 $0xF7A, s2;
	p2 =	seq.s32 @!p0 s5, $0x0  }
0x1f: {  	s9 =	smul.u32 $0xF7A, s1;
	s8 =	simm.s32 @!p0 $0x1BF5;
	p2 =	por !p2, p0  }
0x20: {  	[sflag:s8] =	ssyncset.s32 @!p0 $0xFFFFF086;
	s6 =	sadd.s32 @!p0 s3, s7;
	s7 =	simm.s32 @!p0 $0x108  }
0x21: {  	s3 =	sadd.s32 s3, s9;
	s6 =	sadd.s32 @!p0 $0x88, s6;
	s7 =	simm.s32 @p2 $0x1082  }
0x22: {  	[simem:s7], [sflag:s8] =	dma.local @!p0 [hbm:s6], $0xF7A  }
0x23: {  	s9 =	sor.u32 $0xD0000000, s2;
	s6 =	simm.s32 $0x108;
	_ =	swait.ge @!p0 [sflag:s8], $0x0  }
0x24: {  	s3 =	sadd.s32 $0x88, s3;
	s6 =	simm.s32 @!p1 $0x1082;
	[sflag:s4] =	ssyncset.s32 $0xFFFFF086  }
0x25: {  	[simem:s6], [sflag:s4] =	dma.local [hbm:s3], $0xF7A  }
0x26: {  	[smem:$0x3F98] =	sst s1;
	(tag) =	ssettag s2;
	_ =	strace s9  }
0x27: {  	s1 =	sld [smem:$0x3FA8]  }
0x28: {  	s2 =	sld [smem:$0x3FA9]  }
0x29: {  	s4 =	sld [smem:$0x3FAB]  }
0x2a: {  	p0 =	seq.s32 s5, $0x0;
	s5 =	sld [smem:$0x3FAC]  }
0x2b: {  	s6 =	sld [smem:$0x3FAD]  }
0x2c: {  	s7 =	sld [smem:$0x3FAE]  }
0x2d: {  	s3 =	simm.s32 $0x108;
	s8 =	sld [smem:$0x3FAF]  }
0x2e: {  	s3 =	simm.s32 @!p0 $0x1082;
	s9 =	sld [smem:$0x3FB0]  }
0x2f: {  	lr =	sadd.s32 s0, s3;
	s0 =	sld [smem:$0x3FA7]  }
0x30: {  	s3 =	sld [smem:$0x3FAA]  }
0x31: {  	[smem:$0x3FB3] =	sst s10  }
0x32: {  	s10 =	sld [smem:$0x3FB1];
	_ =	sdelay $0x3  }
0x33: {  	p0 =	seq.s32 s10, $0x1;
	s10 =	sld [smem:$0x3FB3];
	_ =	sdelay $0x3  }
0x34: {  	[smem:$0x3FB3] =	sst s10  }
0x35: {  	s10 =	sld [smem:$0x3FB2];
	_ =	sdelay $0x3  }
0x36: {  	p1 =	seq.s32 s10, $0x1;
	s10 =	sld [smem:$0x3FB3];
	_ =	sdelay $0x3  }
0x37: {  	[smem:$0x3FB3] =	sst s10  }
0x38: {  	s10 =	sld [smem:$0x3FB4]  }
0x39: {  	_ = 	snop;
	(pc) =	sbr.ind lr, $3  }
0x3a: {  	_ = 	snop  }
0x3b: {  	_ = 	snop  }
0x3c: {  	p2 =	seq.s32 s10, $0x1;
	s10 =	sld [smem:$0x3FB3]  }
0x3d: {  	_ =	shalt  }
0x3e: {  	_ =	shalt  }
0x3f: {  	_ =	shalt  }
0x40: {  	_ =	shalt  }
0x41: {  	_ =	shalt  }
0x42: {  	_ =	shalt  }
0x43: {  	_ =	shalt  }
0x44: {  	_ =	shalt  }
0x45: {  	_ =	shalt  }
0x46: {  	_ =	shalt  }
0x47: {  	_ =	shalt  }
0x48: {  	_ =	shalt  }
0x49: {  	_ =	shalt  }
0x4a: {  	_ =	shalt  }
0x4b: {  	_ =	shalt  }
0x4c: {  	_ =	shalt  }
0x4d: {  	_ =	shalt  }
0x4e: {  	_ =	shalt  }
0x4f: {  	_ =	shalt  }
0x50: {  	_ =	shalt  }
0x51: {  	_ =	shalt  }
0x52: {  	_ =	shalt  }
0x53: {  	_ =	shalt  }
0x54: {  	_ =	shalt  }
0x55: {  	_ =	shalt  }
0x56: {  	_ =	shalt  }
0x57: {  	_ =	shalt  }
0x58: {  	_ =	shalt  }
0x59: {  	_ =	shalt  }
0x5a: {  	_ =	shalt  }
0x5b: {  	_ =	shalt  }
0x5c: {  	_ =	shalt  }
0x5d: {  	_ =	shalt  }
0x5e: {  	_ =	shalt  }
0x5f: {  	_ =	shalt  }
0x60: {  	_ =	shalt  }
0x61: {  	_ =	shalt  }
0x62: {  	_ =	shalt  }
0x63: {  	_ =	shalt  }
0x64: {  	_ =	shalt  }
0x65: {  	_ =	shalt  }
0x66: {  	_ =	shalt  }
0x67: {  	_ =	shalt  }
0x68: {  	_ =	shalt  }
0x69: {  	_ =	shalt  }
0x6a: {  	_ =	shalt  }
0x6b: {  	_ =	shalt  }
0x6c: {  	_ =	shalt  }
0x6d: {  	_ =	shalt  }
0x6e: {  	_ =	shalt  }
0x6f: {  	_ =	shalt  }
0x70: {  	_ =	shalt  }
0x71: {  	_ =	shalt  }
0x72: {  	_ =	shalt  }
0x73: {  	_ =	shalt  }
0x74: {  	_ =	shalt  }
0x75: {  	_ =	shalt  }
0x76: {  	_ =	shalt  }
0x77: {  	_ =	shalt  }
0x78: {  	_ =	shalt  }
0x79: {  	_ =	shalt  }
0x7a: {  	_ =	shalt  }
0x7b: {  	_ =	shalt  }
0x7c: {  	_ =	shalt  }
0x7d: {  	_ =	shalt  }
0x7e: {  	_ =	shalt  }
0x7f: {  	_ =	shalt  }
0x80: {  	_ =	shalt  }
0x81: {  	_ =	shalt  }
0x82: {  	_ =	shalt  }
0x83: {  	_ =	shalt  }
0x84: {  	_ =	shalt  }
0x85: {  	_ =	shalt  }
0x86: {  	_ =	shalt  }
0x87: {  	_ =	shalt  }
.Lfunc_end0:
.L_simem_size_0:
called_computation.1_lowered:
.L_overlay_start_0:
0x88: {  	s2 =	sld [smem:$0x3FD9]  }
0x89: {  	s3 =	sld [smem:$0x3FFE];
	_ =	sdelay $0x1  }
0x8a: {  	s1 =	srdreg.scid  }
0x8b: {  	s0 =	sand.u32 $0x1, s1  }
0x8c: {  	s16 =	sshll.u32 s0, $0xA;
	s2 =	sadd.s32 s3, s2  }
0x8d: {  	s2 =	sadd.s32 s2, s16  }
0x8e: {  	[smem:$0x3FBF] =	sst s2  }
0x8f: {  	_ = 	snop  }
0x90: {  	(tm) =	ssettm $0x1  }
0x91: {  	s17 =	sld [smem:$0x3FFB];
	_ =	sdelay $0x3  }
0x92: {  	_ =	strace s17  }
0x93: {  	s2 =	sld [smem:$0x3FFC];
	_ =	sdelay $0x3  }
0x94: {  	_ =	strace s2  }
0x95: {  	s2 =	sld [smem:$0x3FFD];
	_ =	sdelay $0x3  }
0x96: {  	_ =	strace s2  }
0x97: {  	_ =	strace $0x8FFFFFFF  }
0x98: {  	s18 =	sld [smem:$0x3FDB];
	_ =	sdelay $0x1  }
0x99: {  	s19 =	simm.s32 $_scs_section_size  }
0x9a: {  	s4 =	simm.s32 $_size__tile_overlayer_lowered;
	s5 =	simm.s32 $_tile_overlayer_lowered  }
0x9b: {  	s22 =	simm.s32 $0x1BFF;
	s21 =	sshll.u32 s5, $0x1;
	s2 =	sadd.s32 s19, s18  }
0x9c: {  	s6 =	simm.s32 $0x0;
	s20 =	sshll.u32 s4, $0x1;
	s4 =	sadd.s32 s21, s2  }
0x9d: {  	[timem:s6], [sflag:s22] =	dma.local [hbm:s4], s20  }
0x9e: {  	_ =	swait.ge [sflag:s22], s20  }
0x9f: {  	s3 =	ssub.s32 $0x0, s20;
	[sflag:s22] =	ssyncset.done $0x0  }
0xa0: {  	[sflag:s22] =	ssyncadd.s32 s3;
	_ =	sdelay $0x1  }
0xa1: {  	s23 =	simm.s32 $0x1B8B  }
0xa2: {  	_ =	swait.ge [sflag:s23], $0x1  }
0xa3: {  	[sflag:s23] =	ssyncset.done $0x0  }
0xa4: {  	s25 =	simm.s32 $0x1B8E;
	s24 =	sld [smem:$0x3FFE];
	[sflag:s23] =	ssyncadd.s32 $0xFFFFFFFF  }
0xa5: {  	s26 =	simm.s32 $execute0_lowered;
	[smem:$0x3FD2] =	sst s25  }
0xa6: {  	s4 =	sshll.u32 s26, $0x1;
	_ =	strace $0x80000049;
	[dreg:$0x1] =	wrdreg $0xFFFFFFFF  }
0xa7: {  	s28 =	simm.s32 $_size_execute0_lowered;
	s2 =	sadd.s32 s2, s4;
	[dreg:$0x0] =	wrdreg $0x0  }
0xa8: {  	s4 =	sshll.u32 s28, $0x1;
	[dreg:$0x2] =	wrdreg s2  }
0xa9: {  	[dreg:$0x3] =	wrdreg s4  }
0xaa: {  	[dreg:$0x4] =	wrdreg $0xC0  }
0xab: {  	_ =	task [dreg:s6], $0x5FFFF  }
0xac: {  	[dreg:$0x1] =	wrdreg $0xFFFFFFFF  }
0xad: {  	[dreg:$0x0] =	wrdreg $0x60  }
0xae: {  	[dreg:$0x2] =	wrdreg s24  }
0xaf: {  	[dreg:$0x3] =	wrdreg $0x88000  }
0xb0: {  	[dreg:$0x4] =	wrdreg $0x9  }
0xb1: {  	_ =	task.clear_ibuf [dreg:s6], $0x5FFFF;
	_ =	strace $0x90000049  }
0xb2: {  	s29 =	simm.s32 $0x9;
	_ =	strace $0x8000004B  }
0xb3: {  	_ =	swait.ge [sflag:s29], $0x1  }
0xb4: {  	[sflag:s29] =	ssyncadd.s32 $0xFFFFFFFF  }
0xb5: {  	_ =	strace $0x9000004B  }
0xb6: {  	_ =	sfence  }
0xb7: {  	s30 =	sld [smem:$0x0];
	_ =	sdelay $0x2  }
0xb8: {  	s31 =	sshll.u32 s1, $0xD;
	s1 =	sshrl.u32 s1, $0x2  }
0xb9: {  	s3 =	sand.u32 $0x4000, s31;
	s1 =	sadd.s32 s1, s30  }
0xba: {  	s0 =	sor.u32 s3, s0;
	s1 =	sshll.u32 s1, $0x11  }
0xbb: {  	s0 =	sor.u32 s1, s0  }
0xbc: {  	s0 =	sadd.s32 $0x8F2B, s0  }
0xbd: {  	[sflag:s0] =	ssyncadd.remote.s32 $0x1  }
0xbe: {  	_ =	sfence.sel $0xFFFF  }
0xbf: {  	[dreg:$0x0] =	wrdreg $0xFFFFFFFF;
	(pc) =	sbr.abs _section_cstart, $3  }
0xc0: {  	[dreg:$0x1] =	wrdreg $0xFFFFFFFF  }
0xc1: {  	_ =	task.clear_ibuf [dreg:s6], $0x2FFFF;
	_ =	strace $0x9FFFFFFF  }
0xc2: {  	(tm) =	ssettm $0x7FFFFFFF  }
0xc3: {  	_ =	shalt  }
tec
execute0_lowered:
.L_overlay_start_1:
0x0: {  	(tag) =	ssettag $0x1  }
0x1: {  	s0 =	rddreg [dreg:$0x0]  }
0x2: {  	s2 =	rddreg [dreg:$0x1]  }
0x3: {  	s3 =	simm.s32 $0x0;
	s11 =	stileid.u32;
	s5 =	srdreg.scid  }
0x4: {  	s15 =	simm.s32 $0x800;
	s16 =	simm.s32 $0x3;
	s17 =	simm.s32 $0x400  }
0x5: {  	s28 =	simm.s32 $0x180;
	s29 =	simm.s32 $0x500;
	s1 =	smul.u32 $0xA00, s11  }
0x6: {  	s30 =	simm.s32 $0x200;
	s31 =	simm.s32 $0x580;
	s6 =	smul.u32 $0x4E200, s11  }
0x7: {  	[smem:$0x7FF] =	sst s3;
	s4 =	sadd.s32 $0x15A00, s0;
	s10 =	smul.u32 $0x13C00, s11  }
0x8: {  	s7 =	sand.u32 $0x1, s5;
	s24 =	smul.u32 $0x4F000, s11;
	p0 =	seq.s32 s11, $0xF  }
0x9: {  	s12 =	simm.s32 $0x0;
	_ =	strace $0x8000004A;
	s19 =	smul.u32 $0x138800, s7  }
0xa: {  	s8 =	ssub.s32 $0x2, s7;
	s7 =	smul.u32 $0x500, s7;
	s1 =	sadd.s32 s1, s0  }
0xb: {  	s0 =	sadd.s32 $0x3CC00, s0;
	s18 =	sshrl.u32 s6, $0x2;
	s9 =	sshrl.u32 s8, $0x1  }
0xc: {  	s5 =	sadd.s32 s18, s2;
	s8 =	ssub.s32 s8, s9;
	s23 =	sadd.s32 s10, s19  }
0xd: {  	s6 =	sshrl.u32 s19, $0x3;
	s10 =	sshrl.u32 s24, $0x2;
	s1 =	sadd.s32 s7, s1  }
0xe: {  	s18 =	simm.s32 $0x7D;
	s19 =	simm.s32 $0x1;
	s7 =	simm.s32 $0x680  }
0xf: {  	s20 =	sadd.s32 $0x3E80, s5;
	s21 =	sadd.s32 $0x7D00, s5;
	s22 =	sadd.s32 $0xBB80, s5  }
0x10: {  	[dreg:$0x3] =	wrdreg s5;
	s5 =	sadd.s32 $0xFA00, s5;
	s9 =	sshrl.u32 s23, $0x3  }
0x11: {  	s6 =	sadd.s32 s0, s6;
	s26 =	smax.u32 s8, $0x1;
	[dreg:$0x4] =	wrdreg s20  }
0x12: {  	s13 =	sadd.s32 $0xBA00, s1;
	s14 =	sadd.s32 $0x1A00, s1;
	[dreg:$0x5] =	wrdreg s21  }
0x13: {  	s23 =	simm.s32 $0x100;
	s8 =	simm.s32 $0x380;
	[dreg:$0x6] =	wrdreg s22  }
0x14: {  	[dreg:$0x7] =	wrdreg s5;
	s0 =	sadd.s32 s0, s9;
	s25 =	sadd.s32 $0x25080, s6  }
0x15: {  	s6 =	sadd.s32 $0x128400, s2;
	[dreg:$0xa] =	wrdreg s26;
	s20 =	simm.s32 $0x80  }
0x16: {  	s21 =	simm.s32 $0x4800;
	s22 =	simm.s32 $0x2;
	s26 =	simm.s32 $0x480  }
0x17: {  	s9 =	simm.s32 $0x700;
	[dreg:$0x8] =	wrdreg s0;
	s0 =	sadd.s32 s10, s2  }
0x18: {  	[dreg:$0x9] =	wrdreg s25;
	s1 =	sshrl.u32 @p0 s6, $0x3;
	s6 =	simm.s32 $0x300  }
0x19: {  	s10 =	simm.s32 $0x780;
	[dreg:$0xb] =	wrdreg s1;
	s0 =	sshrl.u32 @!p0 s0, $0x3  }
0x1a: {  	v0 =	vimm.f32 $0.0e+00;
	s1 =	simm.s32 $0x600;
	[dreg:$0xc] =	wrdreg s0;
	s0 =	simm.s32 $0x280  }
.LBB2_1:
0x1b: {  	s25 =	sand.u32 $0xFE00, s3  }
0x1c: {  	[dreg:$0xd] =	wrdreg s12;
	s24 =	sand.u32 $0x70, s3;
	s25 =	sshrl.u32 s25, $0x2  }
0x1d: {  	s12 =	simm.s32 $0x40;
	s25 =	sor.u32 s24, s25;
	s24 =	simm.s32 $0x0  }
.LBB2_2:
0x1e: {  	p1 =	sne.s32 s12, $0xF9C0  }
0x1f: {  	[tilespmem:s25+$0x800] =	vst v0;
	s24 =	sadd.s32 $0x10, s24;
	s25 =	smov.u32 s12;
	s12 =	sadd.s32 $0x40, s12  }
.Ltmp0:
0x20: {  	(pc) =	sbr.rel @p1 .LBB2_2-.Ltmp0, $4  }
0x21: {  	_ = 	snop  }
0x22: {  	s25 =	sand.u32 $0xFE00, s25  }
0x23: {  	s5 =	sand.u32 $0x70, s24;
	s25 =	sshrl.u32 s25, $0x2  }
0x24: {  	s25 =	sor.u32 s5, s25  }
0x25: {  	[tilespmem:s25+$0x800] =	vst v0;
	s5 =	rddreg [dreg:$0x3]  }
0x26: {  	[spmem:s5] =	stream.linear.scatter [tilespmem:s15], [sflag:$0x3], $0x3E80, $0x38;
	[tilespmem:$0x1C080] =	vst v63  }
0x27: {  	_ =	swait.ge [sflag:s16], $0x3E80  }
0x28: {  	[sflag:s16] =	ssyncset.done $0x0  }
0x29: {  	s24 =	rddreg [dreg:$0x4];
	[sflag:s16] =	ssyncadd.s32 $0xFFFFC180  }
0x2a: {  	[spmem:s24] =	stream.linear.scatter [tilespmem:s15], [sflag:$0x3], $0x3E80, $0x38;
	[tilespmem:$0x1C080] =	vst v63  }
0x2b: {  	_ =	swait.ge [sflag:s16], $0x3E80  }
0x2c: {  	[sflag:s16] =	ssyncset.done $0x0  }
0x2d: {  	s25 =	rddreg [dreg:$0x5];
	[sflag:s16] =	ssyncadd.s32 $0xFFFFC180  }
0x2e: {  	[spmem:s25] =	stream.linear.scatter [tilespmem:s15], [sflag:$0x3], $0x3E80, $0x38;
	[tilespmem:$0x1C080] =	vst v63  }
0x2f: {  	_ =	swait.ge [sflag:s16], $0x3E80  }
0x30: {  	[sflag:s16] =	ssyncset.done $0x0  }
0x31: {  	s11 =	rddreg [dreg:$0x6];
	[sflag:s16] =	ssyncadd.s32 $0xFFFFC180  }
0x32: {  	[spmem:s11] =	stream.linear.scatter [tilespmem:s15], [sflag:$0x3], $0x3E80, $0x38;
	[tilespmem:$0x1C080] =	vst v63  }
0x33: {  	_ =	swait.ge [sflag:s16], $0x3E80  }
0x34: {  	[sflag:s16] =	ssyncset.done $0x0  }
0x35: {  	s12 =	rddreg [dreg:$0x7];
	[sflag:s16] =	ssyncadd.s32 $0xFFFFC180  }
0x36: {  	[spmem:s12] =	stream.linear.scatter [tilespmem:s15], [sflag:$0x3], $0x3E80, $0x38;
	[tilespmem:$0x1C080] =	vst v63  }
0x37: {  	_ =	swait.ge [sflag:s16], $0x3E80  }
0x38: {  	[sflag:s16] =	ssyncset.done $0x0  }
0x39: {  	[sflag:s16] =	ssyncadd.s32 $0xFFFFC180  }
0x3a: {  	s24 =	sadd.s32 $0x0, s14;
	[bflag:$0x0] =	sbarrier.arrive $0xFFFF  }
0x3b: {  	[tilespmem:s3], [sflag:$0x3] =	stream.linear.gather [hbm4b:s24+s3], $0x400, $0x38;
	[tilespmem:$0x1C080] =	vst v63  }
0x3c: {  	_ =	swait.ge [sflag:s16], $0x400  }
0x3d: {  	[sflag:s16] =	ssyncset.done $0x0  }
0x3e: {  	s25 =	sadd.s32 $0x0, s13;
	[sflag:s16] =	ssyncadd.s32 $0xFFFFFC00  }
0x3f: {  	[tilespmem:s17], [sflag:$0x3] =	stream.linear.gather [hbm4b:s25+s3], $0x400, $0x38;
	[tilespmem:$0x1C080] =	vst v63  }
0x40: {  	_ =	swait.ge [sflag:s16], $0x400  }
0x41: {  	[sflag:s16] =	ssyncset.done $0x0  }
0x42: {  	[sflag:s16] =	ssyncadd.s32 $0xFFFFFC00  }
0x43: {  	[tilespmem:s15], [sflag:$0x1] =	stream.indirect.gather [hbm4b:s4+s18], $0x80, s3, s18, $0xb8;
	[tilespmem:$0x1C080] =	vst v63  }
0x44: {  	_ =	swait.ge [sflag:s19], $0x3E80  }
0x45: {  	[sflag:s19] =	ssyncset.done $0x0  }
0x46: {  	[sflag:s19] =	ssyncadd.s32 $0xFFFFC180  }
0x47: {  	[tilespmem:s21], [sflag:$0x2] =	stream.indirect.gather [hbm4b:s4+s18], $0x80, s20, s18, $0xb8;
	[tilespmem:$0x1C080] =	vst v63  }
0x48: {  	_ = 	snop  }
0x49: {  	[spmem:s2] =	stream.indirect.scatter.add.f32 [tilespmem:s15], [sflag:$0x3], $0x80, s17, s18, $0xb8;
	[tilespmem:$0x1C080] =	vst v63  }
0x4a: {  	_ =	swait.ge [sflag:s16], $0x3E80  }
0x4b: {  	[sflag:s16] =	ssyncset.done $0x0  }
0x4c: {  	[sflag:s16] =	ssyncadd.s32 $0xFFFFC180  }
0x4d: {  	_ =	swait.ge [sflag:s22], $0x3E80  }
0x4e: {  	[sflag:s22] =	ssyncset.done $0x0  }
0x4f: {  	[sflag:s22] =	ssyncadd.s32 $0xFFFFC180  }
0x50: {  	[tilespmem:s15], [sflag:$0x1] =	stream.indirect.gather [hbm4b:s4+s18], $0x80, s23, s18, $0xb8;
	[tilespmem:$0x1C080] =	vst v63  }
0x51: {  	_ = 	snop  }
0x52: {  	[spmem:s2] =	stream.indirect.scatter.add.f32 [tilespmem:s21], [sflag:$0x3], $0x80, s26, s18, $0xb8;
	[tilespmem:$0x1C080] =	vst v63  }
0x53: {  	_ =	swait.ge [sflag:s16], $0x3E80  }
0x54: {  	[sflag:s16] =	ssyncset.done $0x0  }
0x55: {  	[sflag:s16] =	ssyncadd.s32 $0xFFFFC180  }
0x56: {  	_ =	swait.ge [sflag:s19], $0x3E80  }
0x57: {  	[sflag:s19] =	ssyncset.done $0x0  }
0x58: {  	[sflag:s19] =	ssyncadd.s32 $0xFFFFC180  }
0x59: {  	[tilespmem:s21], [sflag:$0x2] =	stream.indirect.gather [hbm4b:s4+s18], $0x80, s28, s18, $0xb8;
	[tilespmem:$0x1C080] =	vst v63  }
0x5a: {  	_ = 	snop  }
0x5b: {  	[spmem:s2] =	stream.indirect.scatter.add.f32 [tilespmem:s15], [sflag:$0x3], $0x80, s29, s18, $0xb8;
	[tilespmem:$0x1C080] =	vst v63  }
0x5c: {  	_ =	swait.ge [sflag:s16], $0x3E80  }
0x5d: {  	[sflag:s16] =	ssyncset.done $0x0  }
0x5e: {  	[sflag:s16] =	ssyncadd.s32 $0xFFFFC180  }
0x5f: {  	_ =	swait.ge [sflag:s22], $0x3E80  }
0x60: {  	[sflag:s22] =	ssyncset.done $0x0  }
0x61: {  	[sflag:s22] =	ssyncadd.s32 $0xFFFFC180  }
0x62: {  	[tilespmem:s15], [sflag:$0x1] =	stream.indirect.gather [hbm4b:s4+s18], $0x80, s30, s18, $0xb8;
	[tilespmem:$0x1C080] =	vst v63  }
0x63: {  	_ = 	snop  }
0x64: {  	[spmem:s2] =	stream.indirect.scatter.add.f32 [tilespmem:s21], [sflag:$0x3], $0x80, s31, s18, $0xb8;
	[tilespmem:$0x1C080] =	vst v63  }
0x65: {  	_ =	swait.ge [sflag:s16], $0x3E80  }
0x66: {  	[sflag:s16] =	ssyncset.done $0x0  }
0x67: {  	[sflag:s16] =	ssyncadd.s32 $0xFFFFC180  }
0x68: {  	_ =	swait.ge [sflag:s19], $0x3E80  }
0x69: {  	[sflag:s19] =	ssyncset.done $0x0  }
0x6a: {  	[sflag:s19] =	ssyncadd.s32 $0xFFFFC180  }
0x6b: {  	[tilespmem:s21], [sflag:$0x2] =	stream.indirect.gather [hbm4b:s4+s18], $0x80, s0, s18, $0xb8;
	[tilespmem:$0x1C080] =	vst v63  }
0x6c: {  	_ = 	snop  }
0x6d: {  	[spmem:s2] =	stream.indirect.scatter.add.f32 [tilespmem:s15], [sflag:$0x3], $0x80, s1, s18, $0xb8;
	[tilespmem:$0x1C080] =	vst v63  }
0x6e: {  	_ =	swait.ge [sflag:s16], $0x3E80  }
0x6f: {  	[sflag:s16] =	ssyncset.done $0x0  }
0x70: {  	[sflag:s16] =	ssyncadd.s32 $0xFFFFC180  }
0x71: {  	_ =	swait.ge [sflag:s22], $0x3E80  }
0x72: {  	[sflag:s22] =	ssyncset.done $0x0  }
0x73: {  	[sflag:s22] =	ssyncadd.s32 $0xFFFFC180  }
0x74: {  	[tilespmem:s15], [sflag:$0x1] =	stream.indirect.gather [hbm4b:s4+s18], $0x80, s6, s18, $0xb8;
	[tilespmem:$0x1C080] =	vst v63  }
0x75: {  	_ = 	snop  }
0x76: {  	[spmem:s2] =	stream.indirect.scatter.add.f32 [tilespmem:s21], [sflag:$0x3], $0x80, s7, s18, $0xb8;
	[tilespmem:$0x1C080] =	vst v63  }
0x77: {  	_ =	swait.ge [sflag:s16], $0x3E80  }
0x78: {  	[sflag:s16] =	ssyncset.done $0x0  }
0x79: {  	[sflag:s16] =	ssyncadd.s32 $0xFFFFC180  }
0x7a: {  	_ =	swait.ge [sflag:s19], $0x3E80  }
0x7b: {  	[sflag:s19] =	ssyncset.done $0x0  }
0x7c: {  	[sflag:s19] =	ssyncadd.s32 $0xFFFFC180  }
0x7d: {  	[tilespmem:s21], [sflag:$0x2] =	stream.indirect.gather [hbm4b:s4+s18], $0x80, s8, s18, $0xb8;
	[tilespmem:$0x1C080] =	vst v63  }
0x7e: {  	_ = 	snop  }
0x7f: {  	[spmem:s2] =	stream.indirect.scatter.add.f32 [tilespmem:s15], [sflag:$0x3], $0x80, s9, s18, $0xb8;
	[tilespmem:$0x1C080] =	vst v63  }
0x80: {  	_ =	swait.ge [sflag:s16], $0x3E80  }
0x81: {  	[sflag:s16] =	ssyncset.done $0x0  }
0x82: {  	[sflag:s16] =	ssyncadd.s32 $0xFFFFC180  }
0x83: {  	_ =	swait.ge [sflag:s22], $0x3E80  }
0x84: {  	[sflag:s22] =	ssyncset.done $0x0  }
0x85: {  	[sflag:s22] =	ssyncadd.s32 $0xFFFFC180  }
0x86: {  	[spmem:s2] =	stream.indirect.scatter.add.f32 [tilespmem:s21], [sflag:$0x3], $0x80, s10, s18, $0xb8;
	[tilespmem:$0x1C080] =	vst v63  }
0x87: {  	_ =	swait.ge [sflag:s16], $0x3E80  }
0x88: {  	s12 =	simm.s32 $0x80;
	s24 =	simm.s32 $0x100;
	[sflag:s16] =	ssyncset.done $0x0  }
.LBB2_4:
0x89: {  	s5 =	sadd.s32 s12, s14  }
0x8a: {  	[sflag:s16] =	ssyncadd.s32 $0xFFFFC180;
	s11 =	smov.u32 s24;
	s25 =	sadd.s32 $0x80, s24  }
0x8b: {  	[tilespmem:s3], [sflag:$0x3] =	stream.linear.gather [hbm4b:s5+s3], $0x400, $0x38;
	[tilespmem:$0x1C080] =	vst v63  }
0x8c: {  	p1 =	sne.s32 s24, $0x480;
	_ =	swait.ge [sflag:s16], $0x400  }
0x8d: {  	[sflag:s16] =	ssyncset.done $0x0  }
0x8e: {  	s5 =	sadd.s32 s12, s13;
	s12 =	smov.u32 s11;
	[sflag:s16] =	ssyncadd.s32 $0xFFFFFC00  }
0x8f: {  	[tilespmem:s17], [sflag:$0x3] =	stream.linear.gather [hbm4b:s5+s3], $0x400, $0x38;
	[tilespmem:$0x1C080] =	vst v63  }
0x90: {  	_ =	swait.ge [sflag:s16], $0x400  }
0x91: {  	[sflag:s16] =	ssyncset.done $0x0  }
0x92: {  	[sflag:s16] =	ssyncadd.s32 $0xFFFFFC00  }
0x93: {  	[tilespmem:s15], [sflag:$0x1] =	stream.indirect.gather [hbm4b:s4+s18], $0x80, s3, s18, $0xb8;
	[tilespmem:$0x1C080] =	vst v63  }
0x94: {  	_ =	swait.ge [sflag:s19], $0x3E80  }
0x95: {  	[sflag:s19] =	ssyncset.done $0x0  }
0x96: {  	[sflag:s19] =	ssyncadd.s32 $0xFFFFC180  }
0x97: {  	[tilespmem:s21], [sflag:$0x2] =	stream.indirect.gather [hbm4b:s4+s18], $0x80, s20, s18, $0xb8;
	[tilespmem:$0x1C080] =	vst v63  }
0x98: {  	_ = 	snop  }
0x99: {  	[spmem:s2] =	stream.indirect.scatter.add.f32 [tilespmem:s15], [sflag:$0x3], $0x80, s17, s18, $0xb8;
	[tilespmem:$0x1C080] =	vst v63  }
0x9a: {  	_ =	swait.ge [sflag:s16], $0x3E80  }
0x9b: {  	[sflag:s16] =	ssyncset.done $0x0  }
0x9c: {  	[sflag:s16] =	ssyncadd.s32 $0xFFFFC180  }
0x9d: {  	_ =	swait.ge [sflag:s22], $0x3E80  }
0x9e: {  	[sflag:s22] =	ssyncset.done $0x0  }
0x9f: {  	[sflag:s22] =	ssyncadd.s32 $0xFFFFC180  }
0xa0: {  	[tilespmem:s15], [sflag:$0x1] =	stream.indirect.gather [hbm4b:s4+s18], $0x80, s23, s18, $0xb8;
	[tilespmem:$0x1C080] =	vst v63  }
0xa1: {  	_ = 	snop  }
0xa2: {  	[spmem:s2] =	stream.indirect.scatter.add.f32 [tilespmem:s21], [sflag:$0x3], $0x80, s26, s18, $0xb8;
	[tilespmem:$0x1C080] =	vst v63  }
0xa3: {  	_ =	swait.ge [sflag:s16], $0x3E80  }
0xa4: {  	[sflag:s16] =	ssyncset.done $0x0  }
0xa5: {  	[sflag:s16] =	ssyncadd.s32 $0xFFFFC180  }
0xa6: {  	_ =	swait.ge [sflag:s19], $0x3E80  }
0xa7: {  	[sflag:s19] =	ssyncset.done $0x0  }
0xa8: {  	[sflag:s19] =	ssyncadd.s32 $0xFFFFC180  }
0xa9: {  	[tilespmem:s21], [sflag:$0x2] =	stream.indirect.gather [hbm4b:s4+s18], $0x80, s28, s18, $0xb8;
	[tilespmem:$0x1C080] =	vst v63  }
0xaa: {  	_ = 	snop  }
0xab: {  	[spmem:s2] =	stream.indirect.scatter.add.f32 [tilespmem:s15], [sflag:$0x3], $0x80, s29, s18, $0xb8;
	[tilespmem:$0x1C080] =	vst v63  }
0xac: {  	_ =	swait.ge [sflag:s16], $0x3E80  }
0xad: {  	[sflag:s16] =	ssyncset.done $0x0  }
0xae: {  	[sflag:s16] =	ssyncadd.s32 $0xFFFFC180  }
0xaf: {  	_ =	swait.ge [sflag:s22], $0x3E80  }
0xb0: {  	[sflag:s22] =	ssyncset.done $0x0  }
0xb1: {  	[sflag:s22] =	ssyncadd.s32 $0xFFFFC180  }
0xb2: {  	[tilespmem:s15], [sflag:$0x1] =	stream.indirect.gather [hbm4b:s4+s18], $0x80, s30, s18, $0xb8;
	[tilespmem:$0x1C080] =	vst v63  }
0xb3: {  	_ = 	snop  }
0xb4: {  	[spmem:s2] =	stream.indirect.scatter.add.f32 [tilespmem:s21], [sflag:$0x3], $0x80, s31, s18, $0xb8;
	[tilespmem:$0x1C080] =	vst v63  }
0xb5: {  	_ =	swait.ge [sflag:s16], $0x3E80  }
0xb6: {  	[sflag:s16] =	ssyncset.done $0x0  }
0xb7: {  	[sflag:s16] =	ssyncadd.s32 $0xFFFFC180  }
0xb8: {  	_ =	swait.ge [sflag:s19], $0x3E80  }
0xb9: {  	[sflag:s19] =	ssyncset.done $0x0  }
0xba: {  	[sflag:s19] =	ssyncadd.s32 $0xFFFFC180  }
0xbb: {  	[tilespmem:s21], [sflag:$0x2] =	stream.indirect.gather [hbm4b:s4+s18], $0x80, s0, s18, $0xb8;
	[tilespmem:$0x1C080] =	vst v63  }
0xbc: {  	_ = 	snop  }
0xbd: {  	[spmem:s2] =	stream.indirect.scatter.add.f32 [tilespmem:s15], [sflag:$0x3], $0x80, s1, s18, $0xb8;
	[tilespmem:$0x1C080] =	vst v63  }
0xbe: {  	_ =	swait.ge [sflag:s16], $0x3E80  }
0xbf: {  	[sflag:s16] =	ssyncset.done $0x0  }
0xc0: {  	[sflag:s16] =	ssyncadd.s32 $0xFFFFC180  }
0xc1: {  	_ =	swait.ge [sflag:s22], $0x3E80  }
0xc2: {  	[sflag:s22] =	ssyncset.done $0x0  }
0xc3: {  	[sflag:s22] =	ssyncadd.s32 $0xFFFFC180  }
0xc4: {  	[tilespmem:s15], [sflag:$0x1] =	stream.indirect.gather [hbm4b:s4+s18], $0x80, s6, s18, $0xb8;
	[tilespmem:$0x1C080] =	vst v63  }
0xc5: {  	_ = 	snop  }
0xc6: {  	[spmem:s2] =	stream.indirect.scatter.add.f32 [tilespmem:s21], [sflag:$0x3], $0x80, s7, s18, $0xb8;
	[tilespmem:$0x1C080] =	vst v63  }
0xc7: {  	_ =	swait.ge [sflag:s16], $0x3E80  }
0xc8: {  	[sflag:s16] =	ssyncset.done $0x0  }
0xc9: {  	[sflag:s16] =	ssyncadd.s32 $0xFFFFC180  }
0xca: {  	_ =	swait.ge [sflag:s19], $0x3E80  }
0xcb: {  	[sflag:s19] =	ssyncset.done $0x0  }
0xcc: {  	[sflag:s19] =	ssyncadd.s32 $0xFFFFC180  }
0xcd: {  	[tilespmem:s21], [sflag:$0x2] =	stream.indirect.gather [hbm4b:s4+s18], $0x80, s8, s18, $0xb8;
	[tilespmem:$0x1C080] =	vst v63  }
0xce: {  	_ = 	snop  }
0xcf: {  	[spmem:s2] =	stream.indirect.scatter.add.f32 [tilespmem:s15], [sflag:$0x3], $0x80, s9, s18, $0xb8;
	[tilespmem:$0x1C080] =	vst v63  }
0xd0: {  	_ =	swait.ge [sflag:s16], $0x3E80  }
0xd1: {  	[sflag:s16] =	ssyncset.done $0x0  }
0xd2: {  	[sflag:s16] =	ssyncadd.s32 $0xFFFFC180  }
0xd3: {  	_ =	swait.ge [sflag:s22], $0x3E80  }
.Ltmp1:
0xd4: {  	[sflag:s22] =	ssyncset.done $0x0;
	(pc) =	sbr.rel @p1 .LBB2_4-.Ltmp1, $4  }
0xd5: {  	[sflag:s22] =	ssyncadd.s32 $0xFFFFC180  }
0xd6: {  	[spmem:s2] =	stream.indirect.scatter.add.f32 [tilespmem:s21], [sflag:$0x3], $0x80, s10, s18, $0xb8;
	[tilespmem:$0x1C080] =	vst v63  }
0xd7: {  	_ =	swait.ge [sflag:s16], $0x3E80  }
0xd8: {  	s24 =	smov.u32 s25;
	[sflag:s16] =	ssyncset.done $0x0  }
0xd9: {  	s5 =	sadd.s32 s12, s14;
	[sflag:s16] =	ssyncadd.s32 $0xFFFFC180  }
0xda: {  	[tilespmem:s3], [sflag:$0x3] =	stream.linear.gather [hbm4b:s5+s3], $0x400, $0x38;
	[tilespmem:$0x1C080] =	vst v63  }
0xdb: {  	_ =	swait.ge [sflag:s16], $0x400  }
0xdc: {  	[sflag:s16] =	ssyncset.done $0x0  }
0xdd: {  	s12 =	sadd.s32 s12, s13;
	[sflag:s16] =	ssyncadd.s32 $0xFFFFFC00  }
0xde: {  	[tilespmem:s17], [sflag:$0x3] =	stream.linear.gather [hbm4b:s12+s3], $0x400, $0x38;
	[tilespmem:$0x1C080] =	vst v63  }
0xdf: {  	_ =	swait.ge [sflag:s16], $0x400  }
0xe0: {  	[sflag:s16] =	ssyncset.done $0x0  }
0xe1: {  	[sflag:s16] =	ssyncadd.s32 $0xFFFFFC00  }
0xe2: {  	[tilespmem:s15], [sflag:$0x1] =	stream.indirect.gather [hbm4b:s4+s18], $0x80, s3, s18, $0xb8;
	[tilespmem:$0x1C080] =	vst v63  }
0xe3: {  	_ =	swait.ge [sflag:s19], $0x3E80  }
0xe4: {  	[sflag:s19] =	ssyncset.done $0x0  }
0xe5: {  	[sflag:s19] =	ssyncadd.s32 $0xFFFFC180  }
0xe6: {  	[tilespmem:s21], [sflag:$0x2] =	stream.indirect.gather [hbm4b:s4+s18], $0x80, s20, s18, $0xb8;
	[tilespmem:$0x1C080] =	vst v63  }
0xe7: {  	_ = 	snop  }
0xe8: {  	[spmem:s2] =	stream.indirect.scatter.add.f32 [tilespmem:s15], [sflag:$0x3], $0x80, s17, s18, $0xb8;
	[tilespmem:$0x1C080] =	vst v63  }
0xe9: {  	_ =	swait.ge [sflag:s16], $0x3E80  }
0xea: {  	[sflag:s16] =	ssyncset.done $0x0  }
0xeb: {  	[sflag:s16] =	ssyncadd.s32 $0xFFFFC180  }
0xec: {  	_ =	swait.ge [sflag:s22], $0x3E80  }
0xed: {  	[sflag:s22] =	ssyncset.done $0x0  }
0xee: {  	[sflag:s22] =	ssyncadd.s32 $0xFFFFC180  }
0xef: {  	[tilespmem:s15], [sflag:$0x1] =	stream.indirect.gather [hbm4b:s4+s18], $0x80, s23, s18, $0xb8;
	[tilespmem:$0x1C080] =	vst v63  }
0xf0: {  	_ = 	snop  }
0xf1: {  	[spmem:s2] =	stream.indirect.scatter.add.f32 [tilespmem:s21], [sflag:$0x3], $0x80, s26, s18, $0xb8;
	[tilespmem:$0x1C080] =	vst v63  }
0xf2: {  	_ =	swait.ge [sflag:s16], $0x3E80  }
0xf3: {  	[sflag:s16] =	ssyncset.done $0x0  }
0xf4: {  	[sflag:s16] =	ssyncadd.s32 $0xFFFFC180  }
0xf5: {  	_ =	swait.ge [sflag:s19], $0x3E80  }
0xf6: {  	[sflag:s19] =	ssyncset.done $0x0  }
0xf7: {  	[sflag:s19] =	ssyncadd.s32 $0xFFFFC180  }
0xf8: {  	[tilespmem:s21], [sflag:$0x2] =	stream.indirect.gather [hbm4b:s4+s18], $0x80, s28, s18, $0xb8;
	[tilespmem:$0x1C080] =	vst v63  }
0xf9: {  	_ = 	snop  }
0xfa: {  	[spmem:s2] =	stream.indirect.scatter.add.f32 [tilespmem:s15], [sflag:$0x3], $0x80, s29, s18, $0xb8;
	[tilespmem:$0x1C080] =	vst v63  }
0xfb: {  	_ =	swait.ge [sflag:s16], $0x3E80  }
0xfc: {  	[sflag:s16] =	ssyncset.done $0x0  }
0xfd: {  	[sflag:s16] =	ssyncadd.s32 $0xFFFFC180  }
0xfe: {  	_ =	swait.ge [sflag:s22], $0x3E80  }
0xff: {  	[sflag:s22] =	ssyncset.done $0x0  }
0x100: {  	[sflag:s22] =	ssyncadd.s32 $0xFFFFC180  }
0x101: {  	[tilespmem:s15], [sflag:$0x1] =	stream.indirect.gather [hbm4b:s4+s18], $0x80, s30, s18, $0xb8;
	[tilespmem:$0x1C080] =	vst v63  }
0x102: {  	_ = 	snop  }
0x103: {  	[spmem:s2] =	stream.indirect.scatter.add.f32 [tilespmem:s21], [sflag:$0x3], $0x80, s31, s18, $0xb8;
	[tilespmem:$0x1C080] =	vst v63  }
0x104: {  	_ =	swait.ge [sflag:s16], $0x3E80  }
0x105: {  	[sflag:s16] =	ssyncset.done $0x0  }
0x106: {  	[sflag:s16] =	ssyncadd.s32 $0xFFFFC180  }
0x107: {  	_ =	swait.ge [sflag:s19], $0x3E80  }
0x108: {  	[sflag:s19] =	ssyncset.done $0x0  }
0x109: {  	[sflag:s19] =	ssyncadd.s32 $0xFFFFC180  }
0x10a: {  	[tilespmem:s21], [sflag:$0x2] =	stream.indirect.gather [hbm4b:s4+s18], $0x80, s0, s18, $0xb8;
	[tilespmem:$0x1C080] =	vst v63  }
0x10b: {  	_ = 	snop  }
0x10c: {  	[spmem:s2] =	stream.indirect.scatter.add.f32 [tilespmem:s15], [sflag:$0x3], $0x80, s1, s18, $0xb8;
	[tilespmem:$0x1C080] =	vst v63  }
0x10d: {  	_ =	swait.ge [sflag:s16], $0x3E80  }
0x10e: {  	[sflag:s16] =	ssyncset.done $0x0  }
0x10f: {  	[sflag:s16] =	ssyncadd.s32 $0xFFFFC180  }
0x110: {  	_ =	swait.ge [sflag:s22], $0x3E80  }
0x111: {  	[sflag:s22] =	ssyncset.done $0x0  }
0x112: {  	[sflag:s22] =	ssyncadd.s32 $0xFFFFC180  }
0x113: {  	[tilespmem:s15], [sflag:$0x1] =	stream.indirect.gather [hbm4b:s4+s18], $0x80, s6, s18, $0xb8;
	[tilespmem:$0x1C080] =	vst v63  }
0x114: {  	_ = 	snop  }
0x115: {  	[spmem:s2] =	stream.indirect.scatter.add.f32 [tilespmem:s21], [sflag:$0x3], $0x80, s7, s18, $0xb8;
	[tilespmem:$0x1C080] =	vst v63  }
0x116: {  	_ =	swait.ge [sflag:s16], $0x3E80  }
0x117: {  	[sflag:s16] =	ssyncset.done $0x0  }
0x118: {  	[sflag:s16] =	ssyncadd.s32 $0xFFFFC180  }
0x119: {  	_ =	swait.ge [sflag:s19], $0x3E80  }
0x11a: {  	[sflag:s19] =	ssyncset.done $0x0  }
0x11b: {  	[sflag:s19] =	ssyncadd.s32 $0xFFFFC180  }
0x11c: {  	[tilespmem:s21], [sflag:$0x2] =	stream.indirect.gather [hbm4b:s4+s18], $0x80, s8, s18, $0xb8;
	[tilespmem:$0x1C080] =	vst v63  }
0x11d: {  	_ = 	snop  }
0x11e: {  	[spmem:s2] =	stream.indirect.scatter.add.f32 [tilespmem:s15], [sflag:$0x3], $0x80, s9, s18, $0xb8;
	[tilespmem:$0x1C080] =	vst v63  }
0x11f: {  	_ =	swait.ge [sflag:s16], $0x3E80  }
0x120: {  	[sflag:s16] =	ssyncset.done $0x0  }
0x121: {  	[sflag:s16] =	ssyncadd.s32 $0xFFFFC180  }
0x122: {  	_ =	swait.ge [sflag:s22], $0x3E80  }
0x123: {  	[sflag:s22] =	ssyncset.done $0x0  }
0x124: {  	[sflag:s22] =	ssyncadd.s32 $0xFFFFC180  }
0x125: {  	[spmem:s2] =	stream.indirect.scatter.add.f32 [tilespmem:s21], [sflag:$0x3], $0x80, s10, s18, $0xb8;
	[tilespmem:$0x1C080] =	vst v63  }
0x126: {  	_ =	swait.ge [sflag:s16], $0x3E80  }
0x127: {  	[sflag:s16] =	ssyncset.done $0x0  }
0x128: {  	[sflag:s16] =	ssyncadd.s32 $0xFFFFC180  }
0x129: {  	[bflag:$0x0] =	sbarrier.arrive $0xFFFF  }
0x12a: {  	s11 =	rddreg [dreg:$0x9]  }
0x12b: {  	s5 =	simm.s32 @p0 $0x1FC3;
	s12 =	rddreg [dreg:$0xb]  }
0x12c: {  	[hbm:s11], [sflag:s5] =	dma.local @p0 [spmem:s12], $0x2080  }
0x12d: {  	s5 =	simm.s32 @p0 $0x3  }
0x12e: {  	s11 =	stileid.u32;
	_ =	swait.ge @p0 [sflag:s5], $0x2080  }
0x12f: {  	s11 =	sshll.u32 @!p0 s11, $0x6;
	[sflag:s5] =	ssyncset.done @p0 $0x0;
	s12 =	rddreg [dreg:$0xc]  }
0x130: {  	[sflag:s5] =	ssyncadd.s32 @p0 $0xFFFFDF80;
	s5 =	sor.u32 @!p0 $0x1C03, s11;
	s11 =	rddreg [dreg:$0x8]  }
0x131: {  	[hbm:s11], [sflag:s5] =	dma.local @!p0 [spmem:s12], $0x2780  }
0x132: {  	s5 =	simm.s32 @!p0 $0x3  }
0x133: {  	_ =	swait.ge @!p0 [sflag:s5], $0x2780  }
0x134: {  	s24 =	rddreg [dreg:$0xd]  }
0x135: {  	s25 =	rddreg [dreg:$0xa];
	s12 =	sadd.s32 $0x1, s24  }
0x136: {  	p1 =	sne.s32 s12, s25  }
.Ltmp2:
0x137: {  	_ = 	snop;
	(pc) =	sbr.rel @p1 .LBB2_1-.Ltmp2, $3  }
0x138: {  	_ =	sdelay $0x1  }
0x139: {  	[sflag:s5] =	ssyncset.done @!p0 $0x0  }
0x13a: {  	[sflag:s5] =	ssyncadd.s32 @!p0 $0xFFFFD880  }
0x13b: {  	_ =	sfence.sel $0x180000  }
0x13c: {  	[bflag:$0x0] =	sbarrier.arrive $0xFFFF  }
0x13d: {  	_ =	strace $0x9000004A  }
0x13e: {  	s0 =	stileid.u32;
	[bflag:$0x2] =	sbarrier.arrive $0xFFFF  }
0x13f: {  	p0 =	sne.s32 s0, $0x0;
	s0 =	rddreg [dreg:$0x2]  }
0x140: {  	s0 =	sadd.s32 @!p0 $0x100000, s0  }
0x141: {  	[sflag:s0] =	ssyncadd.tile.s32 @!p0 $0x1;
	_ =	shalt  }
.Lfunc_end2:
_tile_overlayer_lowered:
.L_overlay_start_2:
0x142: {  	(tag) =	ssettag $0x2  }
0x143: {  	s0 =	rddreg [dreg:$0x0];
	s2 =	stileid.u32  }
0x144: {  	s1 =	rddreg [dreg:$0x1];
	p0 =	sne.s32 s2, $0x0  }
0x145: {  	s3 =	rddreg [dreg:$0x2];
	[bflag:$0x3] =	sbarrier.arrive $0xFFFF;
	s2 =	simm.s32 @!p0 $0x1C03  }
0x146: {  	[timem:s3], [sflag:s2] =	dma.local @!p0 [hbm:s0], s1  }
0x147: {  	s0 =	simm.s32 @!p0 $0x3  }
0x148: {  	_ =	swait.ge @!p0 [sflag:s0], s1  }
0x149: {  	s1 =	ssub.s32 @!p0 $0x0, s1;
	[sflag:s0] =	ssyncset.done @!p0 $0x0  }
0x14a: {  	[sflag:s0] =	ssyncadd.s32 @!p0 s1  }
0x14b: {  	[bflag:$0x3] =	sbarrier.arrive $0xFFFF  }
0x14c: {  	_ =	shalt  }

// kernel: kernel.7.cloned.1.call-start
scs
__scs_entry_jumppad:
0x0: {  	(pc) =	sbr.rel $0x88, $3  }
0x1: {  	(tag) =	ssettag $0x0;
	lr =	simm.s32 $0x1  }
0x2: {  	[smem:$0x3F98] =	sst lr;
	_ =	strace $0xD0000000  }
0x3: {  	_ = 	snop  }
0x4: {  	_ = 	snop  }
0x5: {  	_ = 	snop  }
0x6: {  	_ = 	snop  }
0x7: {  	_ = 	snop  }
__scs_overlays_trampoline_lowered:
0x8: {  	[smem:$0x3FA7] =	sst s0  }
0x9: {  	[smem:$0x3FA8] =	sst s1  }
0xa: {  	[smem:$0x3FA9] =	sst s2  }
0xb: {  	[smem:$0x3FAA] =	sst s3  }
0xc: {  	[smem:$0x3FAB] =	sst s4  }
0xd: {  	[smem:$0x3FAC] =	sst s5  }
0xe: {  	[smem:$0x3FAD] =	sst s6  }
0xf: {  	[smem:$0x3FAE] =	sst s7  }
0x10: {  	[smem:$0x3FAF] =	sst s8  }
0x11: {  	[smem:$0x3FB0] =	sst s9;
	s0 =	simm.s32 @!p0 $0x0  }
0x12: {  	s1 =	sld [smem:$0x3F96];
	s0 =	simm.s32 @p0 $0x1  }
0x13: {  	[smem:$0x3FB1] =	sst s0;
	s0 =	simm.s32 @!p1 $0x0  }
0x14: {  	s2 =	sld [smem:$0x3F95];
	s0 =	simm.s32 @p1 $0x1  }
0x15: {  	[smem:$0x3FB2] =	sst s0;
	s0 =	simm.s32 @!p2 $0x0  }
0x16: {  	s3 =	sld [smem:$0x3FDB];
	s0 =	simm.s32 @p2 $0x1  }
0x17: {  	s4 =	simm.s32 $0x1BF5;
	[smem:$0x3FB4] =	sst s0  }
0x18: {  	s0 =	sld [smem:$0x3F97];
	_ =	swait.ge [sflag:s4], $0x0  }
0x19: {  	s7 =	sld [smem:$0x3F98]  }
0x1a: {  	s8 =	sadd.s32 $0xFFFFE003, lr  }
0x1b: {  	s9 =	sadd.s32 $0xFFFFFEF7, lr;
	s5 =	simm.s32 $0xFFFFFFFF;
	p2 =	slt.u32 s8, $0xFFFFF086  }
0x1c: {  	p1 =	slt.u32 s9, $0xF7A;
	s5 =	simm.s32 @!p2 $0x0  }
0x1d: {  	s5 =	simm.s32 @p1 $0x1;
	p0 =	seq.s32 s7, s2  }
0x1e: {  	s7 =	smul.u32 @!p0 $0xF7A, s2;
	p2 =	seq.s32 @!p0 s5, $0x0  }
0x1f: {  	s9 =	smul.u32 $0xF7A, s1;
	s8 =	simm.s32 @!p0 $0x1BF5;
	p2 =	por !p2, p0  }
0x20: {  	[sflag:s8] =	ssyncset.s32 @!p0 $0xFFFFF086;
	s6 =	sadd.s32 @!p0 s3, s7;
	s7 =	simm.s32 @!p0 $0x108  }
0x21: {  	s3 =	sadd.s32 s3, s9;
	s6 =	sadd.s32 @!p0 $0x88, s6;
	s7 =	simm.s32 @p2 $0x1082  }
0x22: {  	[simem:s7], [sflag:s8] =	dma.local @!p0 [hbm:s6], $0xF7A  }
0x23: {  	s9 =	sor.u32 $0xD0000000, s2;
	s6 =	simm.s32 $0x108;
	_ =	swait.ge @!p0 [sflag:s8], $0x0  }
0x24: {  	s3 =	sadd.s32 $0x88, s3;
	s6 =	simm.s32 @!p1 $0x1082;
	[sflag:s4] =	ssyncset.s32 $0xFFFFF086  }
0x25: {  	[simem:s6], [sflag:s4] =	dma.local [hbm:s3], $0xF7A  }
0x26: {  	[smem:$0x3F98] =	sst s1;
	(tag) =	ssettag s2;
	_ =	strace s9  }
0x27: {  	s1 =	sld [smem:$0x3FA8]  }
0x28: {  	s2 =	sld [smem:$0x3FA9]  }
0x29: {  	s4 =	sld [smem:$0x3FAB]  }
0x2a: {  	p0 =	seq.s32 s5, $0x0;
	s5 =	sld [smem:$0x3FAC]  }
0x2b: {  	s6 =	sld [smem:$0x3FAD]  }
0x2c: {  	s7 =	sld [smem:$0x3FAE]  }
0x2d: {  	s3 =	simm.s32 $0x108;
	s8 =	sld [smem:$0x3FAF]  }
0x2e: {  	s3 =	simm.s32 @!p0 $0x1082;
	s9 =	sld [smem:$0x3FB0]  }
0x2f: {  	lr =	sadd.s32 s0, s3;
	s0 =	sld [smem:$0x3FA7]  }
0x30: {  	s3 =	sld [smem:$0x3FAA]  }
0x31: {  	[smem:$0x3FB3] =	sst s10  }
0x32: {  	s10 =	sld [smem:$0x3FB1];
	_ =	sdelay $0x3  }
0x33: {  	p0 =	seq.s32 s10, $0x1;
	s10 =	sld [smem:$0x3FB3];
	_ =	sdelay $0x3  }
0x34: {  	[smem:$0x3FB3] =	sst s10  }
0x35: {  	s10 =	sld [smem:$0x3FB2];
	_ =	sdelay $0x3  }
0x36: {  	p1 =	seq.s32 s10, $0x1;
	s10 =	sld [smem:$0x3FB3];
	_ =	sdelay $0x3  }
0x37: {  	[smem:$0x3FB3] =	sst s10  }
0x38: {  	s10 =	sld [smem:$0x3FB4]  }
0x39: {  	_ = 	snop;
	(pc) =	sbr.ind lr, $3  }
0x3a: {  	_ = 	snop  }
0x3b: {  	_ = 	snop  }
0x3c: {  	p2 =	seq.s32 s10, $0x1;
	s10 =	sld [smem:$0x3FB3]  }
0x3d: {  	_ =	shalt  }
0x3e: {  	_ =	shalt  }
0x3f: {  	_ =	shalt  }
0x40: {  	_ =	shalt  }
0x41: {  	_ =	shalt  }
0x42: {  	_ =	shalt  }
0x43: {  	_ =	shalt  }
0x44: {  	_ =	shalt  }
0x45: {  	_ =	shalt  }
0x46: {  	_ =	shalt  }
0x47: {  	_ =	shalt  }
0x48: {  	_ =	shalt  }
0x49: {  	_ =	shalt  }
0x4a: {  	_ =	shalt  }
0x4b: {  	_ =	shalt  }
0x4c: {  	_ =	shalt  }
0x4d: {  	_ =	shalt  }
0x4e: {  	_ =	shalt  }
0x4f: {  	_ =	shalt  }
0x50: {  	_ =	shalt  }
0x51: {  	_ =	shalt  }
0x52: {  	_ =	shalt  }
0x53: {  	_ =	shalt  }
0x54: {  	_ =	shalt  }
0x55: {  	_ =	shalt  }
0x56: {  	_ =	shalt  }
0x57: {  	_ =	shalt  }
0x58: {  	_ =	shalt  }
0x59: {  	_ =	shalt  }
0x5a: {  	_ =	shalt  }
0x5b: {  	_ =	shalt  }
0x5c: {  	_ =	shalt  }
0x5d: {  	_ =	shalt  }
0x5e: {  	_ =	shalt  }
0x5f: {  	_ =	shalt  }
0x60: {  	_ =	shalt  }
0x61: {  	_ =	shalt  }
0x62: {  	_ =	shalt  }
0x63: {  	_ =	shalt  }
0x64: {  	_ =	shalt  }
0x65: {  	_ =	shalt  }
0x66: {  	_ =	shalt  }
0x67: {  	_ =	shalt  }
0x68: {  	_ =	shalt  }
0x69: {  	_ =	shalt  }
0x6a: {  	_ =	shalt  }
0x6b: {  	_ =	shalt  }
0x6c: {  	_ =	shalt  }
0x6d: {  	_ =	shalt  }
0x6e: {  	_ =	shalt  }
0x6f: {  	_ =	shalt  }
0x70: {  	_ =	shalt  }
0x71: {  	_ =	shalt  }
0x72: {  	_ =	shalt  }
0x73: {  	_ =	shalt  }
0x74: {  	_ =	shalt  }
0x75: {  	_ =	shalt  }
0x76: {  	_ =	shalt  }
0x77: {  	_ =	shalt  }
0x78: {  	_ =	shalt  }
0x79: {  	_ =	shalt  }
0x7a: {  	_ =	shalt  }
0x7b: {  	_ =	shalt  }
0x7c: {  	_ =	shalt  }
0x7d: {  	_ =	shalt  }
0x7e: {  	_ =	shalt  }
0x7f: {  	_ =	shalt  }
0x80: {  	_ =	shalt  }
0x81: {  	_ =	shalt  }
0x82: {  	_ =	shalt  }
0x83: {  	_ =	shalt  }
0x84: {  	_ =	shalt  }
0x85: {  	_ =	shalt  }
0x86: {  	_ =	shalt  }
0x87: {  	_ =	shalt  }
.Lfunc_end0:
.L_simem_size_0:
called_computation_lowered:
.L_overlay_start_0:
0x88: {  	s2 =	sld [smem:$0x3FD9]  }
0x89: {  	s3 =	sld [smem:$0x3FFE];
	_ =	sdelay $0x1  }
0x8a: {  	s1 =	srdreg.scid  }
0x8b: {  	s0 =	sand.u32 $0x1, s1  }
0x8c: {  	s16 =	sshll.u32 s0, $0xA;
	s2 =	sadd.s32 s3, s2  }
0x8d: {  	s2 =	sadd.s32 s2, s16  }
0x8e: {  	[smem:$0x3FBF] =	sst s2  }
0x8f: {  	_ = 	snop  }
0x90: {  	(tm) =	ssettm $0x1  }
0x91: {  	s17 =	sld [smem:$0x3FFB];
	_ =	sdelay $0x3  }
0x92: {  	_ =	strace s17  }
0x93: {  	s2 =	sld [smem:$0x3FFC];
	_ =	sdelay $0x3  }
0x94: {  	_ =	strace s2  }
0x95: {  	s2 =	sld [smem:$0x3FFD];
	_ =	sdelay $0x3  }
0x96: {  	_ =	strace s2  }
0x97: {  	_ =	strace $0x8FFFFFFF  }
0x98: {  	s18 =	sld [smem:$0x3FDB];
	_ =	sdelay $0x1  }
0x99: {  	s19 =	simm.s32 $_scs_section_size  }
0x9a: {  	s4 =	simm.s32 $_size__tile_overlayer_lowered;
	s5 =	simm.s32 $_tile_overlayer_lowered  }
0x9b: {  	s22 =	simm.s32 $0x1BFF;
	s21 =	sshll.u32 s5, $0x1;
	s2 =	sadd.s32 s19, s18  }
0x9c: {  	s6 =	simm.s32 $0x0;
	s20 =	sshll.u32 s4, $0x1;
	s4 =	sadd.s32 s21, s2  }
0x9d: {  	[timem:s6], [sflag:s22] =	dma.local [hbm:s4], s20  }
0x9e: {  	_ =	swait.ge [sflag:s22], s20  }
0x9f: {  	s3 =	ssub.s32 $0x0, s20;
	[sflag:s22] =	ssyncset.done $0x0  }
0xa0: {  	[sflag:s22] =	ssyncadd.s32 s3;
	_ =	sdelay $0x1  }
0xa1: {  	s23 =	simm.s32 $0x1B8B  }
0xa2: {  	_ =	swait.ge [sflag:s23], $0x1  }
0xa3: {  	[sflag:s23] =	ssyncset.done $0x0  }
0xa4: {  	s25 =	simm.s32 $0x1B8E;
	s24 =	sld [smem:$0x3FFE];
	[sflag:s23] =	ssyncadd.s32 $0xFFFFFFFF  }
0xa5: {  	s26 =	simm.s32 $execute0_lowered;
	[smem:$0x3FD2] =	sst s25  }
0xa6: {  	s4 =	sshll.u32 s26, $0x1;
	_ =	strace $0x80000046;
	[dreg:$0x1] =	wrdreg $0xFFFFFFFF  }
0xa7: {  	s28 =	simm.s32 $_size_execute0_lowered;
	s2 =	sadd.s32 s2, s4;
	[dreg:$0x0] =	wrdreg $0x0  }
0xa8: {  	s4 =	sshll.u32 s28, $0x1;
	[dreg:$0x2] =	wrdreg s2  }
0xa9: {  	[dreg:$0x3] =	wrdreg s4  }
0xaa: {  	[dreg:$0x4] =	wrdreg $0xC0  }
0xab: {  	_ =	task [dreg:s6], $0x5FFFF  }
0xac: {  	[dreg:$0x1] =	wrdreg $0xFFFFFFFF  }
0xad: {  	[dreg:$0x0] =	wrdreg $0x60  }
0xae: {  	[dreg:$0x2] =	wrdreg s24  }
0xaf: {  	[dreg:$0x3] =	wrdreg $0x88000  }
0xb0: {  	[dreg:$0x4] =	wrdreg $0x9  }
0xb1: {  	_ =	task.clear_ibuf [dreg:s6], $0x5FFFF;
	_ =	strace $0x90000046  }
0xb2: {  	s29 =	simm.s32 $0x9;
	_ =	strace $0x80000048  }
0xb3: {  	_ =	swait.ge [sflag:s29], $0x1  }
0xb4: {  	[sflag:s29] =	ssyncadd.s32 $0xFFFFFFFF  }
0xb5: {  	_ =	strace $0x90000048  }
0xb6: {  	_ =	sfence  }
0xb7: {  	s30 =	sld [smem:$0x0];
	_ =	sdelay $0x2  }
0xb8: {  	s31 =	sshll.u32 s1, $0xD;
	s1 =	sshrl.u32 s1, $0x2  }
0xb9: {  	s3 =	sand.u32 $0x4000, s31;
	s1 =	sadd.s32 s1, s30  }
0xba: {  	s0 =	sor.u32 s3, s0;
	s1 =	sshll.u32 s1, $0x11  }
0xbb: {  	s0 =	sor.u32 s1, s0  }
0xbc: {  	s0 =	sadd.s32 $0x8F2B, s0  }
0xbd: {  	[sflag:s0] =	ssyncadd.remote.s32 $0x1  }
0xbe: {  	_ =	sfence.sel $0xFFFF  }
0xbf: {  	[dreg:$0x0] =	wrdreg $0xFFFFFFFF;
	(pc) =	sbr.abs _section_cstart, $3  }
0xc0: {  	[dreg:$0x1] =	wrdreg $0xFFFFFFFF  }
0xc1: {  	_ =	task.clear_ibuf [dreg:s6], $0x2FFFF;
	_ =	strace $0x9FFFFFFF  }
0xc2: {  	(tm) =	ssettm $0x7FFFFFFF  }
0xc3: {  	_ =	shalt  }
tec
execute0_lowered:
.L_overlay_start_1:
0x0: {  	(tag) =	ssettag $0x1  }
0x1: {  	s0 =	rddreg [dreg:$0x0]  }
0x2: {  	s2 =	rddreg [dreg:$0x1]  }
0x3: {  	s3 =	simm.s32 $0x0;
	s11 =	stileid.u32;
	s5 =	srdreg.scid  }
0x4: {  	s15 =	simm.s32 $0x800;
	s16 =	simm.s32 $0x3;
	s17 =	simm.s32 $0x400  }
0x5: {  	s28 =	simm.s32 $0x180;
	s29 =	simm.s32 $0x500;
	s1 =	smul.u32 $0xA00, s11  }
0x6: {  	s30 =	simm.s32 $0x200;
	s31 =	simm.s32 $0x580;
	s6 =	smul.u32 $0x4E200, s11  }
0x7: {  	[smem:$0x7FF] =	sst s3;
	s4 =	sadd.s32 $0x15A00, s0;
	s10 =	smul.u32 $0x13C00, s11  }
0x8: {  	s7 =	sand.u32 $0x1, s5;
	s24 =	smul.u32 $0x4F000, s11;
	p0 =	seq.s32 s11, $0xF  }
0x9: {  	s12 =	simm.s32 $0x0;
	_ =	strace $0x80000047;
	s19 =	smul.u32 $0x138800, s7  }
0xa: {  	s8 =	ssub.s32 $0x2, s7;
	s7 =	smul.u32 $0x500, s7;
	s1 =	sadd.s32 s1, s0  }
0xb: {  	s0 =	sadd.s32 $0x3CC00, s0;
	s18 =	sshrl.u32 s6, $0x2;
	s9 =	sshrl.u32 s8, $0x1  }
0xc: {  	s5 =	sadd.s32 s18, s2;
	s8 =	ssub.s32 s8, s9;
	s23 =	sadd.s32 s10, s19  }
0xd: {  	s6 =	sshrl.u32 s19, $0x3;
	s10 =	sshrl.u32 s24, $0x2;
	s1 =	sadd.s32 s7, s1  }
0xe: {  	s18 =	simm.s32 $0x7D;
	s19 =	simm.s32 $0x1;
	s7 =	simm.s32 $0x680  }
0xf: {  	s20 =	sadd.s32 $0x3E80, s5;
	s21 =	sadd.s32 $0x7D00, s5;
	s22 =	sadd.s32 $0xBB80, s5  }
0x10: {  	[dreg:$0x3] =	wrdreg s5;
	s5 =	sadd.s32 $0xFA00, s5;
	s9 =	sshrl.u32 s23, $0x3  }
0x11: {  	s6 =	sadd.s32 s0, s6;
	s26 =	smax.u32 s8, $0x1;
	[dreg:$0x4] =	wrdreg s20  }
0x12: {  	s13 =	sadd.s32 $0xBA00, s1;
	s14 =	sadd.s32 $0x1A00, s1;
	[dreg:$0x5] =	wrdreg s21  }
0x13: {  	s23 =	simm.s32 $0x100;
	s8 =	simm.s32 $0x380;
	[dreg:$0x6] =	wrdreg s22  }
0x14: {  	[dreg:$0x7] =	wrdreg s5;
	s0 =	sadd.s32 s0, s9;
	s25 =	sadd.s32 $0x25080, s6  }
0x15: {  	s6 =	sadd.s32 $0x128400, s2;
	[dreg:$0xa] =	wrdreg s26;
	s20 =	simm.s32 $0x80  }
0x16: {  	s21 =	simm.s32 $0x4800;
	s22 =	simm.s32 $0x2;
	s26 =	simm.s32 $0x480  }
0x17: {  	s9 =	simm.s32 $0x700;
	[dreg:$0x8] =	wrdreg s0;
	s0 =	sadd.s32 s10, s2  }
0x18: {  	[dreg:$0x9] =	wrdreg s25;
	s1 =	sshrl.u32 @p0 s6, $0x3;
	s6 =	simm.s32 $0x300  }
0x19: {  	s10 =	simm.s32 $0x780;
	[dreg:$0xb] =	wrdreg s1;
	s0 =	sshrl.u32 @!p0 s0, $0x3  }
0x1a: {  	v0 =	vimm.f32 $0.0e+00;
	s1 =	simm.s32 $0x600;
	[dreg:$0xc] =	wrdreg s0;
	s0 =	simm.s32 $0x280  }
.LBB2_1:
0x1b: {  	s25 =	sand.u32 $0xFE00, s3  }
0x1c: {  	[dreg:$0xd] =	wrdreg s12;
	s24 =	sand.u32 $0x70, s3;
	s25 =	sshrl.u32 s25, $0x2  }
0x1d: {  	s12 =	simm.s32 $0x40;
	s25 =	sor.u32 s24, s25;
	s24 =	simm.s32 $0x0  }
.LBB2_2:
0x1e: {  	p1 =	sne.s32 s12, $0xF9C0  }
0x1f: {  	[tilespmem:s25+$0x800] =	vst v0;
	s24 =	sadd.s32 $0x10, s24;
	s25 =	smov.u32 s12;
	s12 =	sadd.s32 $0x40, s12  }
.Ltmp0:
0x20: {  	(pc) =	sbr.rel @p1 .LBB2_2-.Ltmp0, $4  }
0x21: {  	_ = 	snop  }
0x22: {  	s25 =	sand.u32 $0xFE00, s25  }
0x23: {  	s5 =	sand.u32 $0x70, s24;
	s25 =	sshrl.u32 s25, $0x2  }
0x24: {  	s25 =	sor.u32 s5, s25  }
0x25: {  	[tilespmem:s25+$0x800] =	vst v0;
	s5 =	rddreg [dreg:$0x3]  }
0x26: {  	[spmem:s5] =	stream.linear.scatter [tilespmem:s15], [sflag:$0x3], $0x3E80, $0x38;
	[tilespmem:$0x1C080] =	vst v63  }
0x27: {  	_ =	swait.ge [sflag:s16], $0x3E80  }
0x28: {  	[sflag:s16] =	ssyncset.done $0x0  }
0x29: {  	s24 =	rddreg [dreg:$0x4];
	[sflag:s16] =	ssyncadd.s32 $0xFFFFC180  }
0x2a: {  	[spmem:s24] =	stream.linear.scatter [tilespmem:s15], [sflag:$0x3], $0x3E80, $0x38;
	[tilespmem:$0x1C080] =	vst v63  }
0x2b: {  	_ =	swait.ge [sflag:s16], $0x3E80  }
0x2c: {  	[sflag:s16] =	ssyncset.done $0x0  }
0x2d: {  	s25 =	rddreg [dreg:$0x5];
	[sflag:s16] =	ssyncadd.s32 $0xFFFFC180  }
0x2e: {  	[spmem:s25] =	stream.linear.scatter [tilespmem:s15], [sflag:$0x3], $0x3E80, $0x38;
	[tilespmem:$0x1C080] =	vst v63  }
0x2f: {  	_ =	swait.ge [sflag:s16], $0x3E80  }
0x30: {  	[sflag:s16] =	ssyncset.done $0x0  }
0x31: {  	s11 =	rddreg [dreg:$0x6];
	[sflag:s16] =	ssyncadd.s32 $0xFFFFC180  }
0x32: {  	[spmem:s11] =	stream.linear.scatter [tilespmem:s15], [sflag:$0x3], $0x3E80, $0x38;
	[tilespmem:$0x1C080] =	vst v63  }
0x33: {  	_ =	swait.ge [sflag:s16], $0x3E80  }
0x34: {  	[sflag:s16] =	ssyncset.done $0x0  }
0x35: {  	s12 =	rddreg [dreg:$0x7];
	[sflag:s16] =	ssyncadd.s32 $0xFFFFC180  }
0x36: {  	[spmem:s12] =	stream.linear.scatter [tilespmem:s15], [sflag:$0x3], $0x3E80, $0x38;
	[tilespmem:$0x1C080] =	vst v63  }
0x37: {  	_ =	swait.ge [sflag:s16], $0x3E80  }
0x38: {  	[sflag:s16] =	ssyncset.done $0x0  }
0x39: {  	[sflag:s16] =	ssyncadd.s32 $0xFFFFC180  }
0x3a: {  	s24 =	sadd.s32 $0x0, s14;
	[bflag:$0x0] =	sbarrier.arrive $0xFFFF  }
0x3b: {  	[tilespmem:s3], [sflag:$0x3] =	stream.linear.gather [hbm4b:s24+s3], $0x400, $0x38;
	[tilespmem:$0x1C080] =	vst v63  }
0x3c: {  	_ =	swait.ge [sflag:s16], $0x400  }
0x3d: {  	[sflag:s16] =	ssyncset.done $0x0  }
0x3e: {  	s25 =	sadd.s32 $0x0, s13;
	[sflag:s16] =	ssyncadd.s32 $0xFFFFFC00  }
0x3f: {  	[tilespmem:s17], [sflag:$0x3] =	stream.linear.gather [hbm4b:s25+s3], $0x400, $0x38;
	[tilespmem:$0x1C080] =	vst v63  }
0x40: {  	_ =	swait.ge [sflag:s16], $0x400  }
0x41: {  	[sflag:s16] =	ssyncset.done $0x0  }
0x42: {  	[sflag:s16] =	ssyncadd.s32 $0xFFFFFC00  }
0x43: {  	[tilespmem:s15], [sflag:$0x1] =	stream.indirect.gather [hbm4b:s4+s18], $0x80, s3, s18, $0xb8;
	[tilespmem:$0x1C080] =	vst v63  }
0x44: {  	_ =	swait.ge [sflag:s19], $0x3E80  }
0x45: {  	[sflag:s19] =	ssyncset.done $0x0  }
0x46: {  	[sflag:s19] =	ssyncadd.s32 $0xFFFFC180  }
0x47: {  	[tilespmem:s21], [sflag:$0x2] =	stream.indirect.gather [hbm4b:s4+s18], $0x80, s20, s18, $0xb8;
	[tilespmem:$0x1C080] =	vst v63  }
0x48: {  	_ = 	snop  }
0x49: {  	[spmem:s2] =	stream.indirect.scatter.add.f32 [tilespmem:s15], [sflag:$0x3], $0x80, s17, s18, $0xb8;
	[tilespmem:$0x1C080] =	vst v63  }
0x4a: {  	_ =	swait.ge [sflag:s16], $0x3E80  }
0x4b: {  	[sflag:s16] =	ssyncset.done $0x0  }
0x4c: {  	[sflag:s16] =	ssyncadd.s32 $0xFFFFC180  }
0x4d: {  	_ =	swait.ge [sflag:s22], $0x3E80  }
0x4e: {  	[sflag:s22] =	ssyncset.done $0x0  }
0x4f: {  	[sflag:s22] =	ssyncadd.s32 $0xFFFFC180  }
0x50: {  	[tilespmem:s15], [sflag:$0x1] =	stream.indirect.gather [hbm4b:s4+s18], $0x80, s23, s18, $0xb8;
	[tilespmem:$0x1C080] =	vst v63  }
0x51: {  	_ = 	snop  }
0x52: {  	[spmem:s2] =	stream.indirect.scatter.add.f32 [tilespmem:s21], [sflag:$0x3], $0x80, s26, s18, $0xb8;
	[tilespmem:$0x1C080] =	vst v63  }
0x53: {  	_ =	swait.ge [sflag:s16], $0x3E80  }
0x54: {  	[sflag:s16] =	ssyncset.done $0x0  }
0x55: {  	[sflag:s16] =	ssyncadd.s32 $0xFFFFC180  }
0x56: {  	_ =	swait.ge [sflag:s19], $0x3E80  }
0x57: {  	[sflag:s19] =	ssyncset.done $0x0  }
0x58: {  	[sflag:s19] =	ssyncadd.s32 $0xFFFFC180  }
0x59: {  	[tilespmem:s21], [sflag:$0x2] =	stream.indirect.gather [hbm4b:s4+s18], $0x80, s28, s18, $0xb8;
	[tilespmem:$0x1C080] =	vst v63  }
0x5a: {  	_ = 	snop  }
0x5b: {  	[spmem:s2] =	stream.indirect.scatter.add.f32 [tilespmem:s15], [sflag:$0x3], $0x80, s29, s18, $0xb8;
	[tilespmem:$0x1C080] =	vst v63  }
0x5c: {  	_ =	swait.ge [sflag:s16], $0x3E80  }
0x5d: {  	[sflag:s16] =	ssyncset.done $0x0  }
0x5e: {  	[sflag:s16] =	ssyncadd.s32 $0xFFFFC180  }
0x5f: {  	_ =	swait.ge [sflag:s22], $0x3E80  }
0x60: {  	[sflag:s22] =	ssyncset.done $0x0  }
0x61: {  	[sflag:s22] =	ssyncadd.s32 $0xFFFFC180  }
0x62: {  	[tilespmem:s15], [sflag:$0x1] =	stream.indirect.gather [hbm4b:s4+s18], $0x80, s30, s18, $0xb8;
	[tilespmem:$0x1C080] =	vst v63  }
0x63: {  	_ = 	snop  }
0x64: {  	[spmem:s2] =	stream.indirect.scatter.add.f32 [tilespmem:s21], [sflag:$0x3], $0x80, s31, s18, $0xb8;
	[tilespmem:$0x1C080] =	vst v63  }
0x65: {  	_ =	swait.ge [sflag:s16], $0x3E80  }
0x66: {  	[sflag:s16] =	ssyncset.done $0x0  }
0x67: {  	[sflag:s16] =	ssyncadd.s32 $0xFFFFC180  }
0x68: {  	_ =	swait.ge [sflag:s19], $0x3E80  }
0x69: {  	[sflag:s19] =	ssyncset.done $0x0  }
0x6a: {  	[sflag:s19] =	ssyncadd.s32 $0xFFFFC180  }
0x6b: {  	[tilespmem:s21], [sflag:$0x2] =	stream.indirect.gather [hbm4b:s4+s18], $0x80, s0, s18, $0xb8;
	[tilespmem:$0x1C080] =	vst v63  }
0x6c: {  	_ = 	snop  }
0x6d: {  	[spmem:s2] =	stream.indirect.scatter.add.f32 [tilespmem:s15], [sflag:$0x3], $0x80, s1, s18, $0xb8;
	[tilespmem:$0x1C080] =	vst v63  }
0x6e: {  	_ =	swait.ge [sflag:s16], $0x3E80  }
0x6f: {  	[sflag:s16] =	ssyncset.done $0x0  }
0x70: {  	[sflag:s16] =	ssyncadd.s32 $0xFFFFC180  }
0x71: {  	_ =	swait.ge [sflag:s22], $0x3E80  }
0x72: {  	[sflag:s22] =	ssyncset.done $0x0  }
0x73: {  	[sflag:s22] =	ssyncadd.s32 $0xFFFFC180  }
0x74: {  	[tilespmem:s15], [sflag:$0x1] =	stream.indirect.gather [hbm4b:s4+s18], $0x80, s6, s18, $0xb8;
	[tilespmem:$0x1C080] =	vst v63  }
0x75: {  	_ = 	snop  }
0x76: {  	[spmem:s2] =	stream.indirect.scatter.add.f32 [tilespmem:s21], [sflag:$0x3], $0x80, s7, s18, $0xb8;
	[tilespmem:$0x1C080] =	vst v63  }
0x77: {  	_ =	swait.ge [sflag:s16], $0x3E80  }
0x78: {  	[sflag:s16] =	ssyncset.done $0x0  }
0x79: {  	[sflag:s16] =	ssyncadd.s32 $0xFFFFC180  }
0x7a: {  	_ =	swait.ge [sflag:s19], $0x3E80  }
0x7b: {  	[sflag:s19] =	ssyncset.done $0x0  }
0x7c: {  	[sflag:s19] =	ssyncadd.s32 $0xFFFFC180  }
0x7d: {  	[tilespmem:s21], [sflag:$0x2] =	stream.indirect.gather [hbm4b:s4+s18], $0x80, s8, s18, $0xb8;
	[tilespmem:$0x1C080] =	vst v63  }
0x7e: {  	_ = 	snop  }
0x7f: {  	[spmem:s2] =	stream.indirect.scatter.add.f32 [tilespmem:s15], [sflag:$0x3], $0x80, s9, s18, $0xb8;
	[tilespmem:$0x1C080] =	vst v63  }
0x80: {  	_ =	swait.ge [sflag:s16], $0x3E80  }
0x81: {  	[sflag:s16] =	ssyncset.done $0x0  }
0x82: {  	[sflag:s16] =	ssyncadd.s32 $0xFFFFC180  }
0x83: {  	_ =	swait.ge [sflag:s22], $0x3E80  }
0x84: {  	[sflag:s22] =	ssyncset.done $0x0  }
0x85: {  	[sflag:s22] =	ssyncadd.s32 $0xFFFFC180  }
0x86: {  	[spmem:s2] =	stream.indirect.scatter.add.f32 [tilespmem:s21], [sflag:$0x3], $0x80, s10, s18, $0xb8;
	[tilespmem:$0x1C080] =	vst v63  }
0x87: {  	_ =	swait.ge [sflag:s16], $0x3E80  }
0x88: {  	s12 =	simm.s32 $0x80;
	s24 =	simm.s32 $0x100;
	[sflag:s16] =	ssyncset.done $0x0  }
.LBB2_4:
0x89: {  	s5 =	sadd.s32 s12, s14  }
0x8a: {  	[sflag:s16] =	ssyncadd.s32 $0xFFFFC180;
	s11 =	smov.u32 s24;
	s25 =	sadd.s32 $0x80, s24  }
0x8b: {  	[tilespmem:s3], [sflag:$0x3] =	stream.linear.gather [hbm4b:s5+s3], $0x400, $0x38;
	[tilespmem:$0x1C080] =	vst v63  }
0x8c: {  	p1 =	sne.s32 s24, $0x480;
	_ =	swait.ge [sflag:s16], $0x400  }
0x8d: {  	[sflag:s16] =	ssyncset.done $0x0  }
0x8e: {  	s5 =	sadd.s32 s12, s13;
	s12 =	smov.u32 s11;
	[sflag:s16] =	ssyncadd.s32 $0xFFFFFC00  }
0x8f: {  	[tilespmem:s17], [sflag:$0x3] =	stream.linear.gather [hbm4b:s5+s3], $0x400, $0x38;
	[tilespmem:$0x1C080] =	vst v63  }
0x90: {  	_ =	swait.ge [sflag:s16], $0x400  }
0x91: {  	[sflag:s16] =	ssyncset.done $0x0  }
0x92: {  	[sflag:s16] =	ssyncadd.s32 $0xFFFFFC00  }
0x93: {  	[tilespmem:s15], [sflag:$0x1] =	stream.indirect.gather [hbm4b:s4+s18], $0x80, s3, s18, $0xb8;
	[tilespmem:$0x1C080] =	vst v63  }
0x94: {  	_ =	swait.ge [sflag:s19], $0x3E80  }
0x95: {  	[sflag:s19] =	ssyncset.done $0x0  }
0x96: {  	[sflag:s19] =	ssyncadd.s32 $0xFFFFC180  }
0x97: {  	[tilespmem:s21], [sflag:$0x2] =	stream.indirect.gather [hbm4b:s4+s18], $0x80, s20, s18, $0xb8;
	[tilespmem:$0x1C080] =	vst v63  }
0x98: {  	_ = 	snop  }
0x99: {  	[spmem:s2] =	stream.indirect.scatter.add.f32 [tilespmem:s15], [sflag:$0x3], $0x80, s17, s18, $0xb8;
	[tilespmem:$0x1C080] =	vst v63  }
0x9a: {  	_ =	swait.ge [sflag:s16], $0x3E80  }
0x9b: {  	[sflag:s16] =	ssyncset.done $0x0  }
0x9c: {  	[sflag:s16] =	ssyncadd.s32 $0xFFFFC180  }
0x9d: {  	_ =	swait.ge [sflag:s22], $0x3E80  }
0x9e: {  	[sflag:s22] =	ssyncset.done $0x0  }
0x9f: {  	[sflag:s22] =	ssyncadd.s32 $0xFFFFC180  }
0xa0: {  	[tilespmem:s15], [sflag:$0x1] =	stream.indirect.gather [hbm4b:s4+s18], $0x80, s23, s18, $0xb8;
	[tilespmem:$0x1C080] =	vst v63  }
0xa1: {  	_ = 	snop  }
0xa2: {  	[spmem:s2] =	stream.indirect.scatter.add.f32 [tilespmem:s21], [sflag:$0x3], $0x80, s26, s18, $0xb8;
	[tilespmem:$0x1C080] =	vst v63  }
0xa3: {  	_ =	swait.ge [sflag:s16], $0x3E80  }
0xa4: {  	[sflag:s16] =	ssyncset.done $0x0  }
0xa5: {  	[sflag:s16] =	ssyncadd.s32 $0xFFFFC180  }
0xa6: {  	_ =	swait.ge [sflag:s19], $0x3E80  }
0xa7: {  	[sflag:s19] =	ssyncset.done $0x0  }
0xa8: {  	[sflag:s19] =	ssyncadd.s32 $0xFFFFC180  }
0xa9: {  	[tilespmem:s21], [sflag:$0x2] =	stream.indirect.gather [hbm4b:s4+s18], $0x80, s28, s18, $0xb8;
	[tilespmem:$0x1C080] =	vst v63  }
0xaa: {  	_ = 	snop  }
0xab: {  	[spmem:s2] =	stream.indirect.scatter.add.f32 [tilespmem:s15], [sflag:$0x3], $0x80, s29, s18, $0xb8;
	[tilespmem:$0x1C080] =	vst v63  }
0xac: {  	_ =	swait.ge [sflag:s16], $0x3E80  }
0xad: {  	[sflag:s16] =	ssyncset.done $0x0  }
0xae: {  	[sflag:s16] =	ssyncadd.s32 $0xFFFFC180  }
0xaf: {  	_ =	swait.ge [sflag:s22], $0x3E80  }
0xb0: {  	[sflag:s22] =	ssyncset.done $0x0  }
0xb1: {  	[sflag:s22] =	ssyncadd.s32 $0xFFFFC180  }
0xb2: {  	[tilespmem:s15], [sflag:$0x1] =	stream.indirect.gather [hbm4b:s4+s18], $0x80, s30, s18, $0xb8;
	[tilespmem:$0x1C080] =	vst v63  }
0xb3: {  	_ = 	snop  }
0xb4: {  	[spmem:s2] =	stream.indirect.scatter.add.f32 [tilespmem:s21], [sflag:$0x3], $0x80, s31, s18, $0xb8;
	[tilespmem:$0x1C080] =	vst v63  }
0xb5: {  	_ =	swait.ge [sflag:s16], $0x3E80  }
0xb6: {  	[sflag:s16] =	ssyncset.done $0x0  }
0xb7: {  	[sflag:s16] =	ssyncadd.s32 $0xFFFFC180  }
0xb8: {  	_ =	swait.ge [sflag:s19], $0x3E80  }
0xb9: {  	[sflag:s19] =	ssyncset.done $0x0  }
0xba: {  	[sflag:s19] =	ssyncadd.s32 $0xFFFFC180  }
0xbb: {  	[tilespmem:s21], [sflag:$0x2] =	stream.indirect.gather [hbm4b:s4+s18], $0x80, s0, s18, $0xb8;
	[tilespmem:$0x1C080] =	vst v63  }
0xbc: {  	_ = 	snop  }
0xbd: {  	[spmem:s2] =	stream.indirect.scatter.add.f32 [tilespmem:s15], [sflag:$0x3], $0x80, s1, s18, $0xb8;
	[tilespmem:$0x1C080] =	vst v63  }
0xbe: {  	_ =	swait.ge [sflag:s16], $0x3E80  }
0xbf: {  	[sflag:s16] =	ssyncset.done $0x0  }
0xc0: {  	[sflag:s16] =	ssyncadd.s32 $0xFFFFC180  }
0xc1: {  	_ =	swait.ge [sflag:s22], $0x3E80  }
0xc2: {  	[sflag:s22] =	ssyncset.done $0x0  }
0xc3: {  	[sflag:s22] =	ssyncadd.s32 $0xFFFFC180  }
0xc4: {  	[tilespmem:s15], [sflag:$0x1] =	stream.indirect.gather [hbm4b:s4+s18], $0x80, s6, s18, $0xb8;
	[tilespmem:$0x1C080] =	vst v63  }
0xc5: {  	_ = 	snop  }
0xc6: {  	[spmem:s2] =	stream.indirect.scatter.add.f32 [tilespmem:s21], [sflag:$0x3], $0x80, s7, s18, $0xb8;
	[tilespmem:$0x1C080] =	vst v63  }
0xc7: {  	_ =	swait.ge [sflag:s16], $0x3E80  }
0xc8: {  	[sflag:s16] =	ssyncset.done $0x0  }
0xc9: {  	[sflag:s16] =	ssyncadd.s32 $0xFFFFC180  }
0xca: {  	_ =	swait.ge [sflag:s19], $0x3E80  }
0xcb: {  	[sflag:s19] =	ssyncset.done $0x0  }
0xcc: {  	[sflag:s19] =	ssyncadd.s32 $0xFFFFC180  }
0xcd: {  	[tilespmem:s21], [sflag:$0x2] =	stream.indirect.gather [hbm4b:s4+s18], $0x80, s8, s18, $0xb8;
	[tilespmem:$0x1C080] =	vst v63  }
0xce: {  	_ = 	snop  }
0xcf: {  	[spmem:s2] =	stream.indirect.scatter.add.f32 [tilespmem:s15], [sflag:$0x3], $0x80, s9, s18, $0xb8;
	[tilespmem:$0x1C080] =	vst v63  }
0xd0: {  	_ =	swait.ge [sflag:s16], $0x3E80  }
0xd1: {  	[sflag:s16] =	ssyncset.done $0x0  }
0xd2: {  	[sflag:s16] =	ssyncadd.s32 $0xFFFFC180  }
0xd3: {  	_ =	swait.ge [sflag:s22], $0x3E80  }
.Ltmp1:
0xd4: {  	[sflag:s22] =	ssyncset.done $0x0;
	(pc) =	sbr.rel @p1 .LBB2_4-.Ltmp1, $4  }
0xd5: {  	[sflag:s22] =	ssyncadd.s32 $0xFFFFC180  }
0xd6: {  	[spmem:s2] =	stream.indirect.scatter.add.f32 [tilespmem:s21], [sflag:$0x3], $0x80, s10, s18, $0xb8;
	[tilespmem:$0x1C080] =	vst v63  }
0xd7: {  	_ =	swait.ge [sflag:s16], $0x3E80  }
0xd8: {  	s24 =	smov.u32 s25;
	[sflag:s16] =	ssyncset.done $0x0  }
0xd9: {  	s5 =	sadd.s32 s12, s14;
	[sflag:s16] =	ssyncadd.s32 $0xFFFFC180  }
0xda: {  	[tilespmem:s3], [sflag:$0x3] =	stream.linear.gather [hbm4b:s5+s3], $0x400, $0x38;
	[tilespmem:$0x1C080] =	vst v63  }
0xdb: {  	_ =	swait.ge [sflag:s16], $0x400  }
0xdc: {  	[sflag:s16] =	ssyncset.done $0x0  }
0xdd: {  	s12 =	sadd.s32 s12, s13;
	[sflag:s16] =	ssyncadd.s32 $0xFFFFFC00  }
0xde: {  	[tilespmem:s17], [sflag:$0x3] =	stream.linear.gather [hbm4b:s12+s3], $0x400, $0x38;
	[tilespmem:$0x1C080] =	vst v63  }
0xdf: {  	_ =	swait.ge [sflag:s16], $0x400  }
0xe0: {  	[sflag:s16] =	ssyncset.done $0x0  }
0xe1: {  	[sflag:s16] =	ssyncadd.s32 $0xFFFFFC00  }
0xe2: {  	[tilespmem:s15], [sflag:$0x1] =	stream.indirect.gather [hbm4b:s4+s18], $0x80, s3, s18, $0xb8;
	[tilespmem:$0x1C080] =	vst v63  }
0xe3: {  	_ =	swait.ge [sflag:s19], $0x3E80  }
0xe4: {  	[sflag:s19] =	ssyncset.done $0x0  }
0xe5: {  	[sflag:s19] =	ssyncadd.s32 $0xFFFFC180  }
0xe6: {  	[tilespmem:s21], [sflag:$0x2] =	stream.indirect.gather [hbm4b:s4+s18], $0x80, s20, s18, $0xb8;
	[tilespmem:$0x1C080] =	vst v63  }
0xe7: {  	_ = 	snop  }
0xe8: {  	[spmem:s2] =	stream.indirect.scatter.add.f32 [tilespmem:s15], [sflag:$0x3], $0x80, s17, s18, $0xb8;
	[tilespmem:$0x1C080] =	vst v63  }
0xe9: {  	_ =	swait.ge [sflag:s16], $0x3E80  }
0xea: {  	[sflag:s16] =	ssyncset.done $0x0  }
0xeb: {  	[sflag:s16] =	ssyncadd.s32 $0xFFFFC180  }
0xec: {  	_ =	swait.ge [sflag:s22], $0x3E80  }
0xed: {  	[sflag:s22] =	ssyncset.done $0x0  }
0xee: {  	[sflag:s22] =	ssyncadd.s32 $0xFFFFC180  }
0xef: {  	[tilespmem:s15], [sflag:$0x1] =	stream.indirect.gather [hbm4b:s4+s18], $0x80, s23, s18, $0xb8;
	[tilespmem:$0x1C080] =	vst v63  }
0xf0: {  	_ = 	snop  }
0xf1: {  	[spmem:s2] =	stream.indirect.scatter.add.f32 [tilespmem:s21], [sflag:$0x3], $0x80, s26, s18, $0xb8;
	[tilespmem:$0x1C080] =	vst v63  }
0xf2: {  	_ =	swait.ge [sflag:s16], $0x3E80  }
0xf3: {  	[sflag:s16] =	ssyncset.done $0x0  }
0xf4: {  	[sflag:s16] =	ssyncadd.s32 $0xFFFFC180  }
0xf5: {  	_ =	swait.ge [sflag:s19], $0x3E80  }
0xf6: {  	[sflag:s19] =	ssyncset.done $0x0  }
0xf7: {  	[sflag:s19] =	ssyncadd.s32 $0xFFFFC180  }
0xf8: {  	[tilespmem:s21], [sflag:$0x2] =	stream.indirect.gather [hbm4b:s4+s18], $0x80, s28, s18, $0xb8;
	[tilespmem:$0x1C080] =	vst v63  }
0xf9: {  	_ = 	snop  }
0xfa: {  	[spmem:s2] =	stream.indirect.scatter.add.f32 [tilespmem:s15], [sflag:$0x3], $0x80, s29, s18, $0xb8;
	[tilespmem:$0x1C080] =	vst v63  }
0xfb: {  	_ =	swait.ge [sflag:s16], $0x3E80  }
0xfc: {  	[sflag:s16] =	ssyncset.done $0x0  }
0xfd: {  	[sflag:s16] =	ssyncadd.s32 $0xFFFFC180  }
0xfe: {  	_ =	swait.ge [sflag:s22], $0x3E80  }
0xff: {  	[sflag:s22] =	ssyncset.done $0x0  }
0x100: {  	[sflag:s22] =	ssyncadd.s32 $0xFFFFC180  }
0x101: {  	[tilespmem:s15], [sflag:$0x1] =	stream.indirect.gather [hbm4b:s4+s18], $0x80, s30, s18, $0xb8;
	[tilespmem:$0x1C080] =	vst v63  }
0x102: {  	_ = 	snop  }
0x103: {  	[spmem:s2] =	stream.indirect.scatter.add.f32 [tilespmem:s21], [sflag:$0x3], $0x80, s31, s18, $0xb8;
	[tilespmem:$0x1C080] =	vst v63  }
0x104: {  	_ =	swait.ge [sflag:s16], $0x3E80  }
0x105: {  	[sflag:s16] =	ssyncset.done $0x0  }
0x106: {  	[sflag:s16] =	ssyncadd.s32 $0xFFFFC180  }
0x107: {  	_ =	swait.ge [sflag:s19], $0x3E80  }
0x108: {  	[sflag:s19] =	ssyncset.done $0x0  }
0x109: {  	[sflag:s19] =	ssyncadd.s32 $0xFFFFC180  }
0x10a: {  	[tilespmem:s21], [sflag:$0x2] =	stream.indirect.gather [hbm4b:s4+s18], $0x80, s0, s18, $0xb8;
	[tilespmem:$0x1C080] =	vst v63  }
0x10b: {  	_ = 	snop  }
0x10c: {  	[spmem:s2] =	stream.indirect.scatter.add.f32 [tilespmem:s15], [sflag:$0x3], $0x80, s1, s18, $0xb8;
	[tilespmem:$0x1C080] =	vst v63  }
0x10d: {  	_ =	swait.ge [sflag:s16], $0x3E80  }
0x10e: {  	[sflag:s16] =	ssyncset.done $0x0  }
0x10f: {  	[sflag:s16] =	ssyncadd.s32 $0xFFFFC180  }
0x110: {  	_ =	swait.ge [sflag:s22], $0x3E80  }
0x111: {  	[sflag:s22] =	ssyncset.done $0x0  }
0x112: {  	[sflag:s22] =	ssyncadd.s32 $0xFFFFC180  }
0x113: {  	[tilespmem:s15], [sflag:$0x1] =	stream.indirect.gather [hbm4b:s4+s18], $0x80, s6, s18, $0xb8;
	[tilespmem:$0x1C080] =	vst v63  }
0x114: {  	_ = 	snop  }
0x115: {  	[spmem:s2] =	stream.indirect.scatter.add.f32 [tilespmem:s21], [sflag:$0x3], $0x80, s7, s18, $0xb8;
	[tilespmem:$0x1C080] =	vst v63  }
0x116: {  	_ =	swait.ge [sflag:s16], $0x3E80  }
0x117: {  	[sflag:s16] =	ssyncset.done $0x0  }
0x118: {  	[sflag:s16] =	ssyncadd.s32 $0xFFFFC180  }
0x119: {  	_ =	swait.ge [sflag:s19], $0x3E80  }
0x11a: {  	[sflag:s19] =	ssyncset.done $0x0  }
0x11b: {  	[sflag:s19] =	ssyncadd.s32 $0xFFFFC180  }
0x11c: {  	[tilespmem:s21], [sflag:$0x2] =	stream.indirect.gather [hbm4b:s4+s18], $0x80, s8, s18, $0xb8;
	[tilespmem:$0x1C080] =	vst v63  }
0x11d: {  	_ = 	snop  }
0x11e: {  	[spmem:s2] =	stream.indirect.scatter.add.f32 [tilespmem:s15], [sflag:$0x3], $0x80, s9, s18, $0xb8;
	[tilespmem:$0x1C080] =	vst v63  }
0x11f: {  	_ =	swait.ge [sflag:s16], $0x3E80  }
0x120: {  	[sflag:s16] =	ssyncset.done $0x0  }
0x121: {  	[sflag:s16] =	ssyncadd.s32 $0xFFFFC180  }
0x122: {  	_ =	swait.ge [sflag:s22], $0x3E80  }
0x123: {  	[sflag:s22] =	ssyncset.done $0x0  }
0x124: {  	[sflag:s22] =	ssyncadd.s32 $0xFFFFC180  }
0x125: {  	[spmem:s2] =	stream.indirect.scatter.add.f32 [tilespmem:s21], [sflag:$0x3], $0x80, s10, s18, $0xb8;
	[tilespmem:$0x1C080] =	vst v63  }
0x126: {  	_ =	swait.ge [sflag:s16], $0x3E80  }
0x127: {  	[sflag:s16] =	ssyncset.done $0x0  }
0x128: {  	[sflag:s16] =	ssyncadd.s32 $0xFFFFC180  }
0x129: {  	[bflag:$0x0] =	sbarrier.arrive $0xFFFF  }
0x12a: {  	s11 =	rddreg [dreg:$0x9]  }
0x12b: {  	s5 =	simm.s32 @p0 $0x1FC3;
	s12 =	rddreg [dreg:$0xb]  }
0x12c: {  	[hbm:s11], [sflag:s5] =	dma.local @p0 [spmem:s12], $0x2080  }
0x12d: {  	s5 =	simm.s32 @p0 $0x3  }
0x12e: {  	s11 =	stileid.u32;
	_ =	swait.ge @p0 [sflag:s5], $0x2080  }
0x12f: {  	s11 =	sshll.u32 @!p0 s11, $0x6;
	[sflag:s5] =	ssyncset.done @p0 $0x0;
	s12 =	rddreg [dreg:$0xc]  }
0x130: {  	[sflag:s5] =	ssyncadd.s32 @p0 $0xFFFFDF80;
	s5 =	sor.u32 @!p0 $0x1C03, s11;
	s11 =	rddreg [dreg:$0x8]  }
0x131: {  	[hbm:s11], [sflag:s5] =	dma.local @!p0 [spmem:s12], $0x2780  }
0x132: {  	s5 =	simm.s32 @!p0 $0x3  }
0x133: {  	_ =	swait.ge @!p0 [sflag:s5], $0x2780  }
0x134: {  	s24 =	rddreg [dreg:$0xd]  }
0x135: {  	s25 =	rddreg [dreg:$0xa];
	s12 =	sadd.s32 $0x1, s24  }
0x136: {  	p1 =	sne.s32 s12, s25  }
.Ltmp2:
0x137: {  	_ = 	snop;
	(pc) =	sbr.rel @p1 .LBB2_1-.Ltmp2, $3  }
0x138: {  	_ =	sdelay $0x1  }
0x139: {  	[sflag:s5] =	ssyncset.done @!p0 $0x0  }
0x13a: {  	[sflag:s5] =	ssyncadd.s32 @!p0 $0xFFFFD880  }
0x13b: {  	_ =	sfence.sel $0x180000  }
0x13c: {  	[bflag:$0x0] =	sbarrier.arrive $0xFFFF  }
0x13d: {  	_ =	strace $0x90000047  }
0x13e: {  	s0 =	stileid.u32;
	[bflag:$0x2] =	sbarrier.arrive $0xFFFF  }
0x13f: {  	p0 =	sne.s32 s0, $0x0;
	s0 =	rddreg [dreg:$0x2]  }
0x140: {  	s0 =	sadd.s32 @!p0 $0x100000, s0  }
0x141: {  	[sflag:s0] =	ssyncadd.tile.s32 @!p0 $0x1;
	_ =	shalt  }
.Lfunc_end2:
_tile_overlayer_lowered:
.L_overlay_start_2:
0x142: {  	(tag) =	ssettag $0x2  }
0x143: {  	s0 =	rddreg [dreg:$0x0];
	s2 =	stileid.u32  }
0x144: {  	s1 =	rddreg [dreg:$0x1];
	p0 =	sne.s32 s2, $0x0  }
0x145: {  	s3 =	rddreg [dreg:$0x2];
	[bflag:$0x3] =	sbarrier.arrive $0xFFFF;
	s2 =	simm.s32 @!p0 $0x1C03  }
0x146: {  	[timem:s3], [sflag:s2] =	dma.local @!p0 [hbm:s0], s1  }
0x147: {  	s0 =	simm.s32 @!p0 $0x3  }
0x148: {  	_ =	swait.ge @!p0 [sflag:s0], s1  }
0x149: {  	s1 =	ssub.s32 @!p0 $0x0, s1;
	[sflag:s0] =	ssyncset.done @!p0 $0x0  }
0x14a: {  	[sflag:s0] =	ssyncadd.s32 @!p0 s1  }
0x14b: {  	[bflag:$0x3] =	sbarrier.arrive $0xFFFF  }
0x14c: {  	_ =	shalt  }

</sc_bundles>
